<compile_context>
chip_gen: v7x
topology: tpu7x:2x2x1
jax: 0.10.2.dev20260603
libtpu: 0.0.44.dev20260713+nightly
codegen_flags: <defaults>
</compile_context>

<pallas_src>
import jax
import jax.numpy as jnp
from jax import lax
from jax.experimental import pallas as pl
from jax.experimental.pallas import tpu as pltpu
from jax.experimental.pallas import tpu_sc as plsc

NUM_HEADS = 8
D_IN = 128
GREP = 128
HEAD_DIM = GREP // NUM_HEADS
NUM_SEGMENTS = 512
N_PAD = 102400
TC_BLK = 4096
SC_CHUNK = 128
CHUNKS_PER_TILE = N_PAD // 32 // SC_CHUNK
SEGS_PER_TILE = NUM_SEGMENTS // 16


def _leaky(x):
    return jnp.maximum(x, 0.01 * x)


def _mlp_body(nb, n_valid):
    def body(x_ref, b_ref, ws1, bs1, ws2, bs2, ws3e, bs3e,
             wt1, bt1, wt2, bt2, wt3, bt3, sel, vals_ref, den_ref):
        i = pl.program_id(0)

        @pl.when(i == 0)
        def _init():
            den_ref[:] = jnp.zeros_like(den_ref)

        x = x_ref[:]
        h = _leaky(jnp.dot(x, ws1[:], preferred_element_type=jnp.float32) + bs1[:])
        h = _leaky(jnp.dot(h, ws2[:], preferred_element_type=jnp.float32) + bs2[:])
        s = jnp.dot(h, ws3e[:], preferred_element_type=jnp.float32) + bs3e[:]

        t = _leaky(jnp.dot(x, wt1[:], preferred_element_type=jnp.float32) + bt1[:])
        t = _leaky(jnp.dot(t, wt2[:], preferred_element_type=jnp.float32) + bt2[:])
        r = _leaky(jnp.dot(t, wt3[:], preferred_element_type=jnp.float32) + bt3[:])

        ex = jnp.exp(s)
        row = (i * TC_BLK
               + jax.lax.broadcasted_iota(jnp.int32, (TC_BLK, 1), 0))
        valid = (row < n_valid).astype(jnp.float32)
        vals_ref[:] = ex * r * valid

        seg = b_ref[0, 0, :]
        onehot_t = (jax.lax.broadcasted_iota(jnp.int32, (NUM_SEGMENTS, TC_BLK), 0)
                    == seg[None, :]).astype(jnp.float32)
        ex8 = jnp.dot(ex * valid, sel[:], preferred_element_type=jnp.float32)
        den_ref[:] += jnp.dot(onehot_t, ex8, preferred_element_type=jnp.float32)

    return body


def _sc_scatter(vals, batch2d, zrows, out, vbuf, idx, acc):
    c = lax.axis_index("c")
    s = lax.axis_index("s")
    seg0 = s * SEGS_PER_TILE
    pltpu.sync_copy(zrows.at[pl.ds(seg0, SEGS_PER_TILE)],
                    acc.at[pl.ds(seg0, SEGS_PER_TILE)])
    plsc.subcore_barrier()
    base_chunk = (c * 16 + s) * CHUNKS_PER_TILE
    for j in range(CHUNKS_PER_TILE):
        g = base_chunk + j
        pltpu.sync_copy(vals.at[pl.ds(g * SC_CHUNK, SC_CHUNK)], vbuf)
        pltpu.sync_copy(batch2d.at[g], idx)
        pltpu.sync_copy(vbuf, acc.at[idx], add=True)
    plsc.subcore_barrier()
    pltpu.sync_copy(acc.at[pl.ds(seg0, SEGS_PER_TILE)],
                    out.at[c, pl.ds(seg0, SEGS_PER_TILE)])


def _combine_body(p0_ref, p1_ref, den_ref, expand, out_ref):
    num = p0_ref[:] + p1_ref[:]
    dexp = jnp.dot(den_ref[:], expand[:], preferred_element_type=jnp.float32)
    out_ref[:] = num / jnp.maximum(dexp, 1e-30)


def kernel(x, batch, Ws1, bs1, Ws2, bs2, Ws3, bs3, Wt1, bt1, Wt2, bt2, Wt3, bt3):
    n = x.shape[0]
    f32 = jnp.float32
    xp = jnp.concatenate([x, jnp.zeros((N_PAD - n, D_IN), f32)], axis=0)
    bp = jnp.concatenate([batch, jnp.zeros((N_PAD - n,), jnp.int32)], axis=0)
    nb = N_PAD // TC_BLK
    batch3 = bp.reshape(nb, 1, TC_BLK)
    batch2d = bp.reshape(N_PAD // SC_CHUNK, SC_CHUNK)

    ws3e = jnp.repeat(Ws3, HEAD_DIM, axis=1)
    bs3e = jnp.repeat(bs3, HEAD_DIM).reshape(1, GREP)
    sel = (jnp.arange(GREP)[:, None] == HEAD_DIM * jnp.arange(NUM_HEADS)[None, :]
           ).astype(f32)
    expand = (jnp.arange(GREP)[None, :] // HEAD_DIM == jnp.arange(NUM_HEADS)[:, None]
              ).astype(f32)
    b2 = lambda a: a.reshape(1, -1)

    full = lambda shape: pl.BlockSpec(shape, lambda i: (0, 0))
    vals, den = pl.pallas_call(
        _mlp_body(nb, n),
        grid=(nb,),
        in_specs=[
            pl.BlockSpec((TC_BLK, D_IN), lambda i: (i, 0)),
            pl.BlockSpec((1, 1, TC_BLK), lambda i: (i, 0, 0)),
            full((D_IN, 128)), full((1, 128)),
            full((128, 128)), full((1, 128)),
            full((128, GREP)), full((1, GREP)),
            full((D_IN, 128)), full((1, 128)),
            full((128, 128)), full((1, 128)),
            full((128, GREP)), full((1, GREP)),
            full((GREP, NUM_HEADS)),
        ],
        out_specs=[
            pl.BlockSpec((TC_BLK, GREP), lambda i: (i, 0)),
            pl.BlockSpec((NUM_SEGMENTS, NUM_HEADS), lambda i: (0, 0)),
        ],
        out_shape=[
            jax.ShapeDtypeStruct((N_PAD, GREP), f32),
            jax.ShapeDtypeStruct((NUM_SEGMENTS, NUM_HEADS), f32),
        ],
        compiler_params=pltpu.CompilerParams(
            dimension_semantics=("arbitrary",)),
    )(xp, batch3, Ws1, b2(bs1), Ws2, b2(bs2), ws3e, bs3e,
      Wt1, b2(bt1), Wt2, b2(bt2), Wt3, b2(bt3), sel)

    zrows = jnp.zeros((NUM_SEGMENTS, GREP), f32)
    mesh = plsc.VectorSubcoreMesh(core_axis_name="c", subcore_axis_name="s")
    partials = pl.kernel(
        _sc_scatter,
        out_type=jax.ShapeDtypeStruct((2, NUM_SEGMENTS, GREP), f32),
        mesh=mesh,
        scratch_types=[
            pltpu.VMEM((SC_CHUNK, GREP), f32),
            pltpu.VMEM((SC_CHUNK,), jnp.int32),
            pltpu.VMEM_SHARED((NUM_SEGMENTS, GREP), f32),
        ],
    )(vals, batch2d, zrows)

    return pl.pallas_call(
        _combine_body,
        grid=(1,),
        in_specs=[
            pl.BlockSpec((NUM_SEGMENTS, GREP), lambda i: (0, 0)),
            pl.BlockSpec((NUM_SEGMENTS, GREP), lambda i: (0, 0)),
            pl.BlockSpec((NUM_SEGMENTS, NUM_HEADS), lambda i: (0, 0)),
            full((NUM_HEADS, GREP)),
        ],
        out_specs=pl.BlockSpec((NUM_SEGMENTS, GREP), lambda i: (0, 0)),
        out_shape=jax.ShapeDtypeStruct((NUM_SEGMENTS, GREP), f32),
    )(partials[0], partials[1], den, expand)

# --- scband reference (transcript-rebuilt; emitter-appended) ---
"""Pipeline reference for scband-weighted-sum-graph-representation-51084341019407 (READ-ONLY COPY).

The authoritative reference and input builder live on the scoring server;
editing this copy changes nothing except your own understanding.
"""

import jax, jax.numpy as jnp
import numpy as np

NUM_HEADS = 8
D_IN = 128
GREP = 128
HEAD_DIM = GREP // NUM_HEADS
NUM_SEGMENTS = 512
N_NODES = 100000


def leaky_relu(x):
    return jnp.where(x >= 0, x, 0.01 * x)


def mlp(x, W1, b1, W2, b2, W3, b3):
    h = leaky_relu(x @ W1 + b1)
    h = leaky_relu(h @ W2 + b2)
    return h @ W3 + b3


def unsorted_segment_softmax(logits, segment_ids, num_segments):
    seg_max = jax.ops.segment_max(logits, segment_ids, num_segments=num_segments)
    ex = jnp.exp(logits - seg_max[segment_ids])
    denom = jax.ops.segment_sum(ex, segment_ids, num_segments=num_segments)
    return ex / denom[segment_ids]


def _linear_init(key, fan_in, fan_out):
    k1, k2 = jax.random.split(key)
    s = 1.0 / np.sqrt(fan_in)
    W = jax.random.uniform(k1, (fan_in, fan_out), minval=-s, maxval=s, dtype=jnp.float32)
    b = jax.random.uniform(k2, (fan_out,), minval=-s, maxval=s, dtype=jnp.float32)
    return W, b


def setup_inputs(seed: int = 0):
    key = jax.random.key(seed)
    ks = jax.random.split(key, 10)
    x = jax.random.normal(ks[0], (N_NODES, D_IN), dtype=jnp.float32)
    batch = jnp.sort(jax.random.randint(ks[1], (N_NODES,), 0, NUM_SEGMENTS, dtype=jnp.int32))
    Ws1, bs1 = _linear_init(ks[2], D_IN, 128)
    Ws2, bs2 = _linear_init(ks[3], 128, 128)
    Ws3, bs3 = _linear_init(ks[4], 128, NUM_HEADS)
    Wt1, bt1 = _linear_init(ks[5], D_IN, 128)
    Wt2, bt2 = _linear_init(ks[6], 128, 128)
    Wt3, bt3 = _linear_init(ks[7], 128, GREP)
    return {"x": x, "batch": batch,
            "Ws1": Ws1, "bs1": bs1, "Ws2": Ws2, "bs2": bs2, "Ws3": Ws3, "bs3": bs3,
            "Wt1": Wt1, "bt1": bt1, "Wt2": Wt2, "bt2": bt2, "Wt3": Wt3, "bt3": bt3}


def reference(x, batch, Ws1, bs1, Ws2, bs2, Ws3, bs3, Wt1, bt1, Wt2, bt2, Wt3, bt3):
    scores = mlp(x, Ws1, bs1, Ws2, bs2, Ws3, bs3)  # [N, H]
    weights_per_head = []
    for head_idx in range(NUM_HEADS):
        head_scores = scores[:, head_idx]
        head_weights = unsorted_segment_softmax(head_scores, batch, NUM_SEGMENTS)
        weights_per_head.append(head_weights)
    weights = jnp.stack(weights_per_head, axis=-1)  # [N, H]
    node_reprs = leaky_relu(mlp(x, Wt1, bt1, Wt2, bt2, Wt3, bt3))  # [N, GREP]
    node_reprs = node_reprs.reshape(-1, NUM_HEADS, HEAD_DIM)
    weighted = weights[..., None] * node_reprs  # [N, H, head_dim]
    weighted = weighted.reshape(-1, GREP)
    graph_reprs = jax.ops.segment_sum(weighted, batch, num_segments=NUM_SEGMENTS)
    return graph_reprs

if __name__ == "__main__":
    import jax
    _d = setup_inputs()
    print(jax.jit(kernel)(*tuple(_d.values())))

</pallas_src>

<mosaic_0001>
#map = affine_map<(d0, d1) -> (0, 0)>
#map1 = affine_map<(d0, d1) -> (0, 0, 0)>
module attributes {stable_mosaic.version = 14 : i64} {
  func.func @_sc_scatter(%arg0: i32, %arg1: i32, %arg2: memref<102400x128xf32, #tpu.memory_space<hbm>>, %arg3: memref<800x128xi32, #tpu.memory_space<hbm>>, %arg4: memref<512x128xf32, #tpu.memory_space<hbm>>, %arg5: memref<2x512x128xf32, #tpu.memory_space<hbm>>, %arg6: memref<128x128xf32, #tpu.memory_space<vmem>>, %arg7: memref<128xi32, #tpu.memory_space<vmem>>, %arg8: memref<512x128xf32, #tpu.memory_space<vmem_shared>>) attributes {dimension_semantics = [#tpu.dimension_semantics<core_parallel>, #tpu.dimension_semantics<subcore_parallel>], iteration_bounds = array<i64: 2, 16>, scalar_prefetch = 0 : i64, scratch_operands = 3 : i64, tpu.core_type = #tpu.core_type<sc_vector_subcore>, window_params = [{transform_indices = #map}, {transform_indices = #map}, {transform_indices = #map}, {transform_indices = #map1}]} {
    %mul3A = arith.constant 32 : i32
    %mul3A_0 = arith.muli %arg1, %mul3A : i32
    "tpu.region"() ({
      %run_scoped3A = tpu.sem_alloc : memref<!tpu.dma_semaphore, #tpu.memory_space<semaphore_mem>>
      %dma_start3A = arith.constant 0 : i32
      %dma_start3A_106 = tpu.memref_slice %arg8[%mul3A_0, %dma_start3A] : memref<512x128xf32, #tpu.memory_space<vmem_shared>> -> memref<32x128xf32, #tpu.memory_space<vmem_shared>>
      %dma_start3A_107 = arith.constant 0 : i32
      %dma_start3A_108 = tpu.memref_slice %arg4[%mul3A_0, %dma_start3A_107] : memref<512x128xf32, #tpu.memory_space<hbm>> -> memref<32x128xf32, #tpu.memory_space<hbm>>
      tpu.enqueue_dma source(%dma_start3A_108 : memref<32x128xf32, #tpu.memory_space<hbm>>) target(%dma_start3A_106 : memref<32x128xf32, #tpu.memory_space<vmem_shared>>) target_semaphore(%run_scoped3A : memref<!tpu.dma_semaphore, #tpu.memory_space<semaphore_mem>>)
      %dma_wait3A = arith.constant 0 : i32
      %dma_wait3A_109 = tpu.memref_slice %arg8[%mul3A_0, %dma_wait3A] : memref<512x128xf32, #tpu.memory_space<vmem_shared>> -> memref<32x128xf32, #tpu.memory_space<vmem_shared>>
      %dma_wait3A_110 = arith.constant 0 : i32
      %dma_wait3A_111 = tpu.memref_slice %arg4[%mul3A_0, %dma_wait3A_110] : memref<512x128xf32, #tpu.memory_space<hbm>> -> memref<32x128xf32, #tpu.memory_space<hbm>>
      tpu.wait_dma2 semaphore(%run_scoped3A : memref<!tpu.dma_semaphore, #tpu.memory_space<semaphore_mem>>) src(%dma_wait3A_111 : memref<32x128xf32, #tpu.memory_space<hbm>>) dst(%dma_wait3A_109 : memref<32x128xf32, #tpu.memory_space<vmem_shared>>)
      tpu.yield
    }) : () -> ()
    %barrier3A = arith.constant 0 : index
    tpu.barrier barrier_id(%barrier3A)
    %mul3A_1 = arith.constant 16 : i32
    %mul3A_2 = arith.muli %arg0, %mul3A_1 : i32
    %add3A = arith.addi %mul3A_2, %arg1 : i32
    %mul3A_3 = arith.constant 25 : i32
    %mul3A_4 = arith.muli %add3A, %mul3A_3 : i32
    %add3A_5 = arith.constant 0 : i32
    %add3A_6 = arith.addi %mul3A_4, %add3A_5 : i32
    %mul3A_7 = arith.constant 128 : i32
    %mul3A_8 = arith.muli %add3A_6, %mul3A_7 : i32
    "tpu.region"() ({
      %run_scoped3A = tpu.sem_alloc : memref<!tpu.dma_semaphore, #tpu.memory_space<semaphore_mem>>
      %dma_start3A = arith.constant 0 : i32
      %dma_start3A_106 = tpu.memref_slice %arg2[%mul3A_8, %dma_start3A] : memref<102400x128xf32, #tpu.memory_space<hbm>> -> memref<128x128xf32, #tpu.memory_space<hbm>>
      %dma_start3A_107 = arith.constant 0 : i32
      %dma_start3A_108 = tpu.memref_slice %arg2[%mul3A_8, %dma_start3A_107] : memref<102400x128xf32, #tpu.memory_space<hbm>> -> memref<128x128xf32, #tpu.memory_space<hbm>>
      tpu.enqueue_dma source(%dma_start3A_108 : memref<128x128xf32, #tpu.memory_space<hbm>>) target(%arg6 : memref<128x128xf32, #tpu.memory_space<vmem>>) target_semaphore(%run_scoped3A : memref<!tpu.dma_semaphore, #tpu.memory_space<semaphore_mem>>)
      %dma_wait3A = arith.constant 0 : i32
      %dma_wait3A_109 = tpu.memref_slice %arg2[%mul3A_8, %dma_wait3A] : memref<102400x128xf32, #tpu.memory_space<hbm>> -> memref<128x128xf32, #tpu.memory_space<hbm>>
      %dma_wait3A_110 = arith.constant 0 : i32
      %dma_wait3A_111 = tpu.memref_slice %arg2[%mul3A_8, %dma_wait3A_110] : memref<102400x128xf32, #tpu.memory_space<hbm>> -> memref<128x128xf32, #tpu.memory_space<hbm>>
      tpu.wait_dma2 semaphore(%run_scoped3A : memref<!tpu.dma_semaphore, #tpu.memory_space<semaphore_mem>>) src(%dma_wait3A_111 : memref<128x128xf32, #tpu.memory_space<hbm>>) dst(%arg6 : memref<128x128xf32, #tpu.memory_space<vmem>>)
      tpu.yield
    }) : () -> ()
    "tpu.region"() ({
      %run_scoped3A = tpu.sem_alloc : memref<!tpu.dma_semaphore, #tpu.memory_space<semaphore_mem>>
      %dma_start3A = arith.constant 0 : i32
      %dma_start3A_106 = tpu.memref_slice %arg3[%add3A_6, %dma_start3A] : memref<800x128xi32, #tpu.memory_space<hbm>> -> memref<1x128xi32, #tpu.memory_space<hbm>>
      %dma_start3A_107 = tpu.memref_squeeze %dma_start3A_106 : memref<1x128xi32, #tpu.memory_space<hbm>> -> memref<128xi32, #tpu.memory_space<hbm>>
      %dma_start3A_108 = arith.constant 0 : i32
      %dma_start3A_109 = tpu.memref_slice %arg3[%add3A_6, %dma_start3A_108] : memref<800x128xi32, #tpu.memory_space<hbm>> -> memref<1x128xi32, #tpu.memory_space<hbm>>
      %dma_start3A_110 = tpu.memref_squeeze %dma_start3A_109 : memref<1x128xi32, #tpu.memory_space<hbm>> -> memref<128xi32, #tpu.memory_space<hbm>>
      tpu.enqueue_dma source(%dma_start3A_110 : memref<128xi32, #tpu.memory_space<hbm>>) target(%arg7 : memref<128xi32, #tpu.memory_space<vmem>>) target_semaphore(%run_scoped3A : memref<!tpu.dma_semaphore, #tpu.memory_space<semaphore_mem>>)
      %dma_wait3A = arith.constant 0 : i32
      %dma_wait3A_111 = tpu.memref_slice %arg3[%add3A_6, %dma_wait3A] : memref<800x128xi32, #tpu.memory_space<hbm>> -> memref<1x128xi32, #tpu.memory_space<hbm>>
      %dma_wait3A_112 = tpu.memref_squeeze %dma_wait3A_111 : memref<1x128xi32, #tpu.memory_space<hbm>> -> memref<128xi32, #tpu.memory_space<hbm>>
      %dma_wait3A_113 = arith.constant 0 : i32
      %dma_wait3A_114 = tpu.memref_slice %arg3[%add3A_6, %dma_wait3A_113] : memref<800x128xi32, #tpu.memory_space<hbm>> -> memref<1x128xi32, #tpu.memory_space<hbm>>
      %dma_wait3A_115 = tpu.memref_squeeze %dma_wait3A_114 : memref<1x128xi32, #tpu.memory_space<hbm>> -> memref<128xi32, #tpu.memory_space<hbm>>
      tpu.wait_dma2 semaphore(%run_scoped3A : memref<!tpu.dma_semaphore, #tpu.memory_space<semaphore_mem>>) src(%dma_wait3A_115 : memref<128xi32, #tpu.memory_space<hbm>>) dst(%arg7 : memref<128xi32, #tpu.memory_space<vmem>>)
      tpu.yield
    }) : () -> ()
    "tpu.region"() ({
      %run_scoped3A = tpu.sem_alloc : memref<!tpu.dma_semaphore, #tpu.memory_space<semaphore_mem>>
      %dma_start3A = arith.constant 0 : i32
      %dma_start3A_106 = arith.constant 0 : i32
      %dma_start3A_107 = tpu.memref_slice %arg8[%dma_start3A, %dma_start3A_106] : memref<512x128xf32, #tpu.memory_space<vmem_shared>> -> memref<512x128xf32, #tpu.memory_space<vmem_shared>>
      tpu.enqueue_indirect_dma source(%arg6 : memref<128x128xf32, #tpu.memory_space<vmem>>) target(%dma_start3A_107 : memref<512x128xf32, #tpu.memory_space<vmem_shared>>) offsets(%arg7 : memref<128xi32, #tpu.memory_space<vmem>>) semaphore(%run_scoped3A : memref<!tpu.dma_semaphore, #tpu.memory_space<semaphore_mem>>) {add = true}
      %dma_wait3A = arith.constant 0 : i32
      %dma_wait3A_108 = arith.constant 0 : i32
      %dma_wait3A_109 = tpu.memref_slice %arg8[%dma_wait3A, %dma_wait3A_108] : memref<512x128xf32, #tpu.memory_space<vmem_shared>> -> memref<512x128xf32, #tpu.memory_space<vmem_shared>>
      tpu.wait_indirect_dma semaphore(%run_scoped3A : memref<!tpu.dma_semaphore, #tpu.memory_space<semaphore_mem>>) src(%arg6 : memref<128x128xf32, #tpu.memory_space<vmem>>) dst(%dma_wait3A_109 : memref<512x128xf32, #tpu.memory_space<vmem_shared>>)
      tpu.yield
    }) : () -> ()
    %add3A_9 = arith.constant 1 : i32
    %add3A_10 = arith.addi %mul3A_4, %add3A_9 : i32
    %mul3A_11 = arith.constant 128 : i32
    %mul3A_12 = arith.muli %add3A_10, %mul3A_11 : i32
    "tpu.region"() ({
      %run_scoped3A = tpu.sem_alloc : memref<!tpu.dma_semaphore, #tpu.memory_space<semaphore_mem>>
      %dma_start3A = arith.constant 0 : i32
      %dma_start3A_106 = tpu.memref_slice %arg2[%mul3A_12, %dma_start3A] : memref<102400x128xf32, #tpu.memory_space<hbm>> -> memref<128x128xf32, #tpu.memory_space<hbm>>
      %dma_start3A_107 = arith.constant 0 : i32
      %dma_start3A_108 = tpu.memref_slice %arg2[%mul3A_12, %dma_start3A_107] : memref<102400x128xf32, #tpu.memory_space<hbm>> -> memref<128x128xf32, #tpu.memory_space<hbm>>
      tpu.enqueue_dma source(%dma_start3A_108 : memref<128x128xf32, #tpu.memory_space<hbm>>) target(%arg6 : memref<128x128xf32, #tpu.memory_space<vmem>>) target_semaphore(%run_scoped3A : memref<!tpu.dma_semaphore, #tpu.memory_space<semaphore_mem>>)
      %dma_wait3A = arith.constant 0 : i32
      %dma_wait3A_109 = tpu.memref_slice %arg2[%mul3A_12, %dma_wait3A] : memref<102400x128xf32, #tpu.memory_space<hbm>> -> memref<128x128xf32, #tpu.memory_space<hbm>>
      %dma_wait3A_110 = arith.constant 0 : i32
      %dma_wait3A_111 = tpu.memref_slice %arg2[%mul3A_12, %dma_wait3A_110] : memref<102400x128xf32, #tpu.memory_space<hbm>> -> memref<128x128xf32, #tpu.memory_space<hbm>>
      tpu.wait_dma2 semaphore(%run_scoped3A : memref<!tpu.dma_semaphore, #tpu.memory_space<semaphore_mem>>) src(%dma_wait3A_111 : memref<128x128xf32, #tpu.memory_space<hbm>>) dst(%arg6 : memref<128x128xf32, #tpu.memory_space<vmem>>)
      tpu.yield
    }) : () -> ()
    "tpu.region"() ({
      %run_scoped3A = tpu.sem_alloc : memref<!tpu.dma_semaphore, #tpu.memory_space<semaphore_mem>>
      %dma_start3A = arith.constant 0 : i32
      %dma_start3A_106 = tpu.memref_slice %arg3[%add3A_10, %dma_start3A] : memref<800x128xi32, #tpu.memory_space<hbm>> -> memref<1x128xi32, #tpu.memory_space<hbm>>
      %dma_start3A_107 = tpu.memref_squeeze %dma_start3A_106 : memref<1x128xi32, #tpu.memory_space<hbm>> -> memref<128xi32, #tpu.memory_space<hbm>>
      %dma_start3A_108 = arith.constant 0 : i32
      %dma_start3A_109 = tpu.memref_slice %arg3[%add3A_10, %dma_start3A_108] : memref<800x128xi32, #tpu.memory_space<hbm>> -> memref<1x128xi32, #tpu.memory_space<hbm>>
      %dma_start3A_110 = tpu.memref_squeeze %dma_start3A_109 : memref<1x128xi32, #tpu.memory_space<hbm>> -> memref<128xi32, #tpu.memory_space<hbm>>
      tpu.enqueue_dma source(%dma_start3A_110 : memref<128xi32, #tpu.memory_space<hbm>>) target(%arg7 : memref<128xi32, #tpu.memory_space<vmem>>) target_semaphore(%run_scoped3A : memref<!tpu.dma_semaphore, #tpu.memory_space<semaphore_mem>>)
      %dma_wait3A = arith.constant 0 : i32
      %dma_wait3A_111 = tpu.memref_slice %arg3[%add3A_10, %dma_wait3A] : memref<800x128xi32, #tpu.memory_space<hbm>> -> memref<1x128xi32, #tpu.memory_space<hbm>>
      %dma_wait3A_112 = tpu.memref_squeeze %dma_wait3A_111 : memref<1x128xi32, #tpu.memory_space<hbm>> -> memref<128xi32, #tpu.memory_space<hbm>>
      %dma_wait3A_113 = arith.constant 0 : i32
      %dma_wait3A_114 = tpu.memref_slice %arg3[%add3A_10, %dma_wait3A_113] : memref<800x128xi32, #tpu.memory_space<hbm>> -> memref<1x128xi32, #tpu.memory_space<hbm>>
      %dma_wait3A_115 = tpu.memref_squeeze %dma_wait3A_114 : memref<1x128xi32, #tpu.memory_space<hbm>> -> memref<128xi32, #tpu.memory_space<hbm>>
      tpu.wait_dma2 semaphore(%run_scoped3A : memref<!tpu.dma_semaphore, #tpu.memory_space<semaphore_mem>>) src(%dma_wait3A_115 : memref<128xi32, #tpu.memory_space<hbm>>) dst(%arg7 : memref<128xi32, #tpu.memory_space<vmem>>)
      tpu.yield
    }) : () -> ()
    "tpu.region"() ({
      %run_scoped3A = tpu.sem_alloc : memref<!tpu.dma_semaphore, #tpu.memory_space<semaphore_mem>>
      %dma_start3A = arith.constant 0 : i32
      %dma_start3A_106 = arith.constant 0 : i32
      %dma_start3A_107 = tpu.memref_slice %arg8[%dma_start3A, %dma_start3A_106] : memref<512x128xf32, #tpu.memory_space<vmem_shared>> -> memref<512x128xf32, #tpu.memory_space<vmem_shared>>
      tpu.enqueue_indirect_dma source(%arg6 : memref<128x128xf32, #tpu.memory_space<vmem>>) target(%dma_start3A_107 : memref<512x128xf32, #tpu.memory_space<vmem_shared>>) offsets(%arg7 : memref<128xi32, #tpu.memory_space<vmem>>) semaphore(%run_scoped3A : memref<!tpu.dma_semaphore, #tpu.memory_space<semaphore_mem>>) {add = true}
      %dma_wait3A = arith.constant 0 : i32
      %dma_wait3A_108 = arith.constant 0 : i32
      %dma_wait3A_109 = tpu.memref_slice %arg8[%dma_wait3A, %dma_wait3A_108] : memref<512x128xf32, #tpu.memory_space<vmem_shared>> -> memref<512x128xf32, #tpu.memory_space<vmem_shared>>
      tpu.wait_indirect_dma semaphore(%run_scoped3A : memref<!tpu.dma_semaphore, #tpu.memory_space<semaphore_mem>>) src(%arg6 : memref<128x128xf32, #tpu.memory_space<vmem>>) dst(%dma_wait3A_109 : memref<512x128xf32, #tpu.memory_space<vmem_shared>>)
      tpu.yield
    }) : () -> ()
    %add3A_13 = arith.constant 2 : i32
    %add3A_14 = arith.addi %mul3A_4, %add3A_13 : i32
    %mul3A_15 = arith.constant 128 : i32
    %mul3A_16 = arith.muli %add3A_14, %mul3A_15 : i32
    "tpu.region"() ({
      %run_scoped3A = tpu.sem_alloc : memref<!tpu.dma_semaphore, #tpu.memory_space<semaphore_mem>>
      %dma_start3A = arith.constant 0 : i32
      %dma_start3A_106 = tpu.memref_slice %arg2[%mul3A_16, %dma_start3A] : memref<102400x128xf32, #tpu.memory_space<hbm>> -> memref<128x128xf32, #tpu.memory_space<hbm>>
      %dma_start3A_107 = arith.constant 0 : i32
      %dma_start3A_108 = tpu.memref_slice %arg2[%mul3A_16, %dma_start3A_107] : memref<102400x128xf32, #tpu.memory_space<hbm>> -> memref<128x128xf32, #tpu.memory_space<hbm>>
      tpu.enqueue_dma source(%dma_start3A_108 : memref<128x128xf32, #tpu.memory_space<hbm>>) target(%arg6 : memref<128x128xf32, #tpu.memory_space<vmem>>) target_semaphore(%run_scoped3A : memref<!tpu.dma_semaphore, #tpu.memory_space<semaphore_mem>>)
      %dma_wait3A = arith.constant 0 : i32
      %dma_wait3A_109 = tpu.memref_slice %arg2[%mul3A_16, %dma_wait3A] : memref<102400x128xf32, #tpu.memory_space<hbm>> -> memref<128x128xf32, #tpu.memory_space<hbm>>
      %dma_wait3A_110 = arith.constant 0 : i32
      %dma_wait3A_111 = tpu.memref_slice %arg2[%mul3A_16, %dma_wait3A_110] : memref<102400x128xf32, #tpu.memory_space<hbm>> -> memref<128x128xf32, #tpu.memory_space<hbm>>
      tpu.wait_dma2 semaphore(%run_scoped3A : memref<!tpu.dma_semaphore, #tpu.memory_space<semaphore_mem>>) src(%dma_wait3A_111 : memref<128x128xf32, #tpu.memory_space<hbm>>) dst(%arg6 : memref<128x128xf32, #tpu.memory_space<vmem>>)
      tpu.yield
    }) : () -> ()
    "tpu.region"() ({
      %run_scoped3A = tpu.sem_alloc : memref<!tpu.dma_semaphore, #tpu.memory_space<semaphore_mem>>
      %dma_start3A = arith.constant 0 : i32
      %dma_start3A_106 = tpu.memref_slice %arg3[%add3A_14, %dma_start3A] : memref<800x128xi32, #tpu.memory_space<hbm>> -> memref<1x128xi32, #tpu.memory_space<hbm>>
      %dma_start3A_107 = tpu.memref_squeeze %dma_start3A_106 : memref<1x128xi32, #tpu.memory_space<hbm>> -> memref<128xi32, #tpu.memory_space<hbm>>
      %dma_start3A_108 = arith.constant 0 : i32
      %dma_start3A_109 = tpu.memref_slice %arg3[%add3A_14, %dma_start3A_108] : memref<800x128xi32, #tpu.memory_space<hbm>> -> memref<1x128xi32, #tpu.memory_space<hbm>>
      %dma_start3A_110 = tpu.memref_squeeze %dma_start3A_109 : memref<1x128xi32, #tpu.memory_space<hbm>> -> memref<128xi32, #tpu.memory_space<hbm>>
      tpu.enqueue_dma source(%dma_start3A_110 : memref<128xi32, #tpu.memory_space<hbm>>) target(%arg7 : memref<128xi32, #tpu.memory_space<vmem>>) target_semaphore(%run_scoped3A : memref<!tpu.dma_semaphore, #tpu.memory_space<semaphore_mem>>)
      %dma_wait3A = arith.constant 0 : i32
      %dma_wait3A_111 = tpu.memref_slice %arg3[%add3A_14, %dma_wait3A] : memref<800x128xi32, #tpu.memory_space<hbm>> -> memref<1x128xi32, #tpu.memory_space<hbm>>
      %dma_wait3A_112 = tpu.memref_squeeze %dma_wait3A_111 : memref<1x128xi32, #tpu.memory_space<hbm>> -> memref<128xi32, #tpu.memory_space<hbm>>
      %dma_wait3A_113 = arith.constant 0 : i32
      %dma_wait3A_114 = tpu.memref_slice %arg3[%add3A_14, %dma_wait3A_113] : memref<800x128xi32, #tpu.memory_space<hbm>> -> memref<1x128xi32, #tpu.memory_space<hbm>>
      %dma_wait3A_115 = tpu.memref_squeeze %dma_wait3A_114 : memref<1x128xi32, #tpu.memory_space<hbm>> -> memref<128xi32, #tpu.memory_space<hbm>>
      tpu.wait_dma2 semaphore(%run_scoped3A : memref<!tpu.dma_semaphore, #tpu.memory_space<semaphore_mem>>) src(%dma_wait3A_115 : memref<128xi32, #tpu.memory_space<hbm>>) dst(%arg7 : memref<128xi32, #tpu.memory_space<vmem>>)
      tpu.yield
    }) : () -> ()
    "tpu.region"() ({
      %run_scoped3A = tpu.sem_alloc : memref<!tpu.dma_semaphore, #tpu.memory_space<semaphore_mem>>
      %dma_start3A = arith.constant 0 : i32
      %dma_start3A_106 = arith.constant 0 : i32
      %dma_start3A_107 = tpu.memref_slice %arg8[%dma_start3A, %dma_start3A_106] : memref<512x128xf32, #tpu.memory_space<vmem_shared>> -> memref<512x128xf32, #tpu.memory_space<vmem_shared>>
      tpu.enqueue_indirect_dma source(%arg6 : memref<128x128xf32, #tpu.memory_space<vmem>>) target(%dma_start3A_107 : memref<512x128xf32, #tpu.memory_space<vmem_shared>>) offsets(%arg7 : memref<128xi32, #tpu.memory_space<vmem>>) semaphore(%run_scoped3A : memref<!tpu.dma_semaphore, #tpu.memory_space<semaphore_mem>>) {add = true}
      %dma_wait3A = arith.constant 0 : i32
      %dma_wait3A_108 = arith.constant 0 : i32
      %dma_wait3A_109 = tpu.memref_slice %arg8[%dma_wait3A, %dma_wait3A_108] : memref<512x128xf32, #tpu.memory_space<vmem_shared>> -> memref<512x128xf32, #tpu.memory_space<vmem_shared>>
      tpu.wait_indirect_dma semaphore(%run_scoped3A : memref<!tpu.dma_semaphore, #tpu.memory_space<semaphore_mem>>) src(%arg6 : memref<128x128xf32, #tpu.memory_space<vmem>>) dst(%dma_wait3A_109 : memref<512x128xf32, #tpu.memory_space<vmem_shared>>)
      tpu.yield
    }) : () -> ()
    %add3A_17 = arith.constant 3 : i32
    %add3A_18 = arith.addi %mul3A_4, %add3A_17 : i32
    %mul3A_19 = arith.constant 128 : i32
    %mul3A_20 = arith.muli %add3A_18, %mul3A_19 : i32
    "tpu.region"() ({
      %run_scoped3A = tpu.sem_alloc : memref<!tpu.dma_semaphore, #tpu.memory_space<semaphore_mem>>
      %dma_start3A = arith.constant 0 : i32
      %dma_start3A_106 = tpu.memref_slice %arg2[%mul3A_20, %dma_start3A] : memref<102400x128xf32, #tpu.memory_space<hbm>> -> memref<128x128xf32, #tpu.memory_space<hbm>>
      %dma_start3A_107 = arith.constant 0 : i32
      %dma_start3A_108 = tpu.memref_slice %arg2[%mul3A_20, %dma_start3A_107] : memref<102400x128xf32, #tpu.memory_space<hbm>> -> memref<128x128xf32, #tpu.memory_space<hbm>>
      tpu.enqueue_dma source(%dma_start3A_108 : memref<128x128xf32, #tpu.memory_space<hbm>>) target(%arg6 : memref<128x128xf32, #tpu.memory_space<vmem>>) target_semaphore(%run_scoped3A : memref<!tpu.dma_semaphore, #tpu.memory_space<semaphore_mem>>)
      %dma_wait3A = arith.constant 0 : i32
      %dma_wait3A_109 = tpu.memref_slice %arg2[%mul3A_20, %dma_wait3A] : memref<102400x128xf32, #tpu.memory_space<hbm>> -> memref<128x128xf32, #tpu.memory_space<hbm>>
      %dma_wait3A_110 = arith.constant 0 : i32
      %dma_wait3A_111 = tpu.memref_slice %arg2[%mul3A_20, %dma_wait3A_110] : memref<102400x128xf32, #tpu.memory_space<hbm>> -> memref<128x128xf32, #tpu.memory_space<hbm>>
      tpu.wait_dma2 semaphore(%run_scoped3A : memref<!tpu.dma_semaphore, #tpu.memory_space<semaphore_mem>>) src(%dma_wait3A_111 : memref<128x128xf32, #tpu.memory_space<hbm>>) dst(%arg6 : memref<128x128xf32, #tpu.memory_space<vmem>>)
      tpu.yield
    }) : () -> ()
    "tpu.region"() ({
      %run_scoped3A = tpu.sem_alloc : memref<!tpu.dma_semaphore, #tpu.memory_space<semaphore_mem>>
      %dma_start3A = arith.constant 0 : i32
      %dma_start3A_106 = tpu.memref_slice %arg3[%add3A_18, %dma_start3A] : memref<800x128xi32, #tpu.memory_space<hbm>> -> memref<1x128xi32, #tpu.memory_space<hbm>>
      %dma_start3A_107 = tpu.memref_squeeze %dma_start3A_106 : memref<1x128xi32, #tpu.memory_space<hbm>> -> memref<128xi32, #tpu.memory_space<hbm>>
      %dma_start3A_108 = arith.constant 0 : i32
      %dma_start3A_109 = tpu.memref_slice %arg3[%add3A_18, %dma_start3A_108] : memref<800x128xi32, #tpu.memory_space<hbm>> -> memref<1x128xi32, #tpu.memory_space<hbm>>
      %dma_start3A_110 = tpu.memref_squeeze %dma_start3A_109 : memref<1x128xi32, #tpu.memory_space<hbm>> -> memref<128xi32, #tpu.memory_space<hbm>>
      tpu.enqueue_dma source(%dma_start3A_110 : memref<128xi32, #tpu.memory_space<hbm>>) target(%arg7 : memref<128xi32, #tpu.memory_space<vmem>>) target_semaphore(%run_scoped3A : memref<!tpu.dma_semaphore, #tpu.memory_space<semaphore_mem>>)
      %dma_wait3A = arith.constant 0 : i32
      %dma_wait3A_111 = tpu.memref_slice %arg3[%add3A_18, %dma_wait3A] : memref<800x128xi32, #tpu.memory_space<hbm>> -> memref<1x128xi32, #tpu.memory_space<hbm>>
      %dma_wait3A_112 = tpu.memref_squeeze %dma_wait3A_111 : memref<1x128xi32, #tpu.memory_space<hbm>> -> memref<128xi32, #tpu.memory_space<hbm>>
      %dma_wait3A_113 = arith.constant 0 : i32
      %dma_wait3A_114 = tpu.memref_slice %arg3[%add3A_18, %dma_wait3A_113] : memref<800x128xi32, #tpu.memory_space<hbm>> -> memref<1x128xi32, #tpu.memory_space<hbm>>
      %dma_wait3A_115 = tpu.memref_squeeze %dma_wait3A_114 : memref<1x128xi32, #tpu.memory_space<hbm>> -> memref<128xi32, #tpu.memory_space<hbm>>
      tpu.wait_dma2 semaphore(%run_scoped3A : memref<!tpu.dma_semaphore, #tpu.memory_space<semaphore_mem>>) src(%dma_wait3A_115 : memref<128xi32, #tpu.memory_space<hbm>>) dst(%arg7 : memref<128xi32, #tpu.memory_space<vmem>>)
      tpu.yield
    }) : () -> ()
    "tpu.region"() ({
      %run_scoped3A = tpu.sem_alloc : memref<!tpu.dma_semaphore, #tpu.memory_space<semaphore_mem>>
      %dma_start3A = arith.constant 0 : i32
      %dma_start3A_106 = arith.constant 0 : i32
      %dma_start3A_107 = tpu.memref_slice %arg8[%dma_start3A, %dma_start3A_106] : memref<512x128xf32, #tpu.memory_space<vmem_shared>> -> memref<512x128xf32, #tpu.memory_space<vmem_shared>>
      tpu.enqueue_indirect_dma source(%arg6 : memref<128x128xf32, #tpu.memory_space<vmem>>) target(%dma_start3A_107 : memref<512x128xf32, #tpu.memory_space<vmem_shared>>) offsets(%arg7 : memref<128xi32, #tpu.memory_space<vmem>>) semaphore(%run_scoped3A : memref<!tpu.dma_semaphore, #tpu.memory_space<semaphore_mem>>) {add = true}
      %dma_wait3A = arith.constant 0 : i32
      %dma_wait3A_108 = arith.constant 0 : i32
      %dma_wait3A_109 = tpu.memref_slice %arg8[%dma_wait3A, %dma_wait3A_108] : memref<512x128xf32, #tpu.memory_space<vmem_shared>> -> memref<512x128xf32, #tpu.memory_space<vmem_shared>>
      tpu.wait_indirect_dma semaphore(%run_scoped3A : memref<!tpu.dma_semaphore, #tpu.memory_space<semaphore_mem>>) src(%arg6 : memref<128x128xf32, #tpu.memory_space<vmem>>) dst(%dma_wait3A_109 : memref<512x128xf32, #tpu.memory_space<vmem_shared>>)
      tpu.yield
    }) : () -> ()
    %add3A_21 = arith.constant 4 : i32
    %add3A_22 = arith.addi %mul3A_4, %add3A_21 : i32
    %mul3A_23 = arith.constant 128 : i32
    %mul3A_24 = arith.muli %add3A_22, %mul3A_23 : i32
    "tpu.region"() ({
      %run_scoped3A = tpu.sem_alloc : memref<!tpu.dma_semaphore, #tpu.memory_space<semaphore_mem>>
      %dma_start3A = arith.constant 0 : i32
      %dma_start3A_106 = tpu.memref_slice %arg2[%mul3A_24, %dma_start3A] : memref<102400x128xf32, #tpu.memory_space<hbm>> -> memref<128x128xf32, #tpu.memory_space<hbm>>
      %dma_start3A_107 = arith.constant 0 : i32
      %dma_start3A_108 = tpu.memref_slice %arg2[%mul3A_24, %dma_start3A_107] : memref<102400x128xf32, #tpu.memory_space<hbm>> -> memref<128x128xf32, #tpu.memory_space<hbm>>
      tpu.enqueue_dma source(%dma_start3A_108 : memref<128x128xf32, #tpu.memory_space<hbm>>) target(%arg6 : memref<128x128xf32, #tpu.memory_space<vmem>>) target_semaphore(%run_scoped3A : memref<!tpu.dma_semaphore, #tpu.memory_space<semaphore_mem>>)
      %dma_wait3A = arith.constant 0 : i32
      %dma_wait3A_109 = tpu.memref_slice %arg2[%mul3A_24, %dma_wait3A] : memref<102400x128xf32, #tpu.memory_space<hbm>> -> memref<128x128xf32, #tpu.memory_space<hbm>>
      %dma_wait3A_110 = arith.constant 0 : i32
      %dma_wait3A_111 = tpu.memref_slice %arg2[%mul3A_24, %dma_wait3A_110] : memref<102400x128xf32, #tpu.memory_space<hbm>> -> memref<128x128xf32, #tpu.memory_space<hbm>>
      tpu.wait_dma2 semaphore(%run_scoped3A : memref<!tpu.dma_semaphore, #tpu.memory_space<semaphore_mem>>) src(%dma_wait3A_111 : memref<128x128xf32, #tpu.memory_space<hbm>>) dst(%arg6 : memref<128x128xf32, #tpu.memory_space<vmem>>)
      tpu.yield
    }) : () -> ()
    "tpu.region"() ({
      %run_scoped3A = tpu.sem_alloc : memref<!tpu.dma_semaphore, #tpu.memory_space<semaphore_mem>>
      %dma_start3A = arith.constant 0 : i32
      %dma_start3A_106 = tpu.memref_slice %arg3[%add3A_22, %dma_start3A] : memref<800x128xi32, #tpu.memory_space<hbm>> -> memref<1x128xi32, #tpu.memory_space<hbm>>
      %dma_start3A_107 = tpu.memref_squeeze %dma_start3A_106 : memref<1x128xi32, #tpu.memory_space<hbm>> -> memref<128xi32, #tpu.memory_space<hbm>>
      %dma_start3A_108 = arith.constant 0 : i32
      %dma_start3A_109 = tpu.memref_slice %arg3[%add3A_22, %dma_start3A_108] : memref<800x128xi32, #tpu.memory_space<hbm>> -> memref<1x128xi32, #tpu.memory_space<hbm>>
      %dma_start3A_110 = tpu.memref_squeeze %dma_start3A_109 : memref<1x128xi32, #tpu.memory_space<hbm>> -> memref<128xi32, #tpu.memory_space<hbm>>
      tpu.enqueue_dma source(%dma_start3A_110 : memref<128xi32, #tpu.memory_space<hbm>>) target(%arg7 : memref<128xi32, #tpu.memory_space<vmem>>) target_semaphore(%run_scoped3A : memref<!tpu.dma_semaphore, #tpu.memory_space<semaphore_mem>>)
      %dma_wait3A = arith.constant 0 : i32
      %dma_wait3A_111 = tpu.memref_slice %arg3[%add3A_22, %dma_wait3A] : memref<800x128xi32, #tpu.memory_space<hbm>> -> memref<1x128xi32, #tpu.memory_space<hbm>>
      %dma_wait3A_112 = tpu.memref_squeeze %dma_wait3A_111 : memref<1x128xi32, #tpu.memory_space<hbm>> -> memref<128xi32, #tpu.memory_space<hbm>>
      %dma_wait3A_113 = arith.constant 0 : i32
      %dma_wait3A_114 = tpu.memref_slice %arg3[%add3A_22, %dma_wait3A_113] : memref<800x128xi32, #tpu.memory_space<hbm>> -> memref<1x128xi32, #tpu.memory_space<hbm>>
      %dma_wait3A_115 = tpu.memref_squeeze %dma_wait3A_114 : memref<1x128xi32, #tpu.memory_space<hbm>> -> memref<128xi32, #tpu.memory_space<hbm>>
      tpu.wait_dma2 semaphore(%run_scoped3A : memref<!tpu.dma_semaphore, #tpu.memory_space<semaphore_mem>>) src(%dma_wait3A_115 : memref<128xi32, #tpu.memory_space<hbm>>) dst(%arg7 : memref<128xi32, #tpu.memory_space<vmem>>)
      tpu.yield
    }) : () -> ()
    "tpu.region"() ({
      %run_scoped3A = tpu.sem_alloc : memref<!tpu.dma_semaphore, #tpu.memory_space<semaphore_mem>>
      %dma_start3A = arith.constant 0 : i32
      %dma_start3A_106 = arith.constant 0 : i32
      %dma_start3A_107 = tpu.memref_slice %arg8[%dma_start3A, %dma_start3A_106] : memref<512x128xf32, #tpu.memory_space<vmem_shared>> -> memref<512x128xf32, #tpu.memory_space<vmem_shared>>
      tpu.enqueue_indirect_dma source(%arg6 : memref<128x128xf32, #tpu.memory_space<vmem>>) target(%dma_start3A_107 : memref<512x128xf32, #tpu.memory_space<vmem_shared>>) offsets(%arg7 : memref<128xi32, #tpu.memory_space<vmem>>) semaphore(%run_scoped3A : memref<!tpu.dma_semaphore, #tpu.memory_space<semaphore_mem>>) {add = true}
      %dma_wait3A = arith.constant 0 : i32
      %dma_wait3A_108 = arith.constant 0 : i32
      %dma_wait3A_109 = tpu.memref_slice %arg8[%dma_wait3A, %dma_wait3A_108] : memref<512x128xf32, #tpu.memory_space<vmem_shared>> -> memref<512x128xf32, #tpu.memory_space<vmem_shared>>
      tpu.wait_indirect_dma semaphore(%run_scoped3A : memref<!tpu.dma_semaphore, #tpu.memory_space<semaphore_mem>>) src(%arg6 : memref<128x128xf32, #tpu.memory_space<vmem>>) dst(%dma_wait3A_109 : memref<512x128xf32, #tpu.memory_space<vmem_shared>>)
      tpu.yield
    }) : () -> ()
    %add3A_25 = arith.constant 5 : i32
    %add3A_26 = arith.addi %mul3A_4, %add3A_25 : i32
    %mul3A_27 = arith.constant 128 : i32
    %mul3A_28 = arith.muli %add3A_26, %mul3A_27 : i32
    "tpu.region"() ({
      %run_scoped3A = tpu.sem_alloc : memref<!tpu.dma_semaphore, #tpu.memory_space<semaphore_mem>>
      %dma_start3A = arith.constant 0 : i32
      %dma_start3A_106 = tpu.memref_slice %arg2[%mul3A_28, %dma_start3A] : memref<102400x128xf32, #tpu.memory_space<hbm>> -> memref<128x128xf32, #tpu.memory_space<hbm>>
      %dma_start3A_107 = arith.constant 0 : i32
      %dma_start3A_108 = tpu.memref_slice %arg2[%mul3A_28, %dma_start3A_107] : memref<102400x128xf32, #tpu.memory_space<hbm>> -> memref<128x128xf32, #tpu.memory_space<hbm>>
      tpu.enqueue_dma source(%dma_start3A_108 : memref<128x128xf32, #tpu.memory_space<hbm>>) target(%arg6 : memref<128x128xf32, #tpu.memory_space<vmem>>) target_semaphore(%run_scoped3A : memref<!tpu.dma_semaphore, #tpu.memory_space<semaphore_mem>>)
      %dma_wait3A = arith.constant 0 : i32
      %dma_wait3A_109 = tpu.memref_slice %arg2[%mul3A_28, %dma_wait3A] : memref<102400x128xf32, #tpu.memory_space<hbm>> -> memref<128x128xf32, #tpu.memory_space<hbm>>
      %dma_wait3A_110 = arith.constant 0 : i32
      %dma_wait3A_111 = tpu.memref_slice %arg2[%mul3A_28, %dma_wait3A_110] : memref<102400x128xf32, #tpu.memory_space<hbm>> -> memref<128x128xf32, #tpu.memory_space<hbm>>
      tpu.wait_dma2 semaphore(%run_scoped3A : memref<!tpu.dma_semaphore, #tpu.memory_space<semaphore_mem>>) src(%dma_wait3A_111 : memref<128x128xf32, #tpu.memory_space<hbm>>) dst(%arg6 : memref<128x128xf32, #tpu.memory_space<vmem>>)
      tpu.yield
    }) : () -> ()
    "tpu.region"() ({
      %run_scoped3A = tpu.sem_alloc : memref<!tpu.dma_semaphore, #tpu.memory_space<semaphore_mem>>
      %dma_start3A = arith.constant 0 : i32
      %dma_start3A_106 = tpu.memref_slice %arg3[%add3A_26, %dma_start3A] : memref<800x128xi32, #tpu.memory_space<hbm>> -> memref<1x128xi32, #tpu.memory_space<hbm>>
      %dma_start3A_107 = tpu.memref_squeeze %dma_start3A_106 : memref<1x128xi32, #tpu.memory_space<hbm>> -> memref<128xi32, #tpu.memory_space<hbm>>
      %dma_start3A_108 = arith.constant 0 : i32
      %dma_start3A_109 = tpu.memref_slice %arg3[%add3A_26, %dma_start3A_108] : memref<800x128xi32, #tpu.memory_space<hbm>> -> memref<1x128xi32, #tpu.memory_space<hbm>>
      %dma_start3A_110 = tpu.memref_squeeze %dma_start3A_109 : memref<1x128xi32, #tpu.memory_space<hbm>> -> memref<128xi32, #tpu.memory_space<hbm>>
      tpu.enqueue_dma source(%dma_start3A_110 : memref<128xi32, #tpu.memory_space<hbm>>) target(%arg7 : memref<128xi32, #tpu.memory_space<vmem>>) target_semaphore(%run_scoped3A : memref<!tpu.dma_semaphore, #tpu.memory_space<semaphore_mem>>)
      %dma_wait3A = arith.constant 0 : i32
      %dma_wait3A_111 = tpu.memref_slice %arg3[%add3A_26, %dma_wait3A] : memref<800x128xi32, #tpu.memory_space<hbm>> -> memref<1x128xi32, #tpu.memory_space<hbm>>
      %dma_wait3A_112 = tpu.memref_squeeze %dma_wait3A_111 : memref<1x128xi32, #tpu.memory_space<hbm>> -> memref<128xi32, #tpu.memory_space<hbm>>
      %dma_wait3A_113 = arith.constant 0 : i32
      %dma_wait3A_114 = tpu.memref_slice %arg3[%add3A_26, %dma_wait3A_113] : memref<800x128xi32, #tpu.memory_space<hbm>> -> memref<1x128xi32, #tpu.memory_space<hbm>>
      %dma_wait3A_115 = tpu.memref_squeeze %dma_wait3A_114 : memref<1x128xi32, #tpu.memory_space<hbm>> -> memref<128xi32, #tpu.memory_space<hbm>>
      tpu.wait_dma2 semaphore(%run_scoped3A : memref<!tpu.dma_semaphore, #tpu.memory_space<semaphore_mem>>) src(%dma_wait3A_115 : memref<128xi32, #tpu.memory_space<hbm>>) dst(%arg7 : memref<128xi32, #tpu.memory_space<vmem>>)
      tpu.yield
    }) : () -> ()
    "tpu.region"() ({
      %run_scoped3A = tpu.sem_alloc : memref<!tpu.dma_semaphore, #tpu.memory_space<semaphore_mem>>
      %dma_start3A = arith.constant 0 : i32
      %dma_start3A_106 = arith.constant 0 : i32
      %dma_start3A_107 = tpu.memref_slice %arg8[%dma_start3A, %dma_start3A_106] : memref<512x128xf32, #tpu.memory_space<vmem_shared>> -> memref<512x128xf32, #tpu.memory_space<vmem_shared>>
      tpu.enqueue_indirect_dma source(%arg6 : memref<128x128xf32, #tpu.memory_space<vmem>>) target(%dma_start3A_107 : memref<512x128xf32, #tpu.memory_space<vmem_shared>>) offsets(%arg7 : memref<128xi32, #tpu.memory_space<vmem>>) semaphore(%run_scoped3A : memref<!tpu.dma_semaphore, #tpu.memory_space<semaphore_mem>>) {add = true}
      %dma_wait3A = arith.constant 0 : i32
      %dma_wait3A_108 = arith.constant 0 : i32
      %dma_wait3A_109 = tpu.memref_slice %arg8[%dma_wait3A, %dma_wait3A_108] : memref<512x128xf32, #tpu.memory_space<vmem_shared>> -> memref<512x128xf32, #tpu.memory_space<vmem_shared>>
      tpu.wait_indirect_dma semaphore(%run_scoped3A : memref<!tpu.dma_semaphore, #tpu.memory_space<semaphore_mem>>) src(%arg6 : memref<128x128xf32, #tpu.memory_space<vmem>>) dst(%dma_wait3A_109 : memref<512x128xf32, #tpu.memory_space<vmem_shared>>)
      tpu.yield
    }) : () -> ()
    %add3A_29 = arith.constant 6 : i32
    %add3A_30 = arith.addi %mul3A_4, %add3A_29 : i32
    %mul3A_31 = arith.constant 128 : i32
    %mul3A_32 = arith.muli %add3A_30, %mul3A_31 : i32
    "tpu.region"() ({
      %run_scoped3A = tpu.sem_alloc : memref<!tpu.dma_semaphore, #tpu.memory_space<semaphore_mem>>
      %dma_start3A = arith.constant 0 : i32
      %dma_start3A_106 = tpu.memref_slice %arg2[%mul3A_32, %dma_start3A] : memref<102400x128xf32, #tpu.memory_space<hbm>> -> memref<128x128xf32, #tpu.memory_space<hbm>>
      %dma_start3A_107 = arith.constant 0 : i32
      %dma_start3A_108 = tpu.memref_slice %arg2[%mul3A_32, %dma_start3A_107] : memref<102400x128xf32, #tpu.memory_space<hbm>> -> memref<128x128xf32, #tpu.memory_space<hbm>>
      tpu.enqueue_dma source(%dma_start3A_108 : memref<128x128xf32, #tpu.memory_space<hbm>>) target(%arg6 : memref<128x128xf32, #tpu.memory_space<vmem>>) target_semaphore(%run_scoped3A : memref<!tpu.dma_semaphore, #tpu.memory_space<semaphore_mem>>)
      %dma_wait3A = arith.constant 0 : i32
      %dma_wait3A_109 = tpu.memref_slice %arg2[%mul3A_32, %dma_wait3A] : memref<102400x128xf32, #tpu.memory_space<hbm>> -> memref<128x128xf32, #tpu.memory_space<hbm>>
      %dma_wait3A_110 = arith.constant 0 : i32
      %dma_wait3A_111 = tpu.memref_slice %arg2[%mul3A_32, %dma_wait3A_110] : memref<102400x128xf32, #tpu.memory_space<hbm>> -> memref<128x128xf32, #tpu.memory_space<hbm>>
      tpu.wait_dma2 semaphore(%run_scoped3A : memref<!tpu.dma_semaphore, #tpu.memory_space<semaphore_mem>>) src(%dma_wait3A_111 : memref<128x128xf32, #tpu.memory_space<hbm>>) dst(%arg6 : memref<128x128xf32, #tpu.memory_space<vmem>>)
      tpu.yield
    }) : () -> ()
    "tpu.region"() ({
      %run_scoped3A = tpu.sem_alloc : memref<!tpu.dma_semaphore, #tpu.memory_space<semaphore_mem>>
      %dma_start3A = arith.constant 0 : i32
      %dma_start3A_106 = tpu.memref_slice %arg3[%add3A_30, %dma_start3A] : memref<800x128xi32, #tpu.memory_space<hbm>> -> memref<1x128xi32, #tpu.memory_space<hbm>>
      %dma_start3A_107 = tpu.memref_squeeze %dma_start3A_106 : memref<1x128xi32, #tpu.memory_space<hbm>> -> memref<128xi32, #tpu.memory_space<hbm>>
      %dma_start3A_108 = arith.constant 0 : i32
      %dma_start3A_109 = tpu.memref_slice %arg3[%add3A_30, %dma_start3A_108] : memref<800x128xi32, #tpu.memory_space<hbm>> -> memref<1x128xi32, #tpu.memory_space<hbm>>
      %dma_start3A_110 = tpu.memref_squeeze %dma_start3A_109 : memref<1x128xi32, #tpu.memory_space<hbm>> -> memref<128xi32, #tpu.memory_space<hbm>>
      tpu.enqueue_dma source(%dma_start3A_110 : memref<128xi32, #tpu.memory_space<hbm>>) target(%arg7 : memref<128xi32, #tpu.memory_space<vmem>>) target_semaphore(%run_scoped3A : memref<!tpu.dma_semaphore, #tpu.memory_space<semaphore_mem>>)
      %dma_wait3A = arith.constant 0 : i32
      %dma_wait3A_111 = tpu.memref_slice %arg3[%add3A_30, %dma_wait3A] : memref<800x128xi32, #tpu.memory_space<hbm>> -> memref<1x128xi32, #tpu.memory_space<hbm>>
      %dma_wait3A_112 = tpu.memref_squeeze %dma_wait3A_111 : memref<1x128xi32, #tpu.memory_space<hbm>> -> memref<128xi32, #tpu.memory_space<hbm>>
      %dma_wait3A_113 = arith.constant 0 : i32
      %dma_wait3A_114 = tpu.memref_slice %arg3[%add3A_30, %dma_wait3A_113] : memref<800x128xi32, #tpu.memory_space<hbm>> -> memref<1x128xi32, #tpu.memory_space<hbm>>
      %dma_wait3A_115 = tpu.memref_squeeze %dma_wait3A_114 : memref<1x128xi32, #tpu.memory_space<hbm>> -> memref<128xi32, #tpu.memory_space<hbm>>
      tpu.wait_dma2 semaphore(%run_scoped3A : memref<!tpu.dma_semaphore, #tpu.memory_space<semaphore_mem>>) src(%dma_wait3A_115 : memref<128xi32, #tpu.memory_space<hbm>>) dst(%arg7 : memref<128xi32, #tpu.memory_space<vmem>>)
      tpu.yield
    }) : () -> ()
    "tpu.region"() ({
      %run_scoped3A = tpu.sem_alloc : memref<!tpu.dma_semaphore, #tpu.memory_space<semaphore_mem>>
      %dma_start3A = arith.constant 0 : i32
      %dma_start3A_106 = arith.constant 0 : i32
      %dma_start3A_107 = tpu.memref_slice %arg8[%dma_start3A, %dma_start3A_106] : memref<512x128xf32, #tpu.memory_space<vmem_shared>> -> memref<512x128xf32, #tpu.memory_space<vmem_shared>>
      tpu.enqueue_indirect_dma source(%arg6 : memref<128x128xf32, #tpu.memory_space<vmem>>) target(%dma_start3A_107 : memref<512x128xf32, #tpu.memory_space<vmem_shared>>) offsets(%arg7 : memref<128xi32, #tpu.memory_space<vmem>>) semaphore(%run_scoped3A : memref<!tpu.dma_semaphore, #tpu.memory_space<semaphore_mem>>) {add = true}
      %dma_wait3A = arith.constant 0 : i32
      %dma_wait3A_108 = arith.constant 0 : i32
      %dma_wait3A_109 = tpu.memref_slice %arg8[%dma_wait3A, %dma_wait3A_108] : memref<512x128xf32, #tpu.memory_space<vmem_shared>> -> memref<512x128xf32, #tpu.memory_space<vmem_shared>>
      tpu.wait_indirect_dma semaphore(%run_scoped3A : memref<!tpu.dma_semaphore, #tpu.memory_space<semaphore_mem>>) src(%arg6 : memref<128x128xf32, #tpu.memory_space<vmem>>) dst(%dma_wait3A_109 : memref<512x128xf32, #tpu.memory_space<vmem_shared>>)
      tpu.yield
    }) : () -> ()
    %add3A_33 = arith.constant 7 : i32
    %add3A_34 = arith.addi %mul3A_4, %add3A_33 : i32
    %mul3A_35 = arith.constant 128 : i32
    %mul3A_36 = arith.muli %add3A_34, %mul3A_35 : i32
    "tpu.region"() ({
      %run_scoped3A = tpu.sem_alloc : memref<!tpu.dma_semaphore, #tpu.memory_space<semaphore_mem>>
      %dma_start3A = arith.constant 0 : i32
      %dma_start3A_106 = tpu.memref_slice %arg2[%mul3A_36, %dma_start3A] : memref<102400x128xf32, #tpu.memory_space<hbm>> -> memref<128x128xf32, #tpu.memory_space<hbm>>
      %dma_start3A_107 = arith.constant 0 : i32
      %dma_start3A_108 = tpu.memref_slice %arg2[%mul3A_36, %dma_start3A_107] : memref<102400x128xf32, #tpu.memory_space<hbm>> -> memref<128x128xf32, #tpu.memory_space<hbm>>
      tpu.enqueue_dma source(%dma_start3A_108 : memref<128x128xf32, #tpu.memory_space<hbm>>) target(%arg6 : memref<128x128xf32, #tpu.memory_space<vmem>>) target_semaphore(%run_scoped3A : memref<!tpu.dma_semaphore, #tpu.memory_space<semaphore_mem>>)
      %dma_wait3A = arith.constant 0 : i32
      %dma_wait3A_109 = tpu.memref_slice %arg2[%mul3A_36, %dma_wait3A] : memref<102400x128xf32, #tpu.memory_space<hbm>> -> memref<128x128xf32, #tpu.memory_space<hbm>>
      %dma_wait3A_110 = arith.constant 0 : i32
      %dma_wait3A_111 = tpu.memref_slice %arg2[%mul3A_36, %dma_wait3A_110] : memref<102400x128xf32, #tpu.memory_space<hbm>> -> memref<128x128xf32, #tpu.memory_space<hbm>>
      tpu.wait_dma2 semaphore(%run_scoped3A : memref<!tpu.dma_semaphore, #tpu.memory_space<semaphore_mem>>) src(%dma_wait3A_111 : memref<128x128xf32, #tpu.memory_space<hbm>>) dst(%arg6 : memref<128x128xf32, #tpu.memory_space<vmem>>)
      tpu.yield
    }) : () -> ()
    "tpu.region"() ({
      %run_scoped3A = tpu.sem_alloc : memref<!tpu.dma_semaphore, #tpu.memory_space<semaphore_mem>>
      %dma_start3A = arith.constant 0 : i32
      %dma_start3A_106 = tpu.memref_slice %arg3[%add3A_34, %dma_start3A] : memref<800x128xi32, #tpu.memory_space<hbm>> -> memref<1x128xi32, #tpu.memory_space<hbm>>
      %dma_start3A_107 = tpu.memref_squeeze %dma_start3A_106 : memref<1x128xi32, #tpu.memory_space<hbm>> -> memref<128xi32, #tpu.memory_space<hbm>>
      %dma_start3A_108 = arith.constant 0 : i32
      %dma_start3A_109 = tpu.memref_slice %arg3[%add3A_34, %dma_start3A_108] : memref<800x128xi32, #tpu.memory_space<hbm>> -> memref<1x128xi32, #tpu.memory_space<hbm>>
      %dma_start3A_110 = tpu.memref_squeeze %dma_start3A_109 : memref<1x128xi32, #tpu.memory_space<hbm>> -> memref<128xi32, #tpu.memory_space<hbm>>
      tpu.enqueue_dma source(%dma_start3A_110 : memref<128xi32, #tpu.memory_space<hbm>>) target(%arg7 : memref<128xi32, #tpu.memory_space<vmem>>) target_semaphore(%run_scoped3A : memref<!tpu.dma_semaphore, #tpu.memory_space<semaphore_mem>>)
      %dma_wait3A = arith.constant 0 : i32
      %dma_wait3A_111 = tpu.memref_slice %arg3[%add3A_34, %dma_wait3A] : memref<800x128xi32, #tpu.memory_space<hbm>> -> memref<1x128xi32, #tpu.memory_space<hbm>>
      %dma_wait3A_112 = tpu.memref_squeeze %dma_wait3A_111 : memref<1x128xi32, #tpu.memory_space<hbm>> -> memref<128xi32, #tpu.memory_space<hbm>>
      %dma_wait3A_113 = arith.constant 0 : i32
      %dma_wait3A_114 = tpu.memref_slice %arg3[%add3A_34, %dma_wait3A_113] : memref<800x128xi32, #tpu.memory_space<hbm>> -> memref<1x128xi32, #tpu.memory_space<hbm>>
      %dma_wait3A_115 = tpu.memref_squeeze %dma_wait3A_114 : memref<1x128xi32, #tpu.memory_space<hbm>> -> memref<128xi32, #tpu.memory_space<hbm>>
      tpu.wait_dma2 semaphore(%run_scoped3A : memref<!tpu.dma_semaphore, #tpu.memory_space<semaphore_mem>>) src(%dma_wait3A_115 : memref<128xi32, #tpu.memory_space<hbm>>) dst(%arg7 : memref<128xi32, #tpu.memory_space<vmem>>)
      tpu.yield
    }) : () -> ()
    "tpu.region"() ({
      %run_scoped3A = tpu.sem_alloc : memref<!tpu.dma_semaphore, #tpu.memory_space<semaphore_mem>>
      %dma_start3A = arith.constant 0 : i32
      %dma_start3A_106 = arith.constant 0 : i32
      %dma_start3A_107 = tpu.memref_slice %arg8[%dma_start3A, %dma_start3A_106] : memref<512x128xf32, #tpu.memory_space<vmem_shared>> -> memref<512x128xf32, #tpu.memory_space<vmem_shared>>
      tpu.enqueue_indirect_dma source(%arg6 : memref<128x128xf32, #tpu.memory_space<vmem>>) target(%dma_start3A_107 : memref<512x128xf32, #tpu.memory_space<vmem_shared>>) offsets(%arg7 : memref<128xi32, #tpu.memory_space<vmem>>) semaphore(%run_scoped3A : memref<!tpu.dma_semaphore, #tpu.memory_space<semaphore_mem>>) {add = true}
      %dma_wait3A = arith.constant 0 : i32
      %dma_wait3A_108 = arith.constant 0 : i32
      %dma_wait3A_109 = tpu.memref_slice %arg8[%dma_wait3A, %dma_wait3A_108] : memref<512x128xf32, #tpu.memory_space<vmem_shared>> -> memref<512x128xf32, #tpu.memory_space<vmem_shared>>
      tpu.wait_indirect_dma semaphore(%run_scoped3A : memref<!tpu.dma_semaphore, #tpu.memory_space<semaphore_mem>>) src(%arg6 : memref<128x128xf32, #tpu.memory_space<vmem>>) dst(%dma_wait3A_109 : memref<512x128xf32, #tpu.memory_space<vmem_shared>>)
      tpu.yield
    }) : () -> ()
    %add3A_37 = arith.constant 8 : i32
    %add3A_38 = arith.addi %mul3A_4, %add3A_37 : i32
    %mul3A_39 = arith.constant 128 : i32
    %mul3A_40 = arith.muli %add3A_38, %mul3A_39 : i32
    "tpu.region"() ({
      %run_scoped3A = tpu.sem_alloc : memref<!tpu.dma_semaphore, #tpu.memory_space<semaphore_mem>>
      %dma_start3A = arith.constant 0 : i32
      %dma_start3A_106 = tpu.memref_slice %arg2[%mul3A_40, %dma_start3A] : memref<102400x128xf32, #tpu.memory_space<hbm>> -> memref<128x128xf32, #tpu.memory_space<hbm>>
      %dma_start3A_107 = arith.constant 0 : i32
      %dma_start3A_108 = tpu.memref_slice %arg2[%mul3A_40, %dma_start3A_107] : memref<102400x128xf32, #tpu.memory_space<hbm>> -> memref<128x128xf32, #tpu.memory_space<hbm>>
      tpu.enqueue_dma source(%dma_start3A_108 : memref<128x128xf32, #tpu.memory_space<hbm>>) target(%arg6 : memref<128x128xf32, #tpu.memory_space<vmem>>) target_semaphore(%run_scoped3A : memref<!tpu.dma_semaphore, #tpu.memory_space<semaphore_mem>>)
      %dma_wait3A = arith.constant 0 : i32
      %dma_wait3A_109 = tpu.memref_slice %arg2[%mul3A_40, %dma_wait3A] : memref<102400x128xf32, #tpu.memory_space<hbm>> -> memref<128x128xf32, #tpu.memory_space<hbm>>
      %dma_wait3A_110 = arith.constant 0 : i32
      %dma_wait3A_111 = tpu.memref_slice %arg2[%mul3A_40, %dma_wait3A_110] : memref<102400x128xf32, #tpu.memory_space<hbm>> -> memref<128x128xf32, #tpu.memory_space<hbm>>
      tpu.wait_dma2 semaphore(%run_scoped3A : memref<!tpu.dma_semaphore, #tpu.memory_space<semaphore_mem>>) src(%dma_wait3A_111 : memref<128x128xf32, #tpu.memory_space<hbm>>) dst(%arg6 : memref<128x128xf32, #tpu.memory_space<vmem>>)
      tpu.yield
    }) : () -> ()
    "tpu.region"() ({
      %run_scoped3A = tpu.sem_alloc : memref<!tpu.dma_semaphore, #tpu.memory_space<semaphore_mem>>
      %dma_start3A = arith.constant 0 : i32
      %dma_start3A_106 = tpu.memref_slice %arg3[%add3A_38, %dma_start3A] : memref<800x128xi32, #tpu.memory_space<hbm>> -> memref<1x128xi32, #tpu.memory_space<hbm>>
      %dma_start3A_107 = tpu.memref_squeeze %dma_start3A_106 : memref<1x128xi32, #tpu.memory_space<hbm>> -> memref<128xi32, #tpu.memory_space<hbm>>
      %dma_start3A_108 = arith.constant 0 : i32
      %dma_start3A_109 = tpu.memref_slice %arg3[%add3A_38, %dma_start3A_108] : memref<800x128xi32, #tpu.memory_space<hbm>> -> memref<1x128xi32, #tpu.memory_space<hbm>>
      %dma_start3A_110 = tpu.memref_squeeze %dma_start3A_109 : memref<1x128xi32, #tpu.memory_space<hbm>> -> memref<128xi32, #tpu.memory_space<hbm>>
      tpu.enqueue_dma source(%dma_start3A_110 : memref<128xi32, #tpu.memory_space<hbm>>) target(%arg7 : memref<128xi32, #tpu.memory_space<vmem>>) target_semaphore(%run_scoped3A : memref<!tpu.dma_semaphore, #tpu.memory_space<semaphore_mem>>)
      %dma_wait3A = arith.constant 0 : i32
      %dma_wait3A_111 = tpu.memref_slice %arg3[%add3A_38, %dma_wait3A] : memref<800x128xi32, #tpu.memory_space<hbm>> -> memref<1x128xi32, #tpu.memory_space<hbm>>
      %dma_wait3A_112 = tpu.memref_squeeze %dma_wait3A_111 : memref<1x128xi32, #tpu.memory_space<hbm>> -> memref<128xi32, #tpu.memory_space<hbm>>
      %dma_wait3A_113 = arith.constant 0 : i32
      %dma_wait3A_114 = tpu.memref_slice %arg3[%add3A_38, %dma_wait3A_113] : memref<800x128xi32, #tpu.memory_space<hbm>> -> memref<1x128xi32, #tpu.memory_space<hbm>>
      %dma_wait3A_115 = tpu.memref_squeeze %dma_wait3A_114 : memref<1x128xi32, #tpu.memory_space<hbm>> -> memref<128xi32, #tpu.memory_space<hbm>>
      tpu.wait_dma2 semaphore(%run_scoped3A : memref<!tpu.dma_semaphore, #tpu.memory_space<semaphore_mem>>) src(%dma_wait3A_115 : memref<128xi32, #tpu.memory_space<hbm>>) dst(%arg7 : memref<128xi32, #tpu.memory_space<vmem>>)
      tpu.yield
    }) : () -> ()
    "tpu.region"() ({
      %run_scoped3A = tpu.sem_alloc : memref<!tpu.dma_semaphore, #tpu.memory_space<semaphore_mem>>
      %dma_start3A = arith.constant 0 : i32
      %dma_start3A_106 = arith.constant 0 : i32
      %dma_start3A_107 = tpu.memref_slice %arg8[%dma_start3A, %dma_start3A_106] : memref<512x128xf32, #tpu.memory_space<vmem_shared>> -> memref<512x128xf32, #tpu.memory_space<vmem_shared>>
      tpu.enqueue_indirect_dma source(%arg6 : memref<128x128xf32, #tpu.memory_space<vmem>>) target(%dma_start3A_107 : memref<512x128xf32, #tpu.memory_space<vmem_shared>>) offsets(%arg7 : memref<128xi32, #tpu.memory_space<vmem>>) semaphore(%run_scoped3A : memref<!tpu.dma_semaphore, #tpu.memory_space<semaphore_mem>>) {add = true}
      %dma_wait3A = arith.constant 0 : i32
      %dma_wait3A_108 = arith.constant 0 : i32
      %dma_wait3A_109 = tpu.memref_slice %arg8[%dma_wait3A, %dma_wait3A_108] : memref<512x128xf32, #tpu.memory_space<vmem_shared>> -> memref<512x128xf32, #tpu.memory_space<vmem_shared>>
      tpu.wait_indirect_dma semaphore(%run_scoped3A : memref<!tpu.dma_semaphore, #tpu.memory_space<semaphore_mem>>) src(%arg6 : memref<128x128xf32, #tpu.memory_space<vmem>>) dst(%dma_wait3A_109 : memref<512x128xf32, #tpu.memory_space<vmem_shared>>)
      tpu.yield
    }) : () -> ()
    %add3A_41 = arith.constant 9 : i32
    %add3A_42 = arith.addi %mul3A_4, %add3A_41 : i32
    %mul3A_43 = arith.constant 128 : i32
    %mul3A_44 = arith.muli %add3A_42, %mul3A_43 : i32
    "tpu.region"() ({
      %run_scoped3A = tpu.sem_alloc : memref<!tpu.dma_semaphore, #tpu.memory_space<semaphore_mem>>
      %dma_start3A = arith.constant 0 : i32
      %dma_start3A_106 = tpu.memref_slice %arg2[%mul3A_44, %dma_start3A] : memref<102400x128xf32, #tpu.memory_space<hbm>> -> memref<128x128xf32, #tpu.memory_space<hbm>>
      %dma_start3A_107 = arith.constant 0 : i32
      %dma_start3A_108 = tpu.memref_slice %arg2[%mul3A_44, %dma_start3A_107] : memref<102400x128xf32, #tpu.memory_space<hbm>> -> memref<128x128xf32, #tpu.memory_space<hbm>>
      tpu.enqueue_dma source(%dma_start3A_108 : memref<128x128xf32, #tpu.memory_space<hbm>>) target(%arg6 : memref<128x128xf32, #tpu.memory_space<vmem>>) target_semaphore(%run_scoped3A : memref<!tpu.dma_semaphore, #tpu.memory_space<semaphore_mem>>)
      %dma_wait3A = arith.constant 0 : i32
      %dma_wait3A_109 = tpu.memref_slice %arg2[%mul3A_44, %dma_wait3A] : memref<102400x128xf32, #tpu.memory_space<hbm>> -> memref<128x128xf32, #tpu.memory_space<hbm>>
      %dma_wait3A_110 = arith.constant 0 : i32
      %dma_wait3A_111 = tpu.memref_slice %arg2[%mul3A_44, %dma_wait3A_110] : memref<102400x128xf32, #tpu.memory_space<hbm>> -> memref<128x128xf32, #tpu.memory_space<hbm>>
      tpu.wait_dma2 semaphore(%run_scoped3A : memref<!tpu.dma_semaphore, #tpu.memory_space<semaphore_mem>>) src(%dma_wait3A_111 : memref<128x128xf32, #tpu.memory_space<hbm>>) dst(%arg6 : memref<128x128xf32, #tpu.memory_space<vmem>>)
      tpu.yield
    }) : () -> ()
    "tpu.region"() ({
      %run_scoped3A = tpu.sem_alloc : memref<!tpu.dma_semaphore, #tpu.memory_space<semaphore_mem>>
      %dma_start3A = arith.constant 0 : i32
      %dma_start3A_106 = tpu.memref_slice %arg3[%add3A_42, %dma_start3A] : memref<800x128xi32, #tpu.memory_space<hbm>> -> memref<1x128xi32, #tpu.memory_space<hbm>>
      %dma_start3A_107 = tpu.memref_squeeze %dma_start3A_106 : memref<1x128xi32, #tpu.memory_space<hbm>> -> memref<128xi32, #tpu.memory_space<hbm>>
      %dma_start3A_108 = arith.constant 0 : i32
      %dma_start3A_109 = tpu.memref_slice %arg3[%add3A_42, %dma_start3A_108] : memref<800x128xi32, #tpu.memory_space<hbm>> -> memref<1x128xi32, #tpu.memory_space<hbm>>
      %dma_start3A_110 = tpu.memref_squeeze %dma_start3A_109 : memref<1x128xi32, #tpu.memory_space<hbm>> -> memref<128xi32, #tpu.memory_space<hbm>>
      tpu.enqueue_dma source(%dma_start3A_110 : memref<128xi32, #tpu.memory_space<hbm>>) target(%arg7 : memref<128xi32, #tpu.memory_space<vmem>>) target_semaphore(%run_scoped3A : memref<!tpu.dma_semaphore, #tpu.memory_space<semaphore_mem>>)
      %dma_wait3A = arith.constant 0 : i32
      %dma_wait3A_111 = tpu.memref_slice %arg3[%add3A_42, %dma_wait3A] : memref<800x128xi32, #tpu.memory_space<hbm>> -> memref<1x128xi32, #tpu.memory_space<hbm>>
      %dma_wait3A_112 = tpu.memref_squeeze %dma_wait3A_111 : memref<1x128xi32, #tpu.memory_space<hbm>> -> memref<128xi32, #tpu.memory_space<hbm>>
      %dma_wait3A_113 = arith.constant 0 : i32
      %dma_wait3A_114 = tpu.memref_slice %arg3[%add3A_42, %dma_wait3A_113] : memref<800x128xi32, #tpu.memory_space<hbm>> -> memref<1x128xi32, #tpu.memory_space<hbm>>
      %dma_wait3A_115 = tpu.memref_squeeze %dma_wait3A_114 : memref<1x128xi32, #tpu.memory_space<hbm>> -> memref<128xi32, #tpu.memory_space<hbm>>
      tpu.wait_dma2 semaphore(%run_scoped3A : memref<!tpu.dma_semaphore, #tpu.memory_space<semaphore_mem>>) src(%dma_wait3A_115 : memref<128xi32, #tpu.memory_space<hbm>>) dst(%arg7 : memref<128xi32, #tpu.memory_space<vmem>>)
      tpu.yield
    }) : () -> ()
    "tpu.region"() ({
      %run_scoped3A = tpu.sem_alloc : memref<!tpu.dma_semaphore, #tpu.memory_space<semaphore_mem>>
      %dma_start3A = arith.constant 0 : i32
      %dma_start3A_106 = arith.constant 0 : i32
      %dma_start3A_107 = tpu.memref_slice %arg8[%dma_start3A, %dma_start3A_106] : memref<512x128xf32, #tpu.memory_space<vmem_shared>> -> memref<512x128xf32, #tpu.memory_space<vmem_shared>>
      tpu.enqueue_indirect_dma source(%arg6 : memref<128x128xf32, #tpu.memory_space<vmem>>) target(%dma_start3A_107 : memref<512x128xf32, #tpu.memory_space<vmem_shared>>) offsets(%arg7 : memref<128xi32, #tpu.memory_space<vmem>>) semaphore(%run_scoped3A : memref<!tpu.dma_semaphore, #tpu.memory_space<semaphore_mem>>) {add = true}
      %dma_wait3A = arith.constant 0 : i32
      %dma_wait3A_108 = arith.constant 0 : i32
      %dma_wait3A_109 = tpu.memref_slice %arg8[%dma_wait3A, %dma_wait3A_108] : memref<512x128xf32, #tpu.memory_space<vmem_shared>> -> memref<512x128xf32, #tpu.memory_space<vmem_shared>>
      tpu.wait_indirect_dma semaphore(%run_scoped3A : memref<!tpu.dma_semaphore, #tpu.memory_space<semaphore_mem>>) src(%arg6 : memref<128x128xf32, #tpu.memory_space<vmem>>) dst(%dma_wait3A_109 : memref<512x128xf32, #tpu.memory_space<vmem_shared>>)
      tpu.yield
    }) : () -> ()
    %add3A_45 = arith.constant 10 : i32
    %add3A_46 = arith.addi %mul3A_4, %add3A_45 : i32
    %mul3A_47 = arith.constant 128 : i32
    %mul3A_48 = arith.muli %add3A_46, %mul3A_47 : i32
    "tpu.region"() ({
      %run_scoped3A = tpu.sem_alloc : memref<!tpu.dma_semaphore, #tpu.memory_space<semaphore_mem>>
      %dma_start3A = arith.constant 0 : i32
      %dma_start3A_106 = tpu.memref_slice %arg2[%mul3A_48, %dma_start3A] : memref<102400x128xf32, #tpu.memory_space<hbm>> -> memref<128x128xf32, #tpu.memory_space<hbm>>
      %dma_start3A_107 = arith.constant 0 : i32
      %dma_start3A_108 = tpu.memref_slice %arg2[%mul3A_48, %dma_start3A_107] : memref<102400x128xf32, #tpu.memory_space<hbm>> -> memref<128x128xf32, #tpu.memory_space<hbm>>
      tpu.enqueue_dma source(%dma_start3A_108 : memref<128x128xf32, #tpu.memory_space<hbm>>) target(%arg6 : memref<128x128xf32, #tpu.memory_space<vmem>>) target_semaphore(%run_scoped3A : memref<!tpu.dma_semaphore, #tpu.memory_space<semaphore_mem>>)
      %dma_wait3A = arith.constant 0 : i32
      %dma_wait3A_109 = tpu.memref_slice %arg2[%mul3A_48, %dma_wait3A] : memref<102400x128xf32, #tpu.memory_space<hbm>> -> memref<128x128xf32, #tpu.memory_space<hbm>>
      %dma_wait3A_110 = arith.constant 0 : i32
      %dma_wait3A_111 = tpu.memref_slice %arg2[%mul3A_48, %dma_wait3A_110] : memref<102400x128xf32, #tpu.memory_space<hbm>> -> memref<128x128xf32, #tpu.memory_space<hbm>>
      tpu.wait_dma2 semaphore(%run_scoped3A : memref<!tpu.dma_semaphore, #tpu.memory_space<semaphore_mem>>) src(%dma_wait3A_111 : memref<128x128xf32, #tpu.memory_space<hbm>>) dst(%arg6 : memref<128x128xf32, #tpu.memory_space<vmem>>)
      tpu.yield
    }) : () -> ()
    "tpu.region"() ({
      %run_scoped3A = tpu.sem_alloc : memref<!tpu.dma_semaphore, #tpu.memory_space<semaphore_mem>>
      %dma_start3A = arith.constant 0 : i32
      %dma_start3A_106 = tpu.memref_slice %arg3[%add3A_46, %dma_start3A] : memref<800x128xi32, #tpu.memory_space<hbm>> -> memref<1x128xi32, #tpu.memory_space<hbm>>
      %dma_start3A_107 = tpu.memref_squeeze %dma_start3A_106 : memref<1x128xi32, #tpu.memory_space<hbm>> -> memref<128xi32, #tpu.memory_space<hbm>>
      %dma_start3A_108 = arith.constant 0 : i32
      %dma_start3A_109 = tpu.memref_slice %arg3[%add3A_46, %dma_start3A_108] : memref<800x128xi32, #tpu.memory_space<hbm>> -> memref<1x128xi32, #tpu.memory_space<hbm>>
      %dma_start3A_110 = tpu.memref_squeeze %dma_start3A_109 : memref<1x128xi32, #tpu.memory_space<hbm>> -> memref<128xi32, #tpu.memory_space<hbm>>
      tpu.enqueue_dma source(%dma_start3A_110 : memref<128xi32, #tpu.memory_space<hbm>>) target(%arg7 : memref<128xi32, #tpu.memory_space<vmem>>) target_semaphore(%run_scoped3A : memref<!tpu.dma_semaphore, #tpu.memory_space<semaphore_mem>>)
      %dma_wait3A = arith.constant 0 : i32
      %dma_wait3A_111 = tpu.memref_slice %arg3[%add3A_46, %dma_wait3A] : memref<800x128xi32, #tpu.memory_space<hbm>> -> memref<1x128xi32, #tpu.memory_space<hbm>>
      %dma_wait3A_112 = tpu.memref_squeeze %dma_wait3A_111 : memref<1x128xi32, #tpu.memory_space<hbm>> -> memref<128xi32, #tpu.memory_space<hbm>>
      %dma_wait3A_113 = arith.constant 0 : i32
      %dma_wait3A_114 = tpu.memref_slice %arg3[%add3A_46, %dma_wait3A_113] : memref<800x128xi32, #tpu.memory_space<hbm>> -> memref<1x128xi32, #tpu.memory_space<hbm>>
      %dma_wait3A_115 = tpu.memref_squeeze %dma_wait3A_114 : memref<1x128xi32, #tpu.memory_space<hbm>> -> memref<128xi32, #tpu.memory_space<hbm>>
      tpu.wait_dma2 semaphore(%run_scoped3A : memref<!tpu.dma_semaphore, #tpu.memory_space<semaphore_mem>>) src(%dma_wait3A_115 : memref<128xi32, #tpu.memory_space<hbm>>) dst(%arg7 : memref<128xi32, #tpu.memory_space<vmem>>)
      tpu.yield
    }) : () -> ()
    "tpu.region"() ({
      %run_scoped3A = tpu.sem_alloc : memref<!tpu.dma_semaphore, #tpu.memory_space<semaphore_mem>>
      %dma_start3A = arith.constant 0 : i32
      %dma_start3A_106 = arith.constant 0 : i32
      %dma_start3A_107 = tpu.memref_slice %arg8[%dma_start3A, %dma_start3A_106] : memref<512x128xf32, #tpu.memory_space<vmem_shared>> -> memref<512x128xf32, #tpu.memory_space<vmem_shared>>
      tpu.enqueue_indirect_dma source(%arg6 : memref<128x128xf32, #tpu.memory_space<vmem>>) target(%dma_start3A_107 : memref<512x128xf32, #tpu.memory_space<vmem_shared>>) offsets(%arg7 : memref<128xi32, #tpu.memory_space<vmem>>) semaphore(%run_scoped3A : memref<!tpu.dma_semaphore, #tpu.memory_space<semaphore_mem>>) {add = true}
      %dma_wait3A = arith.constant 0 : i32
      %dma_wait3A_108 = arith.constant 0 : i32
      %dma_wait3A_109 = tpu.memref_slice %arg8[%dma_wait3A, %dma_wait3A_108] : memref<512x128xf32, #tpu.memory_space<vmem_shared>> -> memref<512x128xf32, #tpu.memory_space<vmem_shared>>
      tpu.wait_indirect_dma semaphore(%run_scoped3A : memref<!tpu.dma_semaphore, #tpu.memory_space<semaphore_mem>>) src(%arg6 : memref<128x128xf32, #tpu.memory_space<vmem>>) dst(%dma_wait3A_109 : memref<512x128xf32, #tpu.memory_space<vmem_shared>>)
      tpu.yield
    }) : () -> ()
    %add3A_49 = arith.constant 11 : i32
    %add3A_50 = arith.addi %mul3A_4, %add3A_49 : i32
    %mul3A_51 = arith.constant 128 : i32
    %mul3A_52 = arith.muli %add3A_50, %mul3A_51 : i32
    "tpu.region"() ({
      %run_scoped3A = tpu.sem_alloc : memref<!tpu.dma_semaphore, #tpu.memory_space<semaphore_mem>>
      %dma_start3A = arith.constant 0 : i32
      %dma_start3A_106 = tpu.memref_slice %arg2[%mul3A_52, %dma_start3A] : memref<102400x128xf32, #tpu.memory_space<hbm>> -> memref<128x128xf32, #tpu.memory_space<hbm>>
      %dma_start3A_107 = arith.constant 0 : i32
      %dma_start3A_108 = tpu.memref_slice %arg2[%mul3A_52, %dma_start3A_107] : memref<102400x128xf32, #tpu.memory_space<hbm>> -> memref<128x128xf32, #tpu.memory_space<hbm>>
      tpu.enqueue_dma source(%dma_start3A_108 : memref<128x128xf32, #tpu.memory_space<hbm>>) target(%arg6 : memref<128x128xf32, #tpu.memory_space<vmem>>) target_semaphore(%run_scoped3A : memref<!tpu.dma_semaphore, #tpu.memory_space<semaphore_mem>>)
      %dma_wait3A = arith.constant 0 : i32
      %dma_wait3A_109 = tpu.memref_slice %arg2[%mul3A_52, %dma_wait3A] : memref<102400x128xf32, #tpu.memory_space<hbm>> -> memref<128x128xf32, #tpu.memory_space<hbm>>
      %dma_wait3A_110 = arith.constant 0 : i32
      %dma_wait3A_111 = tpu.memref_slice %arg2[%mul3A_52, %dma_wait3A_110] : memref<102400x128xf32, #tpu.memory_space<hbm>> -> memref<128x128xf32, #tpu.memory_space<hbm>>
      tpu.wait_dma2 semaphore(%run_scoped3A : memref<!tpu.dma_semaphore, #tpu.memory_space<semaphore_mem>>) src(%dma_wait3A_111 : memref<128x128xf32, #tpu.memory_space<hbm>>) dst(%arg6 : memref<128x128xf32, #tpu.memory_space<vmem>>)
      tpu.yield
    }) : () -> ()
    "tpu.region"() ({
      %run_scoped3A = tpu.sem_alloc : memref<!tpu.dma_semaphore, #tpu.memory_space<semaphore_mem>>
      %dma_start3A = arith.constant 0 : i32
      %dma_start3A_106 = tpu.memref_slice %arg3[%add3A_50, %dma_start3A] : memref<800x128xi32, #tpu.memory_space<hbm>> -> memref<1x128xi32, #tpu.memory_space<hbm>>
      %dma_start3A_107 = tpu.memref_squeeze %dma_start3A_106 : memref<1x128xi32, #tpu.memory_space<hbm>> -> memref<128xi32, #tpu.memory_space<hbm>>
      %dma_start3A_108 = arith.constant 0 : i32
      %dma_start3A_109 = tpu.memref_slice %arg3[%add3A_50, %dma_start3A_108] : memref<800x128xi32, #tpu.memory_space<hbm>> -> memref<1x128xi32, #tpu.memory_space<hbm>>
      %dma_start3A_110 = tpu.memref_squeeze %dma_start3A_109 : memref<1x128xi32, #tpu.memory_space<hbm>> -> memref<128xi32, #tpu.memory_space<hbm>>
      tpu.enqueue_dma source(%dma_start3A_110 : memref<128xi32, #tpu.memory_space<hbm>>) target(%arg7 : memref<128xi32, #tpu.memory_space<vmem>>) target_semaphore(%run_scoped3A : memref<!tpu.dma_semaphore, #tpu.memory_space<semaphore_mem>>)
      %dma_wait3A = arith.constant 0 : i32
      %dma_wait3A_111 = tpu.memref_slice %arg3[%add3A_50, %dma_wait3A] : memref<800x128xi32, #tpu.memory_space<hbm>> -> memref<1x128xi32, #tpu.memory_space<hbm>>
      %dma_wait3A_112 = tpu.memref_squeeze %dma_wait3A_111 : memref<1x128xi32, #tpu.memory_space<hbm>> -> memref<128xi32, #tpu.memory_space<hbm>>
      %dma_wait3A_113 = arith.constant 0 : i32
      %dma_wait3A_114 = tpu.memref_slice %arg3[%add3A_50, %dma_wait3A_113] : memref<800x128xi32, #tpu.memory_space<hbm>> -> memref<1x128xi32, #tpu.memory_space<hbm>>
      %dma_wait3A_115 = tpu.memref_squeeze %dma_wait3A_114 : memref<1x128xi32, #tpu.memory_space<hbm>> -> memref<128xi32, #tpu.memory_space<hbm>>
      tpu.wait_dma2 semaphore(%run_scoped3A : memref<!tpu.dma_semaphore, #tpu.memory_space<semaphore_mem>>) src(%dma_wait3A_115 : memref<128xi32, #tpu.memory_space<hbm>>) dst(%arg7 : memref<128xi32, #tpu.memory_space<vmem>>)
      tpu.yield
    }) : () -> ()
    "tpu.region"() ({
      %run_scoped3A = tpu.sem_alloc : memref<!tpu.dma_semaphore, #tpu.memory_space<semaphore_mem>>
      %dma_start3A = arith.constant 0 : i32
      %dma_start3A_106 = arith.constant 0 : i32
      %dma_start3A_107 = tpu.memref_slice %arg8[%dma_start3A, %dma_start3A_106] : memref<512x128xf32, #tpu.memory_space<vmem_shared>> -> memref<512x128xf32, #tpu.memory_space<vmem_shared>>
      tpu.enqueue_indirect_dma source(%arg6 : memref<128x128xf32, #tpu.memory_space<vmem>>) target(%dma_start3A_107 : memref<512x128xf32, #tpu.memory_space<vmem_shared>>) offsets(%arg7 : memref<128xi32, #tpu.memory_space<vmem>>) semaphore(%run_scoped3A : memref<!tpu.dma_semaphore, #tpu.memory_space<semaphore_mem>>) {add = true}
      %dma_wait3A = arith.constant 0 : i32
      %dma_wait3A_108 = arith.constant 0 : i32
      %dma_wait3A_109 = tpu.memref_slice %arg8[%dma_wait3A, %dma_wait3A_108] : memref<512x128xf32, #tpu.memory_space<vmem_shared>> -> memref<512x128xf32, #tpu.memory_space<vmem_shared>>
      tpu.wait_indirect_dma semaphore(%run_scoped3A : memref<!tpu.dma_semaphore, #tpu.memory_space<semaphore_mem>>) src(%arg6 : memref<128x128xf32, #tpu.memory_space<vmem>>) dst(%dma_wait3A_109 : memref<512x128xf32, #tpu.memory_space<vmem_shared>>)
      tpu.yield
    }) : () -> ()
    %add3A_53 = arith.constant 12 : i32
    %add3A_54 = arith.addi %mul3A_4, %add3A_53 : i32
    %mul3A_55 = arith.constant 128 : i32
    %mul3A_56 = arith.muli %add3A_54, %mul3A_55 : i32
    "tpu.region"() ({
      %run_scoped3A = tpu.sem_alloc : memref<!tpu.dma_semaphore, #tpu.memory_space<semaphore_mem>>
      %dma_start3A = arith.constant 0 : i32
      %dma_start3A_106 = tpu.memref_slice %arg2[%mul3A_56, %dma_start3A] : memref<102400x128xf32, #tpu.memory_space<hbm>> -> memref<128x128xf32, #tpu.memory_space<hbm>>
      %dma_start3A_107 = arith.constant 0 : i32
      %dma_start3A_108 = tpu.memref_slice %arg2[%mul3A_56, %dma_start3A_107] : memref<102400x128xf32, #tpu.memory_space<hbm>> -> memref<128x128xf32, #tpu.memory_space<hbm>>
      tpu.enqueue_dma source(%dma_start3A_108 : memref<128x128xf32, #tpu.memory_space<hbm>>) target(%arg6 : memref<128x128xf32, #tpu.memory_space<vmem>>) target_semaphore(%run_scoped3A : memref<!tpu.dma_semaphore, #tpu.memory_space<semaphore_mem>>)
      %dma_wait3A = arith.constant 0 : i32
      %dma_wait3A_109 = tpu.memref_slice %arg2[%mul3A_56, %dma_wait3A] : memref<102400x128xf32, #tpu.memory_space<hbm>> -> memref<128x128xf32, #tpu.memory_space<hbm>>
      %dma_wait3A_110 = arith.constant 0 : i32
      %dma_wait3A_111 = tpu.memref_slice %arg2[%mul3A_56, %dma_wait3A_110] : memref<102400x128xf32, #tpu.memory_space<hbm>> -> memref<128x128xf32, #tpu.memory_space<hbm>>
      tpu.wait_dma2 semaphore(%run_scoped3A : memref<!tpu.dma_semaphore, #tpu.memory_space<semaphore_mem>>) src(%dma_wait3A_111 : memref<128x128xf32, #tpu.memory_space<hbm>>) dst(%arg6 : memref<128x128xf32, #tpu.memory_space<vmem>>)
      tpu.yield
    }) : () -> ()
    "tpu.region"() ({
      %run_scoped3A = tpu.sem_alloc : memref<!tpu.dma_semaphore, #tpu.memory_space<semaphore_mem>>
      %dma_start3A = arith.constant 0 : i32
      %dma_start3A_106 = tpu.memref_slice %arg3[%add3A_54, %dma_start3A] : memref<800x128xi32, #tpu.memory_space<hbm>> -> memref<1x128xi32, #tpu.memory_space<hbm>>
      %dma_start3A_107 = tpu.memref_squeeze %dma_start3A_106 : memref<1x128xi32, #tpu.memory_space<hbm>> -> memref<128xi32, #tpu.memory_space<hbm>>
      %dma_start3A_108 = arith.constant 0 : i32
      %dma_start3A_109 = tpu.memref_slice %arg3[%add3A_54, %dma_start3A_108] : memref<800x128xi32, #tpu.memory_space<hbm>> -> memref<1x128xi32, #tpu.memory_space<hbm>>
      %dma_start3A_110 = tpu.memref_squeeze %dma_start3A_109 : memref<1x128xi32, #tpu.memory_space<hbm>> -> memref<128xi32, #tpu.memory_space<hbm>>
      tpu.enqueue_dma source(%dma_start3A_110 : memref<128xi32, #tpu.memory_space<hbm>>) target(%arg7 : memref<128xi32, #tpu.memory_space<vmem>>) target_semaphore(%run_scoped3A : memref<!tpu.dma_semaphore, #tpu.memory_space<semaphore_mem>>)
      %dma_wait3A = arith.constant 0 : i32
      %dma_wait3A_111 = tpu.memref_slice %arg3[%add3A_54, %dma_wait3A] : memref<800x128xi32, #tpu.memory_space<hbm>> -> memref<1x128xi32, #tpu.memory_space<hbm>>
      %dma_wait3A_112 = tpu.memref_squeeze %dma_wait3A_111 : memref<1x128xi32, #tpu.memory_space<hbm>> -> memref<128xi32, #tpu.memory_space<hbm>>
      %dma_wait3A_113 = arith.constant 0 : i32
      %dma_wait3A_114 = tpu.memref_slice %arg3[%add3A_54, %dma_wait3A_113] : memref<800x128xi32, #tpu.memory_space<hbm>> -> memref<1x128xi32, #tpu.memory_space<hbm>>
      %dma_wait3A_115 = tpu.memref_squeeze %dma_wait3A_114 : memref<1x128xi32, #tpu.memory_space<hbm>> -> memref<128xi32, #tpu.memory_space<hbm>>
      tpu.wait_dma2 semaphore(%run_scoped3A : memref<!tpu.dma_semaphore, #tpu.memory_space<semaphore_mem>>) src(%dma_wait3A_115 : memref<128xi32, #tpu.memory_space<hbm>>) dst(%arg7 : memref<128xi32, #tpu.memory_space<vmem>>)
      tpu.yield
    }) : () -> ()
    "tpu.region"() ({
      %run_scoped3A = tpu.sem_alloc : memref<!tpu.dma_semaphore, #tpu.memory_space<semaphore_mem>>
      %dma_start3A = arith.constant 0 : i32
      %dma_start3A_106 = arith.constant 0 : i32
      %dma_start3A_107 = tpu.memref_slice %arg8[%dma_start3A, %dma_start3A_106] : memref<512x128xf32, #tpu.memory_space<vmem_shared>> -> memref<512x128xf32, #tpu.memory_space<vmem_shared>>
      tpu.enqueue_indirect_dma source(%arg6 : memref<128x128xf32, #tpu.memory_space<vmem>>) target(%dma_start3A_107 : memref<512x128xf32, #tpu.memory_space<vmem_shared>>) offsets(%arg7 : memref<128xi32, #tpu.memory_space<vmem>>) semaphore(%run_scoped3A : memref<!tpu.dma_semaphore, #tpu.memory_space<semaphore_mem>>) {add = true}
      %dma_wait3A = arith.constant 0 : i32
      %dma_wait3A_108 = arith.constant 0 : i32
      %dma_wait3A_109 = tpu.memref_slice %arg8[%dma_wait3A, %dma_wait3A_108] : memref<512x128xf32, #tpu.memory_space<vmem_shared>> -> memref<512x128xf32, #tpu.memory_space<vmem_shared>>
      tpu.wait_indirect_dma semaphore(%run_scoped3A : memref<!tpu.dma_semaphore, #tpu.memory_space<semaphore_mem>>) src(%arg6 : memref<128x128xf32, #tpu.memory_space<vmem>>) dst(%dma_wait3A_109 : memref<512x128xf32, #tpu.memory_space<vmem_shared>>)
      tpu.yield
    }) : () -> ()
    %add3A_57 = arith.constant 13 : i32
    %add3A_58 = arith.addi %mul3A_4, %add3A_57 : i32
    %mul3A_59 = arith.constant 128 : i32
    %mul3A_60 = arith.muli %add3A_58, %mul3A_59 : i32
    "tpu.region"() ({
      %run_scoped3A = tpu.sem_alloc : memref<!tpu.dma_semaphore, #tpu.memory_space<semaphore_mem>>
      %dma_start3A = arith.constant 0 : i32
      %dma_start3A_106 = tpu.memref_slice %arg2[%mul3A_60, %dma_start3A] : memref<102400x128xf32, #tpu.memory_space<hbm>> -> memref<128x128xf32, #tpu.memory_space<hbm>>
      %dma_start3A_107 = arith.constant 0 : i32
      %dma_start3A_108 = tpu.memref_slice %arg2[%mul3A_60, %dma_start3A_107] : memref<102400x128xf32, #tpu.memory_space<hbm>> -> memref<128x128xf32, #tpu.memory_space<hbm>>
      tpu.enqueue_dma source(%dma_start3A_108 : memref<128x128xf32, #tpu.memory_space<hbm>>) target(%arg6 : memref<128x128xf32, #tpu.memory_space<vmem>>) target_semaphore(%run_scoped3A : memref<!tpu.dma_semaphore, #tpu.memory_space<semaphore_mem>>)
      %dma_wait3A = arith.constant 0 : i32
      %dma_wait3A_109 = tpu.memref_slice %arg2[%mul3A_60, %dma_wait3A] : memref<102400x128xf32, #tpu.memory_space<hbm>> -> memref<128x128xf32, #tpu.memory_space<hbm>>
      %dma_wait3A_110 = arith.constant 0 : i32
      %dma_wait3A_111 = tpu.memref_slice %arg2[%mul3A_60, %dma_wait3A_110] : memref<102400x128xf32, #tpu.memory_space<hbm>> -> memref<128x128xf32, #tpu.memory_space<hbm>>
      tpu.wait_dma2 semaphore(%run_scoped3A : memref<!tpu.dma_semaphore, #tpu.memory_space<semaphore_mem>>) src(%dma_wait3A_111 : memref<128x128xf32, #tpu.memory_space<hbm>>) dst(%arg6 : memref<128x128xf32, #tpu.memory_space<vmem>>)
      tpu.yield
    }) : () -> ()
    "tpu.region"() ({
      %run_scoped3A = tpu.sem_alloc : memref<!tpu.dma_semaphore, #tpu.memory_space<semaphore_mem>>
      %dma_start3A = arith.constant 0 : i32
      %dma_start3A_106 = tpu.memref_slice %arg3[%add3A_58, %dma_start3A] : memref<800x128xi32, #tpu.memory_space<hbm>> -> memref<1x128xi32, #tpu.memory_space<hbm>>
      %dma_start3A_107 = tpu.memref_squeeze %dma_start3A_106 : memref<1x128xi32, #tpu.memory_space<hbm>> -> memref<128xi32, #tpu.memory_space<hbm>>
      %dma_start3A_108 = arith.constant 0 : i32
      %dma_start3A_109 = tpu.memref_slice %arg3[%add3A_58, %dma_start3A_108] : memref<800x128xi32, #tpu.memory_space<hbm>> -> memref<1x128xi32, #tpu.memory_space<hbm>>
      %dma_start3A_110 = tpu.memref_squeeze %dma_start3A_109 : memref<1x128xi32, #tpu.memory_space<hbm>> -> memref<128xi32, #tpu.memory_space<hbm>>
      tpu.enqueue_dma source(%dma_start3A_110 : memref<128xi32, #tpu.memory_space<hbm>>) target(%arg7 : memref<128xi32, #tpu.memory_space<vmem>>) target_semaphore(%run_scoped3A : memref<!tpu.dma_semaphore, #tpu.memory_space<semaphore_mem>>)
      %dma_wait3A = arith.constant 0 : i32
      %dma_wait3A_111 = tpu.memref_slice %arg3[%add3A_58, %dma_wait3A] : memref<800x128xi32, #tpu.memory_space<hbm>> -> memref<1x128xi32, #tpu.memory_space<hbm>>
      %dma_wait3A_112 = tpu.memref_squeeze %dma_wait3A_111 : memref<1x128xi32, #tpu.memory_space<hbm>> -> memref<128xi32, #tpu.memory_space<hbm>>
      %dma_wait3A_113 = arith.constant 0 : i32
      %dma_wait3A_114 = tpu.memref_slice %arg3[%add3A_58, %dma_wait3A_113] : memref<800x128xi32, #tpu.memory_space<hbm>> -> memref<1x128xi32, #tpu.memory_space<hbm>>
      %dma_wait3A_115 = tpu.memref_squeeze %dma_wait3A_114 : memref<1x128xi32, #tpu.memory_space<hbm>> -> memref<128xi32, #tpu.memory_space<hbm>>
      tpu.wait_dma2 semaphore(%run_scoped3A : memref<!tpu.dma_semaphore, #tpu.memory_space<semaphore_mem>>) src(%dma_wait3A_115 : memref<128xi32, #tpu.memory_space<hbm>>) dst(%arg7 : memref<128xi32, #tpu.memory_space<vmem>>)
      tpu.yield
    }) : () -> ()
    "tpu.region"() ({
      %run_scoped3A = tpu.sem_alloc : memref<!tpu.dma_semaphore, #tpu.memory_space<semaphore_mem>>
      %dma_start3A = arith.constant 0 : i32
      %dma_start3A_106 = arith.constant 0 : i32
      %dma_start3A_107 = tpu.memref_slice %arg8[%dma_start3A, %dma_start3A_106] : memref<512x128xf32, #tpu.memory_space<vmem_shared>> -> memref<512x128xf32, #tpu.memory_space<vmem_shared>>
      tpu.enqueue_indirect_dma source(%arg6 : memref<128x128xf32, #tpu.memory_space<vmem>>) target(%dma_start3A_107 : memref<512x128xf32, #tpu.memory_space<vmem_shared>>) offsets(%arg7 : memref<128xi32, #tpu.memory_space<vmem>>) semaphore(%run_scoped3A : memref<!tpu.dma_semaphore, #tpu.memory_space<semaphore_mem>>) {add = true}
      %dma_wait3A = arith.constant 0 : i32
      %dma_wait3A_108 = arith.constant 0 : i32
      %dma_wait3A_109 = tpu.memref_slice %arg8[%dma_wait3A, %dma_wait3A_108] : memref<512x128xf32, #tpu.memory_space<vmem_shared>> -> memref<512x128xf32, #tpu.memory_space<vmem_shared>>
      tpu.wait_indirect_dma semaphore(%run_scoped3A : memref<!tpu.dma_semaphore, #tpu.memory_space<semaphore_mem>>) src(%arg6 : memref<128x128xf32, #tpu.memory_space<vmem>>) dst(%dma_wait3A_109 : memref<512x128xf32, #tpu.memory_space<vmem_shared>>)
      tpu.yield
    }) : () -> ()
    %add3A_61 = arith.constant 14 : i32
    %add3A_62 = arith.addi %mul3A_4, %add3A_61 : i32
    %mul3A_63 = arith.constant 128 : i32
    %mul3A_64 = arith.muli %add3A_62, %mul3A_63 : i32
    "tpu.region"() ({
      %run_scoped3A = tpu.sem_alloc : memref<!tpu.dma_semaphore, #tpu.memory_space<semaphore_mem>>
      %dma_start3A = arith.constant 0 : i32
      %dma_start3A_106 = tpu.memref_slice %arg2[%mul3A_64, %dma_start3A] : memref<102400x128xf32, #tpu.memory_space<hbm>> -> memref<128x128xf32, #tpu.memory_space<hbm>>
      %dma_start3A_107 = arith.constant 0 : i32
      %dma_start3A_108 = tpu.memref_slice %arg2[%mul3A_64, %dma_start3A_107] : memref<102400x128xf32, #tpu.memory_space<hbm>> -> memref<128x128xf32, #tpu.memory_space<hbm>>
      tpu.enqueue_dma source(%dma_start3A_108 : memref<128x128xf32, #tpu.memory_space<hbm>>) target(%arg6 : memref<128x128xf32, #tpu.memory_space<vmem>>) target_semaphore(%run_scoped3A : memref<!tpu.dma_semaphore, #tpu.memory_space<semaphore_mem>>)
      %dma_wait3A = arith.constant 0 : i32
      %dma_wait3A_109 = tpu.memref_slice %arg2[%mul3A_64, %dma_wait3A] : memref<102400x128xf32, #tpu.memory_space<hbm>> -> memref<128x128xf32, #tpu.memory_space<hbm>>
      %dma_wait3A_110 = arith.constant 0 : i32
      %dma_wait3A_111 = tpu.memref_slice %arg2[%mul3A_64, %dma_wait3A_110] : memref<102400x128xf32, #tpu.memory_space<hbm>> -> memref<128x128xf32, #tpu.memory_space<hbm>>
      tpu.wait_dma2 semaphore(%run_scoped3A : memref<!tpu.dma_semaphore, #tpu.memory_space<semaphore_mem>>) src(%dma_wait3A_111 : memref<128x128xf32, #tpu.memory_space<hbm>>) dst(%arg6 : memref<128x128xf32, #tpu.memory_space<vmem>>)
      tpu.yield
    }) : () -> ()
    "tpu.region"() ({
      %run_scoped3A = tpu.sem_alloc : memref<!tpu.dma_semaphore, #tpu.memory_space<semaphore_mem>>
      %dma_start3A = arith.constant 0 : i32
      %dma_start3A_106 = tpu.memref_slice %arg3[%add3A_62, %dma_start3A] : memref<800x128xi32, #tpu.memory_space<hbm>> -> memref<1x128xi32, #tpu.memory_space<hbm>>
      %dma_start3A_107 = tpu.memref_squeeze %dma_start3A_106 : memref<1x128xi32, #tpu.memory_space<hbm>> -> memref<128xi32, #tpu.memory_space<hbm>>
      %dma_start3A_108 = arith.constant 0 : i32
      %dma_start3A_109 = tpu.memref_slice %arg3[%add3A_62, %dma_start3A_108] : memref<800x128xi32, #tpu.memory_space<hbm>> -> memref<1x128xi32, #tpu.memory_space<hbm>>
      %dma_start3A_110 = tpu.memref_squeeze %dma_start3A_109 : memref<1x128xi32, #tpu.memory_space<hbm>> -> memref<128xi32, #tpu.memory_space<hbm>>
      tpu.enqueue_dma source(%dma_start3A_110 : memref<128xi32, #tpu.memory_space<hbm>>) target(%arg7 : memref<128xi32, #tpu.memory_space<vmem>>) target_semaphore(%run_scoped3A : memref<!tpu.dma_semaphore, #tpu.memory_space<semaphore_mem>>)
      %dma_wait3A = arith.constant 0 : i32
      %dma_wait3A_111 = tpu.memref_slice %arg3[%add3A_62, %dma_wait3A] : memref<800x128xi32, #tpu.memory_space<hbm>> -> memref<1x128xi32, #tpu.memory_space<hbm>>
      %dma_wait3A_112 = tpu.memref_squeeze %dma_wait3A_111 : memref<1x128xi32, #tpu.memory_space<hbm>> -> memref<128xi32, #tpu.memory_space<hbm>>
      %dma_wait3A_113 = arith.constant 0 : i32
      %dma_wait3A_114 = tpu.memref_slice %arg3[%add3A_62, %dma_wait3A_113] : memref<800x128xi32, #tpu.memory_space<hbm>> -> memref<1x128xi32, #tpu.memory_space<hbm>>
      %dma_wait3A_115 = tpu.memref_squeeze %dma_wait3A_114 : memref<1x128xi32, #tpu.memory_space<hbm>> -> memref<128xi32, #tpu.memory_space<hbm>>
      tpu.wait_dma2 semaphore(%run_scoped3A : memref<!tpu.dma_semaphore, #tpu.memory_space<semaphore_mem>>) src(%dma_wait3A_115 : memref<128xi32, #tpu.memory_space<hbm>>) dst(%arg7 : memref<128xi32, #tpu.memory_space<vmem>>)
      tpu.yield
    }) : () -> ()
    "tpu.region"() ({
      %run_scoped3A = tpu.sem_alloc : memref<!tpu.dma_semaphore, #tpu.memory_space<semaphore_mem>>
      %dma_start3A = arith.constant 0 : i32
      %dma_start3A_106 = arith.constant 0 : i32
      %dma_start3A_107 = tpu.memref_slice %arg8[%dma_start3A, %dma_start3A_106] : memref<512x128xf32, #tpu.memory_space<vmem_shared>> -> memref<512x128xf32, #tpu.memory_space<vmem_shared>>
      tpu.enqueue_indirect_dma source(%arg6 : memref<128x128xf32, #tpu.memory_space<vmem>>) target(%dma_start3A_107 : memref<512x128xf32, #tpu.memory_space<vmem_shared>>) offsets(%arg7 : memref<128xi32, #tpu.memory_space<vmem>>) semaphore(%run_scoped3A : memref<!tpu.dma_semaphore, #tpu.memory_space<semaphore_mem>>) {add = true}
      %dma_wait3A = arith.constant 0 : i32
      %dma_wait3A_108 = arith.constant 0 : i32
      %dma_wait3A_109 = tpu.memref_slice %arg8[%dma_wait3A, %dma_wait3A_108] : memref<512x128xf32, #tpu.memory_space<vmem_shared>> -> memref<512x128xf32, #tpu.memory_space<vmem_shared>>
      tpu.wait_indirect_dma semaphore(%run_scoped3A : memref<!tpu.dma_semaphore, #tpu.memory_space<semaphore_mem>>) src(%arg6 : memref<128x128xf32, #tpu.memory_space<vmem>>) dst(%dma_wait3A_109 : memref<512x128xf32, #tpu.memory_space<vmem_shared>>)
      tpu.yield
    }) : () -> ()
    %add3A_65 = arith.constant 15 : i32
    %add3A_66 = arith.addi %mul3A_4, %add3A_65 : i32
    %mul3A_67 = arith.constant 128 : i32
    %mul3A_68 = arith.muli %add3A_66, %mul3A_67 : i32
    "tpu.region"() ({
      %run_scoped3A = tpu.sem_alloc : memref<!tpu.dma_semaphore, #tpu.memory_space<semaphore_mem>>
      %dma_start3A = arith.constant 0 : i32
      %dma_start3A_106 = tpu.memref_slice %arg2[%mul3A_68, %dma_start3A] : memref<102400x128xf32, #tpu.memory_space<hbm>> -> memref<128x128xf32, #tpu.memory_space<hbm>>
      %dma_start3A_107 = arith.constant 0 : i32
      %dma_start3A_108 = tpu.memref_slice %arg2[%mul3A_68, %dma_start3A_107] : memref<102400x128xf32, #tpu.memory_space<hbm>> -> memref<128x128xf32, #tpu.memory_space<hbm>>
      tpu.enqueue_dma source(%dma_start3A_108 : memref<128x128xf32, #tpu.memory_space<hbm>>) target(%arg6 : memref<128x128xf32, #tpu.memory_space<vmem>>) target_semaphore(%run_scoped3A : memref<!tpu.dma_semaphore, #tpu.memory_space<semaphore_mem>>)
      %dma_wait3A = arith.constant 0 : i32
      %dma_wait3A_109 = tpu.memref_slice %arg2[%mul3A_68, %dma_wait3A] : memref<102400x128xf32, #tpu.memory_space<hbm>> -> memref<128x128xf32, #tpu.memory_space<hbm>>
      %dma_wait3A_110 = arith.constant 0 : i32
      %dma_wait3A_111 = tpu.memref_slice %arg2[%mul3A_68, %dma_wait3A_110] : memref<102400x128xf32, #tpu.memory_space<hbm>> -> memref<128x128xf32, #tpu.memory_space<hbm>>
      tpu.wait_dma2 semaphore(%run_scoped3A : memref<!tpu.dma_semaphore, #tpu.memory_space<semaphore_mem>>) src(%dma_wait3A_111 : memref<128x128xf32, #tpu.memory_space<hbm>>) dst(%arg6 : memref<128x128xf32, #tpu.memory_space<vmem>>)
      tpu.yield
    }) : () -> ()
    "tpu.region"() ({
      %run_scoped3A = tpu.sem_alloc : memref<!tpu.dma_semaphore, #tpu.memory_space<semaphore_mem>>
      %dma_start3A = arith.constant 0 : i32
      %dma_start3A_106 = tpu.memref_slice %arg3[%add3A_66, %dma_start3A] : memref<800x128xi32, #tpu.memory_space<hbm>> -> memref<1x128xi32, #tpu.memory_space<hbm>>
      %dma_start3A_107 = tpu.memref_squeeze %dma_start3A_106 : memref<1x128xi32, #tpu.memory_space<hbm>> -> memref<128xi32, #tpu.memory_space<hbm>>
      %dma_start3A_108 = arith.constant 0 : i32
      %dma_start3A_109 = tpu.memref_slice %arg3[%add3A_66, %dma_start3A_108] : memref<800x128xi32, #tpu.memory_space<hbm>> -> memref<1x128xi32, #tpu.memory_space<hbm>>
      %dma_start3A_110 = tpu.memref_squeeze %dma_start3A_109 : memref<1x128xi32, #tpu.memory_space<hbm>> -> memref<128xi32, #tpu.memory_space<hbm>>
      tpu.enqueue_dma source(%dma_start3A_110 : memref<128xi32, #tpu.memory_space<hbm>>) target(%arg7 : memref<128xi32, #tpu.memory_space<vmem>>) target_semaphore(%run_scoped3A : memref<!tpu.dma_semaphore, #tpu.memory_space<semaphore_mem>>)
      %dma_wait3A = arith.constant 0 : i32
      %dma_wait3A_111 = tpu.memref_slice %arg3[%add3A_66, %dma_wait3A] : memref<800x128xi32, #tpu.memory_space<hbm>> -> memref<1x128xi32, #tpu.memory_space<hbm>>
      %dma_wait3A_112 = tpu.memref_squeeze %dma_wait3A_111 : memref<1x128xi32, #tpu.memory_space<hbm>> -> memref<128xi32, #tpu.memory_space<hbm>>
      %dma_wait3A_113 = arith.constant 0 : i32
      %dma_wait3A_114 = tpu.memref_slice %arg3[%add3A_66, %dma_wait3A_113] : memref<800x128xi32, #tpu.memory_space<hbm>> -> memref<1x128xi32, #tpu.memory_space<hbm>>
      %dma_wait3A_115 = tpu.memref_squeeze %dma_wait3A_114 : memref<1x128xi32, #tpu.memory_space<hbm>> -> memref<128xi32, #tpu.memory_space<hbm>>
      tpu.wait_dma2 semaphore(%run_scoped3A : memref<!tpu.dma_semaphore, #tpu.memory_space<semaphore_mem>>) src(%dma_wait3A_115 : memref<128xi32, #tpu.memory_space<hbm>>) dst(%arg7 : memref<128xi32, #tpu.memory_space<vmem>>)
      tpu.yield
    }) : () -> ()
    "tpu.region"() ({
      %run_scoped3A = tpu.sem_alloc : memref<!tpu.dma_semaphore, #tpu.memory_space<semaphore_mem>>
      %dma_start3A = arith.constant 0 : i32
      %dma_start3A_106 = arith.constant 0 : i32
      %dma_start3A_107 = tpu.memref_slice %arg8[%dma_start3A, %dma_start3A_106] : memref<512x128xf32, #tpu.memory_space<vmem_shared>> -> memref<512x128xf32, #tpu.memory_space<vmem_shared>>
      tpu.enqueue_indirect_dma source(%arg6 : memref<128x128xf32, #tpu.memory_space<vmem>>) target(%dma_start3A_107 : memref<512x128xf32, #tpu.memory_space<vmem_shared>>) offsets(%arg7 : memref<128xi32, #tpu.memory_space<vmem>>) semaphore(%run_scoped3A : memref<!tpu.dma_semaphore, #tpu.memory_space<semaphore_mem>>) {add = true}
      %dma_wait3A = arith.constant 0 : i32
      %dma_wait3A_108 = arith.constant 0 : i32
      %dma_wait3A_109 = tpu.memref_slice %arg8[%dma_wait3A, %dma_wait3A_108] : memref<512x128xf32, #tpu.memory_space<vmem_shared>> -> memref<512x128xf32, #tpu.memory_space<vmem_shared>>
      tpu.wait_indirect_dma semaphore(%run_scoped3A : memref<!tpu.dma_semaphore, #tpu.memory_space<semaphore_mem>>) src(%arg6 : memref<128x128xf32, #tpu.memory_space<vmem>>) dst(%dma_wait3A_109 : memref<512x128xf32, #tpu.memory_space<vmem_shared>>)
      tpu.yield
    }) : () -> ()
    %add3A_69 = arith.constant 16 : i32
    %add3A_70 = arith.addi %mul3A_4, %add3A_69 : i32
    %mul3A_71 = arith.constant 128 : i32
    %mul3A_72 = arith.muli %add3A_70, %mul3A_71 : i32
    "tpu.region"() ({
      %run_scoped3A = tpu.sem_alloc : memref<!tpu.dma_semaphore, #tpu.memory_space<semaphore_mem>>
      %dma_start3A = arith.constant 0 : i32
      %dma_start3A_106 = tpu.memref_slice %arg2[%mul3A_72, %dma_start3A] : memref<102400x128xf32, #tpu.memory_space<hbm>> -> memref<128x128xf32, #tpu.memory_space<hbm>>
      %dma_start3A_107 = arith.constant 0 : i32
      %dma_start3A_108 = tpu.memref_slice %arg2[%mul3A_72, %dma_start3A_107] : memref<102400x128xf32, #tpu.memory_space<hbm>> -> memref<128x128xf32, #tpu.memory_space<hbm>>
      tpu.enqueue_dma source(%dma_start3A_108 : memref<128x128xf32, #tpu.memory_space<hbm>>) target(%arg6 : memref<128x128xf32, #tpu.memory_space<vmem>>) target_semaphore(%run_scoped3A : memref<!tpu.dma_semaphore, #tpu.memory_space<semaphore_mem>>)
      %dma_wait3A = arith.constant 0 : i32
      %dma_wait3A_109 = tpu.memref_slice %arg2[%mul3A_72, %dma_wait3A] : memref<102400x128xf32, #tpu.memory_space<hbm>> -> memref<128x128xf32, #tpu.memory_space<hbm>>
      %dma_wait3A_110 = arith.constant 0 : i32
      %dma_wait3A_111 = tpu.memref_slice %arg2[%mul3A_72, %dma_wait3A_110] : memref<102400x128xf32, #tpu.memory_space<hbm>> -> memref<128x128xf32, #tpu.memory_space<hbm>>
      tpu.wait_dma2 semaphore(%run_scoped3A : memref<!tpu.dma_semaphore, #tpu.memory_space<semaphore_mem>>) src(%dma_wait3A_111 : memref<128x128xf32, #tpu.memory_space<hbm>>) dst(%arg6 : memref<128x128xf32, #tpu.memory_space<vmem>>)
      tpu.yield
    }) : () -> ()
    "tpu.region"() ({
      %run_scoped3A = tpu.sem_alloc : memref<!tpu.dma_semaphore, #tpu.memory_space<semaphore_mem>>
      %dma_start3A = arith.constant 0 : i32
      %dma_start3A_106 = tpu.memref_slice %arg3[%add3A_70, %dma_start3A] : memref<800x128xi32, #tpu.memory_space<hbm>> -> memref<1x128xi32, #tpu.memory_space<hbm>>
      %dma_start3A_107 = tpu.memref_squeeze %dma_start3A_106 : memref<1x128xi32, #tpu.memory_space<hbm>> -> memref<128xi32, #tpu.memory_space<hbm>>
      %dma_start3A_108 = arith.constant 0 : i32
      %dma_start3A_109 = tpu.memref_slice %arg3[%add3A_70, %dma_start3A_108] : memref<800x128xi32, #tpu.memory_space<hbm>> -> memref<1x128xi32, #tpu.memory_space<hbm>>
      %dma_start3A_110 = tpu.memref_squeeze %dma_start3A_109 : memref<1x128xi32, #tpu.memory_space<hbm>> -> memref<128xi32, #tpu.memory_space<hbm>>
      tpu.enqueue_dma source(%dma_start3A_110 : memref<128xi32, #tpu.memory_space<hbm>>) target(%arg7 : memref<128xi32, #tpu.memory_space<vmem>>) target_semaphore(%run_scoped3A : memref<!tpu.dma_semaphore, #tpu.memory_space<semaphore_mem>>)
      %dma_wait3A = arith.constant 0 : i32
      %dma_wait3A_111 = tpu.memref_slice %arg3[%add3A_70, %dma_wait3A] : memref<800x128xi32, #tpu.memory_space<hbm>> -> memref<1x128xi32, #tpu.memory_space<hbm>>
      %dma_wait3A_112 = tpu.memref_squeeze %dma_wait3A_111 : memref<1x128xi32, #tpu.memory_space<hbm>> -> memref<128xi32, #tpu.memory_space<hbm>>
      %dma_wait3A_113 = arith.constant 0 : i32
      %dma_wait3A_114 = tpu.memref_slice %arg3[%add3A_70, %dma_wait3A_113] : memref<800x128xi32, #tpu.memory_space<hbm>> -> memref<1x128xi32, #tpu.memory_space<hbm>>
      %dma_wait3A_115 = tpu.memref_squeeze %dma_wait3A_114 : memref<1x128xi32, #tpu.memory_space<hbm>> -> memref<128xi32, #tpu.memory_space<hbm>>
      tpu.wait_dma2 semaphore(%run_scoped3A : memref<!tpu.dma_semaphore, #tpu.memory_space<semaphore_mem>>) src(%dma_wait3A_115 : memref<128xi32, #tpu.memory_space<hbm>>) dst(%arg7 : memref<128xi32, #tpu.memory_space<vmem>>)
      tpu.yield
    }) : () -> ()
    "tpu.region"() ({
      %run_scoped3A = tpu.sem_alloc : memref<!tpu.dma_semaphore, #tpu.memory_space<semaphore_mem>>
      %dma_start3A = arith.constant 0 : i32
      %dma_start3A_106 = arith.constant 0 : i32
      %dma_start3A_107 = tpu.memref_slice %arg8[%dma_start3A, %dma_start3A_106] : memref<512x128xf32, #tpu.memory_space<vmem_shared>> -> memref<512x128xf32, #tpu.memory_space<vmem_shared>>
      tpu.enqueue_indirect_dma source(%arg6 : memref<128x128xf32, #tpu.memory_space<vmem>>) target(%dma_start3A_107 : memref<512x128xf32, #tpu.memory_space<vmem_shared>>) offsets(%arg7 : memref<128xi32, #tpu.memory_space<vmem>>) semaphore(%run_scoped3A : memref<!tpu.dma_semaphore, #tpu.memory_space<semaphore_mem>>) {add = true}
      %dma_wait3A = arith.constant 0 : i32
      %dma_wait3A_108 = arith.constant 0 : i32
      %dma_wait3A_109 = tpu.memref_slice %arg8[%dma_wait3A, %dma_wait3A_108] : memref<512x128xf32, #tpu.memory_space<vmem_shared>> -> memref<512x128xf32, #tpu.memory_space<vmem_shared>>
      tpu.wait_indirect_dma semaphore(%run_scoped3A : memref<!tpu.dma_semaphore, #tpu.memory_space<semaphore_mem>>) src(%arg6 : memref<128x128xf32, #tpu.memory_space<vmem>>) dst(%dma_wait3A_109 : memref<512x128xf32, #tpu.memory_space<vmem_shared>>)
      tpu.yield
    }) : () -> ()
    %add3A_73 = arith.constant 17 : i32
    %add3A_74 = arith.addi %mul3A_4, %add3A_73 : i32
    %mul3A_75 = arith.constant 128 : i32
    %mul3A_76 = arith.muli %add3A_74, %mul3A_75 : i32
    "tpu.region"() ({
      %run_scoped3A = tpu.sem_alloc : memref<!tpu.dma_semaphore, #tpu.memory_space<semaphore_mem>>
      %dma_start3A = arith.constant 0 : i32
      %dma_start3A_106 = tpu.memref_slice %arg2[%mul3A_76, %dma_start3A] : memref<102400x128xf32, #tpu.memory_space<hbm>> -> memref<128x128xf32, #tpu.memory_space<hbm>>
      %dma_start3A_107 = arith.constant 0 : i32
      %dma_start3A_108 = tpu.memref_slice %arg2[%mul3A_76, %dma_start3A_107] : memref<102400x128xf32, #tpu.memory_space<hbm>> -> memref<128x128xf32, #tpu.memory_space<hbm>>
      tpu.enqueue_dma source(%dma_start3A_108 : memref<128x128xf32, #tpu.memory_space<hbm>>) target(%arg6 : memref<128x128xf32, #tpu.memory_space<vmem>>) target_semaphore(%run_scoped3A : memref<!tpu.dma_semaphore, #tpu.memory_space<semaphore_mem>>)
      %dma_wait3A = arith.constant 0 : i32
      %dma_wait3A_109 = tpu.memref_slice %arg2[%mul3A_76, %dma_wait3A] : memref<102400x128xf32, #tpu.memory_space<hbm>> -> memref<128x128xf32, #tpu.memory_space<hbm>>
      %dma_wait3A_110 = arith.constant 0 : i32
      %dma_wait3A_111 = tpu.memref_slice %arg2[%mul3A_76, %dma_wait3A_110] : memref<102400x128xf32, #tpu.memory_space<hbm>> -> memref<128x128xf32, #tpu.memory_space<hbm>>
      tpu.wait_dma2 semaphore(%run_scoped3A : memref<!tpu.dma_semaphore, #tpu.memory_space<semaphore_mem>>) src(%dma_wait3A_111 : memref<128x128xf32, #tpu.memory_space<hbm>>) dst(%arg6 : memref<128x128xf32, #tpu.memory_space<vmem>>)
      tpu.yield
    }) : () -> ()
    "tpu.region"() ({
      %run_scoped3A = tpu.sem_alloc : memref<!tpu.dma_semaphore, #tpu.memory_space<semaphore_mem>>
      %dma_start3A = arith.constant 0 : i32
      %dma_start3A_106 = tpu.memref_slice %arg3[%add3A_74, %dma_start3A] : memref<800x128xi32, #tpu.memory_space<hbm>> -> memref<1x128xi32, #tpu.memory_space<hbm>>
      %dma_start3A_107 = tpu.memref_squeeze %dma_start3A_106 : memref<1x128xi32, #tpu.memory_space<hbm>> -> memref<128xi32, #tpu.memory_space<hbm>>
      %dma_start3A_108 = arith.constant 0 : i32
      %dma_start3A_109 = tpu.memref_slice %arg3[%add3A_74, %dma_start3A_108] : memref<800x128xi32, #tpu.memory_space<hbm>> -> memref<1x128xi32, #tpu.memory_space<hbm>>
      %dma_start3A_110 = tpu.memref_squeeze %dma_start3A_109 : memref<1x128xi32, #tpu.memory_space<hbm>> -> memref<128xi32, #tpu.memory_space<hbm>>
      tpu.enqueue_dma source(%dma_start3A_110 : memref<128xi32, #tpu.memory_space<hbm>>) target(%arg7 : memref<128xi32, #tpu.memory_space<vmem>>) target_semaphore(%run_scoped3A : memref<!tpu.dma_semaphore, #tpu.memory_space<semaphore_mem>>)
      %dma_wait3A = arith.constant 0 : i32
      %dma_wait3A_111 = tpu.memref_slice %arg3[%add3A_74, %dma_wait3A] : memref<800x128xi32, #tpu.memory_space<hbm>> -> memref<1x128xi32, #tpu.memory_space<hbm>>
      %dma_wait3A_112 = tpu.memref_squeeze %dma_wait3A_111 : memref<1x128xi32, #tpu.memory_space<hbm>> -> memref<128xi32, #tpu.memory_space<hbm>>
      %dma_wait3A_113 = arith.constant 0 : i32
      %dma_wait3A_114 = tpu.memref_slice %arg3[%add3A_74, %dma_wait3A_113] : memref<800x128xi32, #tpu.memory_space<hbm>> -> memref<1x128xi32, #tpu.memory_space<hbm>>
      %dma_wait3A_115 = tpu.memref_squeeze %dma_wait3A_114 : memref<1x128xi32, #tpu.memory_space<hbm>> -> memref<128xi32, #tpu.memory_space<hbm>>
      tpu.wait_dma2 semaphore(%run_scoped3A : memref<!tpu.dma_semaphore, #tpu.memory_space<semaphore_mem>>) src(%dma_wait3A_115 : memref<128xi32, #tpu.memory_space<hbm>>) dst(%arg7 : memref<128xi32, #tpu.memory_space<vmem>>)
      tpu.yield
    }) : () -> ()
    "tpu.region"() ({
      %run_scoped3A = tpu.sem_alloc : memref<!tpu.dma_semaphore, #tpu.memory_space<semaphore_mem>>
      %dma_start3A = arith.constant 0 : i32
      %dma_start3A_106 = arith.constant 0 : i32
      %dma_start3A_107 = tpu.memref_slice %arg8[%dma_start3A, %dma_start3A_106] : memref<512x128xf32, #tpu.memory_space<vmem_shared>> -> memref<512x128xf32, #tpu.memory_space<vmem_shared>>
      tpu.enqueue_indirect_dma source(%arg6 : memref<128x128xf32, #tpu.memory_space<vmem>>) target(%dma_start3A_107 : memref<512x128xf32, #tpu.memory_space<vmem_shared>>) offsets(%arg7 : memref<128xi32, #tpu.memory_space<vmem>>) semaphore(%run_scoped3A : memref<!tpu.dma_semaphore, #tpu.memory_space<semaphore_mem>>) {add = true}
      %dma_wait3A = arith.constant 0 : i32
      %dma_wait3A_108 = arith.constant 0 : i32
      %dma_wait3A_109 = tpu.memref_slice %arg8[%dma_wait3A, %dma_wait3A_108] : memref<512x128xf32, #tpu.memory_space<vmem_shared>> -> memref<512x128xf32, #tpu.memory_space<vmem_shared>>
      tpu.wait_indirect_dma semaphore(%run_scoped3A : memref<!tpu.dma_semaphore, #tpu.memory_space<semaphore_mem>>) src(%arg6 : memref<128x128xf32, #tpu.memory_space<vmem>>) dst(%dma_wait3A_109 : memref<512x128xf32, #tpu.memory_space<vmem_shared>>)
      tpu.yield
    }) : () -> ()
    %add3A_77 = arith.constant 18 : i32
    %add3A_78 = arith.addi %mul3A_4, %add3A_77 : i32
    %mul3A_79 = arith.constant 128 : i32
    %mul3A_80 = arith.muli %add3A_78, %mul3A_79 : i32
    "tpu.region"() ({
      %run_scoped3A = tpu.sem_alloc : memref<!tpu.dma_semaphore, #tpu.memory_space<semaphore_mem>>
      %dma_start3A = arith.constant 0 : i32
      %dma_start3A_106 = tpu.memref_slice %arg2[%mul3A_80, %dma_start3A] : memref<102400x128xf32, #tpu.memory_space<hbm>> -> memref<128x128xf32, #tpu.memory_space<hbm>>
      %dma_start3A_107 = arith.constant 0 : i32
      %dma_start3A_108 = tpu.memref_slice %arg2[%mul3A_80, %dma_start3A_107] : memref<102400x128xf32, #tpu.memory_space<hbm>> -> memref<128x128xf32, #tpu.memory_space<hbm>>
      tpu.enqueue_dma source(%dma_start3A_108 : memref<128x128xf32, #tpu.memory_space<hbm>>) target(%arg6 : memref<128x128xf32, #tpu.memory_space<vmem>>) target_semaphore(%run_scoped3A : memref<!tpu.dma_semaphore, #tpu.memory_space<semaphore_mem>>)
      %dma_wait3A = arith.constant 0 : i32
      %dma_wait3A_109 = tpu.memref_slice %arg2[%mul3A_80, %dma_wait3A] : memref<102400x128xf32, #tpu.memory_space<hbm>> -> memref<128x128xf32, #tpu.memory_space<hbm>>
      %dma_wait3A_110 = arith.constant 0 : i32
      %dma_wait3A_111 = tpu.memref_slice %arg2[%mul3A_80, %dma_wait3A_110] : memref<102400x128xf32, #tpu.memory_space<hbm>> -> memref<128x128xf32, #tpu.memory_space<hbm>>
      tpu.wait_dma2 semaphore(%run_scoped3A : memref<!tpu.dma_semaphore, #tpu.memory_space<semaphore_mem>>) src(%dma_wait3A_111 : memref<128x128xf32, #tpu.memory_space<hbm>>) dst(%arg6 : memref<128x128xf32, #tpu.memory_space<vmem>>)
      tpu.yield
    }) : () -> ()
    "tpu.region"() ({
      %run_scoped3A = tpu.sem_alloc : memref<!tpu.dma_semaphore, #tpu.memory_space<semaphore_mem>>
      %dma_start3A = arith.constant 0 : i32
      %dma_start3A_106 = tpu.memref_slice %arg3[%add3A_78, %dma_start3A] : memref<800x128xi32, #tpu.memory_space<hbm>> -> memref<1x128xi32, #tpu.memory_space<hbm>>
      %dma_start3A_107 = tpu.memref_squeeze %dma_start3A_106 : memref<1x128xi32, #tpu.memory_space<hbm>> -> memref<128xi32, #tpu.memory_space<hbm>>
      %dma_start3A_108 = arith.constant 0 : i32
      %dma_start3A_109 = tpu.memref_slice %arg3[%add3A_78, %dma_start3A_108] : memref<800x128xi32, #tpu.memory_space<hbm>> -> memref<1x128xi32, #tpu.memory_space<hbm>>
      %dma_start3A_110 = tpu.memref_squeeze %dma_start3A_109 : memref<1x128xi32, #tpu.memory_space<hbm>> -> memref<128xi32, #tpu.memory_space<hbm>>
      tpu.enqueue_dma source(%dma_start3A_110 : memref<128xi32, #tpu.memory_space<hbm>>) target(%arg7 : memref<128xi32, #tpu.memory_space<vmem>>) target_semaphore(%run_scoped3A : memref<!tpu.dma_semaphore, #tpu.memory_space<semaphore_mem>>)
      %dma_wait3A = arith.constant 0 : i32
      %dma_wait3A_111 = tpu.memref_slice %arg3[%add3A_78, %dma_wait3A] : memref<800x128xi32, #tpu.memory_space<hbm>> -> memref<1x128xi32, #tpu.memory_space<hbm>>
      %dma_wait3A_112 = tpu.memref_squeeze %dma_wait3A_111 : memref<1x128xi32, #tpu.memory_space<hbm>> -> memref<128xi32, #tpu.memory_space<hbm>>
      %dma_wait3A_113 = arith.constant 0 : i32
      %dma_wait3A_114 = tpu.memref_slice %arg3[%add3A_78, %dma_wait3A_113] : memref<800x128xi32, #tpu.memory_space<hbm>> -> memref<1x128xi32, #tpu.memory_space<hbm>>
      %dma_wait3A_115 = tpu.memref_squeeze %dma_wait3A_114 : memref<1x128xi32, #tpu.memory_space<hbm>> -> memref<128xi32, #tpu.memory_space<hbm>>
      tpu.wait_dma2 semaphore(%run_scoped3A : memref<!tpu.dma_semaphore, #tpu.memory_space<semaphore_mem>>) src(%dma_wait3A_115 : memref<128xi32, #tpu.memory_space<hbm>>) dst(%arg7 : memref<128xi32, #tpu.memory_space<vmem>>)
      tpu.yield
    }) : () -> ()
    "tpu.region"() ({
      %run_scoped3A = tpu.sem_alloc : memref<!tpu.dma_semaphore, #tpu.memory_space<semaphore_mem>>
      %dma_start3A = arith.constant 0 : i32
      %dma_start3A_106 = arith.constant 0 : i32
      %dma_start3A_107 = tpu.memref_slice %arg8[%dma_start3A, %dma_start3A_106] : memref<512x128xf32, #tpu.memory_space<vmem_shared>> -> memref<512x128xf32, #tpu.memory_space<vmem_shared>>
      tpu.enqueue_indirect_dma source(%arg6 : memref<128x128xf32, #tpu.memory_space<vmem>>) target(%dma_start3A_107 : memref<512x128xf32, #tpu.memory_space<vmem_shared>>) offsets(%arg7 : memref<128xi32, #tpu.memory_space<vmem>>) semaphore(%run_scoped3A : memref<!tpu.dma_semaphore, #tpu.memory_space<semaphore_mem>>) {add = true}
      %dma_wait3A = arith.constant 0 : i32
      %dma_wait3A_108 = arith.constant 0 : i32
      %dma_wait3A_109 = tpu.memref_slice %arg8[%dma_wait3A, %dma_wait3A_108] : memref<512x128xf32, #tpu.memory_space<vmem_shared>> -> memref<512x128xf32, #tpu.memory_space<vmem_shared>>
      tpu.wait_indirect_dma semaphore(%run_scoped3A : memref<!tpu.dma_semaphore, #tpu.memory_space<semaphore_mem>>) src(%arg6 : memref<128x128xf32, #tpu.memory_space<vmem>>) dst(%dma_wait3A_109 : memref<512x128xf32, #tpu.memory_space<vmem_shared>>)
      tpu.yield
    }) : () -> ()
    %add3A_81 = arith.constant 19 : i32
    %add3A_82 = arith.addi %mul3A_4, %add3A_81 : i32
    %mul3A_83 = arith.constant 128 : i32
    %mul3A_84 = arith.muli %add3A_82, %mul3A_83 : i32
    "tpu.region"() ({
      %run_scoped3A = tpu.sem_alloc : memref<!tpu.dma_semaphore, #tpu.memory_space<semaphore_mem>>
      %dma_start3A = arith.constant 0 : i32
      %dma_start3A_106 = tpu.memref_slice %arg2[%mul3A_84, %dma_start3A] : memref<102400x128xf32, #tpu.memory_space<hbm>> -> memref<128x128xf32, #tpu.memory_space<hbm>>
      %dma_start3A_107 = arith.constant 0 : i32
      %dma_start3A_108 = tpu.memref_slice %arg2[%mul3A_84, %dma_start3A_107] : memref<102400x128xf32, #tpu.memory_space<hbm>> -> memref<128x128xf32, #tpu.memory_space<hbm>>
      tpu.enqueue_dma source(%dma_start3A_108 : memref<128x128xf32, #tpu.memory_space<hbm>>) target(%arg6 : memref<128x128xf32, #tpu.memory_space<vmem>>) target_semaphore(%run_scoped3A : memref<!tpu.dma_semaphore, #tpu.memory_space<semaphore_mem>>)
      %dma_wait3A = arith.constant 0 : i32
      %dma_wait3A_109 = tpu.memref_slice %arg2[%mul3A_84, %dma_wait3A] : memref<102400x128xf32, #tpu.memory_space<hbm>> -> memref<128x128xf32, #tpu.memory_space<hbm>>
      %dma_wait3A_110 = arith.constant 0 : i32
      %dma_wait3A_111 = tpu.memref_slice %arg2[%mul3A_84, %dma_wait3A_110] : memref<102400x128xf32, #tpu.memory_space<hbm>> -> memref<128x128xf32, #tpu.memory_space<hbm>>
      tpu.wait_dma2 semaphore(%run_scoped3A : memref<!tpu.dma_semaphore, #tpu.memory_space<semaphore_mem>>) src(%dma_wait3A_111 : memref<128x128xf32, #tpu.memory_space<hbm>>) dst(%arg6 : memref<128x128xf32, #tpu.memory_space<vmem>>)
      tpu.yield
    }) : () -> ()
    "tpu.region"() ({
      %run_scoped3A = tpu.sem_alloc : memref<!tpu.dma_semaphore, #tpu.memory_space<semaphore_mem>>
      %dma_start3A = arith.constant 0 : i32
      %dma_start3A_106 = tpu.memref_slice %arg3[%add3A_82, %dma_start3A] : memref<800x128xi32, #tpu.memory_space<hbm>> -> memref<1x128xi32, #tpu.memory_space<hbm>>
      %dma_start3A_107 = tpu.memref_squeeze %dma_start3A_106 : memref<1x128xi32, #tpu.memory_space<hbm>> -> memref<128xi32, #tpu.memory_space<hbm>>
      %dma_start3A_108 = arith.constant 0 : i32
      %dma_start3A_109 = tpu.memref_slice %arg3[%add3A_82, %dma_start3A_108] : memref<800x128xi32, #tpu.memory_space<hbm>> -> memref<1x128xi32, #tpu.memory_space<hbm>>
      %dma_start3A_110 = tpu.memref_squeeze %dma_start3A_109 : memref<1x128xi32, #tpu.memory_space<hbm>> -> memref<128xi32, #tpu.memory_space<hbm>>
      tpu.enqueue_dma source(%dma_start3A_110 : memref<128xi32, #tpu.memory_space<hbm>>) target(%arg7 : memref<128xi32, #tpu.memory_space<vmem>>) target_semaphore(%run_scoped3A : memref<!tpu.dma_semaphore, #tpu.memory_space<semaphore_mem>>)
      %dma_wait3A = arith.constant 0 : i32
      %dma_wait3A_111 = tpu.memref_slice %arg3[%add3A_82, %dma_wait3A] : memref<800x128xi32, #tpu.memory_space<hbm>> -> memref<1x128xi32, #tpu.memory_space<hbm>>
      %dma_wait3A_112 = tpu.memref_squeeze %dma_wait3A_111 : memref<1x128xi32, #tpu.memory_space<hbm>> -> memref<128xi32, #tpu.memory_space<hbm>>
      %dma_wait3A_113 = arith.constant 0 : i32
      %dma_wait3A_114 = tpu.memref_slice %arg3[%add3A_82, %dma_wait3A_113] : memref<800x128xi32, #tpu.memory_space<hbm>> -> memref<1x128xi32, #tpu.memory_space<hbm>>
      %dma_wait3A_115 = tpu.memref_squeeze %dma_wait3A_114 : memref<1x128xi32, #tpu.memory_space<hbm>> -> memref<128xi32, #tpu.memory_space<hbm>>
      tpu.wait_dma2 semaphore(%run_scoped3A : memref<!tpu.dma_semaphore, #tpu.memory_space<semaphore_mem>>) src(%dma_wait3A_115 : memref<128xi32, #tpu.memory_space<hbm>>) dst(%arg7 : memref<128xi32, #tpu.memory_space<vmem>>)
      tpu.yield
    }) : () -> ()
    "tpu.region"() ({
      %run_scoped3A = tpu.sem_alloc : memref<!tpu.dma_semaphore, #tpu.memory_space<semaphore_mem>>
      %dma_start3A = arith.constant 0 : i32
      %dma_start3A_106 = arith.constant 0 : i32
      %dma_start3A_107 = tpu.memref_slice %arg8[%dma_start3A, %dma_start3A_106] : memref<512x128xf32, #tpu.memory_space<vmem_shared>> -> memref<512x128xf32, #tpu.memory_space<vmem_shared>>
      tpu.enqueue_indirect_dma source(%arg6 : memref<128x128xf32, #tpu.memory_space<vmem>>) target(%dma_start3A_107 : memref<512x128xf32, #tpu.memory_space<vmem_shared>>) offsets(%arg7 : memref<128xi32, #tpu.memory_space<vmem>>) semaphore(%run_scoped3A : memref<!tpu.dma_semaphore, #tpu.memory_space<semaphore_mem>>) {add = true}
      %dma_wait3A = arith.constant 0 : i32
      %dma_wait3A_108 = arith.constant 0 : i32
      %dma_wait3A_109 = tpu.memref_slice %arg8[%dma_wait3A, %dma_wait3A_108] : memref<512x128xf32, #tpu.memory_space<vmem_shared>> -> memref<512x128xf32, #tpu.memory_space<vmem_shared>>
      tpu.wait_indirect_dma semaphore(%run_scoped3A : memref<!tpu.dma_semaphore, #tpu.memory_space<semaphore_mem>>) src(%arg6 : memref<128x128xf32, #tpu.memory_space<vmem>>) dst(%dma_wait3A_109 : memref<512x128xf32, #tpu.memory_space<vmem_shared>>)
      tpu.yield
    }) : () -> ()
    %add3A_85 = arith.constant 20 : i32
    %add3A_86 = arith.addi %mul3A_4, %add3A_85 : i32
    %mul3A_87 = arith.constant 128 : i32
    %mul3A_88 = arith.muli %add3A_86, %mul3A_87 : i32
    "tpu.region"() ({
      %run_scoped3A = tpu.sem_alloc : memref<!tpu.dma_semaphore, #tpu.memory_space<semaphore_mem>>
      %dma_start3A = arith.constant 0 : i32
      %dma_start3A_106 = tpu.memref_slice %arg2[%mul3A_88, %dma_start3A] : memref<102400x128xf32, #tpu.memory_space<hbm>> -> memref<128x128xf32, #tpu.memory_space<hbm>>
      %dma_start3A_107 = arith.constant 0 : i32
      %dma_start3A_108 = tpu.memref_slice %arg2[%mul3A_88, %dma_start3A_107] : memref<102400x128xf32, #tpu.memory_space<hbm>> -> memref<128x128xf32, #tpu.memory_space<hbm>>
      tpu.enqueue_dma source(%dma_start3A_108 : memref<128x128xf32, #tpu.memory_space<hbm>>) target(%arg6 : memref<128x128xf32, #tpu.memory_space<vmem>>) target_semaphore(%run_scoped3A : memref<!tpu.dma_semaphore, #tpu.memory_space<semaphore_mem>>)
      %dma_wait3A = arith.constant 0 : i32
      %dma_wait3A_109 = tpu.memref_slice %arg2[%mul3A_88, %dma_wait3A] : memref<102400x128xf32, #tpu.memory_space<hbm>> -> memref<128x128xf32, #tpu.memory_space<hbm>>
      %dma_wait3A_110 = arith.constant 0 : i32
      %dma_wait3A_111 = tpu.memref_slice %arg2[%mul3A_88, %dma_wait3A_110] : memref<102400x128xf32, #tpu.memory_space<hbm>> -> memref<128x128xf32, #tpu.memory_space<hbm>>
      tpu.wait_dma2 semaphore(%run_scoped3A : memref<!tpu.dma_semaphore, #tpu.memory_space<semaphore_mem>>) src(%dma_wait3A_111 : memref<128x128xf32, #tpu.memory_space<hbm>>) dst(%arg6 : memref<128x128xf32, #tpu.memory_space<vmem>>)
      tpu.yield
    }) : () -> ()
    "tpu.region"() ({
      %run_scoped3A = tpu.sem_alloc : memref<!tpu.dma_semaphore, #tpu.memory_space<semaphore_mem>>
      %dma_start3A = arith.constant 0 : i32
      %dma_start3A_106 = tpu.memref_slice %arg3[%add3A_86, %dma_start3A] : memref<800x128xi32, #tpu.memory_space<hbm>> -> memref<1x128xi32, #tpu.memory_space<hbm>>
      %dma_start3A_107 = tpu.memref_squeeze %dma_start3A_106 : memref<1x128xi32, #tpu.memory_space<hbm>> -> memref<128xi32, #tpu.memory_space<hbm>>
      %dma_start3A_108 = arith.constant 0 : i32
      %dma_start3A_109 = tpu.memref_slice %arg3[%add3A_86, %dma_start3A_108] : memref<800x128xi32, #tpu.memory_space<hbm>> -> memref<1x128xi32, #tpu.memory_space<hbm>>
      %dma_start3A_110 = tpu.memref_squeeze %dma_start3A_109 : memref<1x128xi32, #tpu.memory_space<hbm>> -> memref<128xi32, #tpu.memory_space<hbm>>
      tpu.enqueue_dma source(%dma_start3A_110 : memref<128xi32, #tpu.memory_space<hbm>>) target(%arg7 : memref<128xi32, #tpu.memory_space<vmem>>) target_semaphore(%run_scoped3A : memref<!tpu.dma_semaphore, #tpu.memory_space<semaphore_mem>>)
      %dma_wait3A = arith.constant 0 : i32
      %dma_wait3A_111 = tpu.memref_slice %arg3[%add3A_86, %dma_wait3A] : memref<800x128xi32, #tpu.memory_space<hbm>> -> memref<1x128xi32, #tpu.memory_space<hbm>>
      %dma_wait3A_112 = tpu.memref_squeeze %dma_wait3A_111 : memref<1x128xi32, #tpu.memory_space<hbm>> -> memref<128xi32, #tpu.memory_space<hbm>>
      %dma_wait3A_113 = arith.constant 0 : i32
      %dma_wait3A_114 = tpu.memref_slice %arg3[%add3A_86, %dma_wait3A_113] : memref<800x128xi32, #tpu.memory_space<hbm>> -> memref<1x128xi32, #tpu.memory_space<hbm>>
      %dma_wait3A_115 = tpu.memref_squeeze %dma_wait3A_114 : memref<1x128xi32, #tpu.memory_space<hbm>> -> memref<128xi32, #tpu.memory_space<hbm>>
      tpu.wait_dma2 semaphore(%run_scoped3A : memref<!tpu.dma_semaphore, #tpu.memory_space<semaphore_mem>>) src(%dma_wait3A_115 : memref<128xi32, #tpu.memory_space<hbm>>) dst(%arg7 : memref<128xi32, #tpu.memory_space<vmem>>)
      tpu.yield
    }) : () -> ()
    "tpu.region"() ({
      %run_scoped3A = tpu.sem_alloc : memref<!tpu.dma_semaphore, #tpu.memory_space<semaphore_mem>>
      %dma_start3A = arith.constant 0 : i32
      %dma_start3A_106 = arith.constant 0 : i32
      %dma_start3A_107 = tpu.memref_slice %arg8[%dma_start3A, %dma_start3A_106] : memref<512x128xf32, #tpu.memory_space<vmem_shared>> -> memref<512x128xf32, #tpu.memory_space<vmem_shared>>
      tpu.enqueue_indirect_dma source(%arg6 : memref<128x128xf32, #tpu.memory_space<vmem>>) target(%dma_start3A_107 : memref<512x128xf32, #tpu.memory_space<vmem_shared>>) offsets(%arg7 : memref<128xi32, #tpu.memory_space<vmem>>) semaphore(%run_scoped3A : memref<!tpu.dma_semaphore, #tpu.memory_space<semaphore_mem>>) {add = true}
      %dma_wait3A = arith.constant 0 : i32
      %dma_wait3A_108 = arith.constant 0 : i32
      %dma_wait3A_109 = tpu.memref_slice %arg8[%dma_wait3A, %dma_wait3A_108] : memref<512x128xf32, #tpu.memory_space<vmem_shared>> -> memref<512x128xf32, #tpu.memory_space<vmem_shared>>
      tpu.wait_indirect_dma semaphore(%run_scoped3A : memref<!tpu.dma_semaphore, #tpu.memory_space<semaphore_mem>>) src(%arg6 : memref<128x128xf32, #tpu.memory_space<vmem>>) dst(%dma_wait3A_109 : memref<512x128xf32, #tpu.memory_space<vmem_shared>>)
      tpu.yield
    }) : () -> ()
    %add3A_89 = arith.constant 21 : i32
    %add3A_90 = arith.addi %mul3A_4, %add3A_89 : i32
    %mul3A_91 = arith.constant 128 : i32
    %mul3A_92 = arith.muli %add3A_90, %mul3A_91 : i32
    "tpu.region"() ({
      %run_scoped3A = tpu.sem_alloc : memref<!tpu.dma_semaphore, #tpu.memory_space<semaphore_mem>>
      %dma_start3A = arith.constant 0 : i32
      %dma_start3A_106 = tpu.memref_slice %arg2[%mul3A_92, %dma_start3A] : memref<102400x128xf32, #tpu.memory_space<hbm>> -> memref<128x128xf32, #tpu.memory_space<hbm>>
      %dma_start3A_107 = arith.constant 0 : i32
      %dma_start3A_108 = tpu.memref_slice %arg2[%mul3A_92, %dma_start3A_107] : memref<102400x128xf32, #tpu.memory_space<hbm>> -> memref<128x128xf32, #tpu.memory_space<hbm>>
      tpu.enqueue_dma source(%dma_start3A_108 : memref<128x128xf32, #tpu.memory_space<hbm>>) target(%arg6 : memref<128x128xf32, #tpu.memory_space<vmem>>) target_semaphore(%run_scoped3A : memref<!tpu.dma_semaphore, #tpu.memory_space<semaphore_mem>>)
      %dma_wait3A = arith.constant 0 : i32
      %dma_wait3A_109 = tpu.memref_slice %arg2[%mul3A_92, %dma_wait3A] : memref<102400x128xf32, #tpu.memory_space<hbm>> -> memref<128x128xf32, #tpu.memory_space<hbm>>
      %dma_wait3A_110 = arith.constant 0 : i32
      %dma_wait3A_111 = tpu.memref_slice %arg2[%mul3A_92, %dma_wait3A_110] : memref<102400x128xf32, #tpu.memory_space<hbm>> -> memref<128x128xf32, #tpu.memory_space<hbm>>
      tpu.wait_dma2 semaphore(%run_scoped3A : memref<!tpu.dma_semaphore, #tpu.memory_space<semaphore_mem>>) src(%dma_wait3A_111 : memref<128x128xf32, #tpu.memory_space<hbm>>) dst(%arg6 : memref<128x128xf32, #tpu.memory_space<vmem>>)
      tpu.yield
    }) : () -> ()
    "tpu.region"() ({
      %run_scoped3A = tpu.sem_alloc : memref<!tpu.dma_semaphore, #tpu.memory_space<semaphore_mem>>
      %dma_start3A = arith.constant 0 : i32
      %dma_start3A_106 = tpu.memref_slice %arg3[%add3A_90, %dma_start3A] : memref<800x128xi32, #tpu.memory_space<hbm>> -> memref<1x128xi32, #tpu.memory_space<hbm>>
      %dma_start3A_107 = tpu.memref_squeeze %dma_start3A_106 : memref<1x128xi32, #tpu.memory_space<hbm>> -> memref<128xi32, #tpu.memory_space<hbm>>
      %dma_start3A_108 = arith.constant 0 : i32
      %dma_start3A_109 = tpu.memref_slice %arg3[%add3A_90, %dma_start3A_108] : memref<800x128xi32, #tpu.memory_space<hbm>> -> memref<1x128xi32, #tpu.memory_space<hbm>>
      %dma_start3A_110 = tpu.memref_squeeze %dma_start3A_109 : memref<1x128xi32, #tpu.memory_space<hbm>> -> memref<128xi32, #tpu.memory_space<hbm>>
      tpu.enqueue_dma source(%dma_start3A_110 : memref<128xi32, #tpu.memory_space<hbm>>) target(%arg7 : memref<128xi32, #tpu.memory_space<vmem>>) target_semaphore(%run_scoped3A : memref<!tpu.dma_semaphore, #tpu.memory_space<semaphore_mem>>)
      %dma_wait3A = arith.constant 0 : i32
      %dma_wait3A_111 = tpu.memref_slice %arg3[%add3A_90, %dma_wait3A] : memref<800x128xi32, #tpu.memory_space<hbm>> -> memref<1x128xi32, #tpu.memory_space<hbm>>
      %dma_wait3A_112 = tpu.memref_squeeze %dma_wait3A_111 : memref<1x128xi32, #tpu.memory_space<hbm>> -> memref<128xi32, #tpu.memory_space<hbm>>
      %dma_wait3A_113 = arith.constant 0 : i32
      %dma_wait3A_114 = tpu.memref_slice %arg3[%add3A_90, %dma_wait3A_113] : memref<800x128xi32, #tpu.memory_space<hbm>> -> memref<1x128xi32, #tpu.memory_space<hbm>>
      %dma_wait3A_115 = tpu.memref_squeeze %dma_wait3A_114 : memref<1x128xi32, #tpu.memory_space<hbm>> -> memref<128xi32, #tpu.memory_space<hbm>>
      tpu.wait_dma2 semaphore(%run_scoped3A : memref<!tpu.dma_semaphore, #tpu.memory_space<semaphore_mem>>) src(%dma_wait3A_115 : memref<128xi32, #tpu.memory_space<hbm>>) dst(%arg7 : memref<128xi32, #tpu.memory_space<vmem>>)
      tpu.yield
    }) : () -> ()
    "tpu.region"() ({
      %run_scoped3A = tpu.sem_alloc : memref<!tpu.dma_semaphore, #tpu.memory_space<semaphore_mem>>
      %dma_start3A = arith.constant 0 : i32
      %dma_start3A_106 = arith.constant 0 : i32
      %dma_start3A_107 = tpu.memref_slice %arg8[%dma_start3A, %dma_start3A_106] : memref<512x128xf32, #tpu.memory_space<vmem_shared>> -> memref<512x128xf32, #tpu.memory_space<vmem_shared>>
      tpu.enqueue_indirect_dma source(%arg6 : memref<128x128xf32, #tpu.memory_space<vmem>>) target(%dma_start3A_107 : memref<512x128xf32, #tpu.memory_space<vmem_shared>>) offsets(%arg7 : memref<128xi32, #tpu.memory_space<vmem>>) semaphore(%run_scoped3A : memref<!tpu.dma_semaphore, #tpu.memory_space<semaphore_mem>>) {add = true}
      %dma_wait3A = arith.constant 0 : i32
      %dma_wait3A_108 = arith.constant 0 : i32
      %dma_wait3A_109 = tpu.memref_slice %arg8[%dma_wait3A, %dma_wait3A_108] : memref<512x128xf32, #tpu.memory_space<vmem_shared>> -> memref<512x128xf32, #tpu.memory_space<vmem_shared>>
      tpu.wait_indirect_dma semaphore(%run_scoped3A : memref<!tpu.dma_semaphore, #tpu.memory_space<semaphore_mem>>) src(%arg6 : memref<128x128xf32, #tpu.memory_space<vmem>>) dst(%dma_wait3A_109 : memref<512x128xf32, #tpu.memory_space<vmem_shared>>)
      tpu.yield
    }) : () -> ()
    %add3A_93 = arith.constant 22 : i32
    %add3A_94 = arith.addi %mul3A_4, %add3A_93 : i32
    %mul3A_95 = arith.constant 128 : i32
    %mul3A_96 = arith.muli %add3A_94, %mul3A_95 : i32
    "tpu.region"() ({
      %run_scoped3A = tpu.sem_alloc : memref<!tpu.dma_semaphore, #tpu.memory_space<semaphore_mem>>
      %dma_start3A = arith.constant 0 : i32
      %dma_start3A_106 = tpu.memref_slice %arg2[%mul3A_96, %dma_start3A] : memref<102400x128xf32, #tpu.memory_space<hbm>> -> memref<128x128xf32, #tpu.memory_space<hbm>>
      %dma_start3A_107 = arith.constant 0 : i32
      %dma_start3A_108 = tpu.memref_slice %arg2[%mul3A_96, %dma_start3A_107] : memref<102400x128xf32, #tpu.memory_space<hbm>> -> memref<128x128xf32, #tpu.memory_space<hbm>>
      tpu.enqueue_dma source(%dma_start3A_108 : memref<128x128xf32, #tpu.memory_space<hbm>>) target(%arg6 : memref<128x128xf32, #tpu.memory_space<vmem>>) target_semaphore(%run_scoped3A : memref<!tpu.dma_semaphore, #tpu.memory_space<semaphore_mem>>)
      %dma_wait3A = arith.constant 0 : i32
      %dma_wait3A_109 = tpu.memref_slice %arg2[%mul3A_96, %dma_wait3A] : memref<102400x128xf32, #tpu.memory_space<hbm>> -> memref<128x128xf32, #tpu.memory_space<hbm>>
      %dma_wait3A_110 = arith.constant 0 : i32
      %dma_wait3A_111 = tpu.memref_slice %arg2[%mul3A_96, %dma_wait3A_110] : memref<102400x128xf32, #tpu.memory_space<hbm>> -> memref<128x128xf32, #tpu.memory_space<hbm>>
      tpu.wait_dma2 semaphore(%run_scoped3A : memref<!tpu.dma_semaphore, #tpu.memory_space<semaphore_mem>>) src(%dma_wait3A_111 : memref<128x128xf32, #tpu.memory_space<hbm>>) dst(%arg6 : memref<128x128xf32, #tpu.memory_space<vmem>>)
      tpu.yield
    }) : () -> ()
    "tpu.region"() ({
      %run_scoped3A = tpu.sem_alloc : memref<!tpu.dma_semaphore, #tpu.memory_space<semaphore_mem>>
      %dma_start3A = arith.constant 0 : i32
      %dma_start3A_106 = tpu.memref_slice %arg3[%add3A_94, %dma_start3A] : memref<800x128xi32, #tpu.memory_space<hbm>> -> memref<1x128xi32, #tpu.memory_space<hbm>>
      %dma_start3A_107 = tpu.memref_squeeze %dma_start3A_106 : memref<1x128xi32, #tpu.memory_space<hbm>> -> memref<128xi32, #tpu.memory_space<hbm>>
      %dma_start3A_108 = arith.constant 0 : i32
      %dma_start3A_109 = tpu.memref_slice %arg3[%add3A_94, %dma_start3A_108] : memref<800x128xi32, #tpu.memory_space<hbm>> -> memref<1x128xi32, #tpu.memory_space<hbm>>
      %dma_start3A_110 = tpu.memref_squeeze %dma_start3A_109 : memref<1x128xi32, #tpu.memory_space<hbm>> -> memref<128xi32, #tpu.memory_space<hbm>>
      tpu.enqueue_dma source(%dma_start3A_110 : memref<128xi32, #tpu.memory_space<hbm>>) target(%arg7 : memref<128xi32, #tpu.memory_space<vmem>>) target_semaphore(%run_scoped3A : memref<!tpu.dma_semaphore, #tpu.memory_space<semaphore_mem>>)
      %dma_wait3A = arith.constant 0 : i32
      %dma_wait3A_111 = tpu.memref_slice %arg3[%add3A_94, %dma_wait3A] : memref<800x128xi32, #tpu.memory_space<hbm>> -> memref<1x128xi32, #tpu.memory_space<hbm>>
      %dma_wait3A_112 = tpu.memref_squeeze %dma_wait3A_111 : memref<1x128xi32, #tpu.memory_space<hbm>> -> memref<128xi32, #tpu.memory_space<hbm>>
      %dma_wait3A_113 = arith.constant 0 : i32
      %dma_wait3A_114 = tpu.memref_slice %arg3[%add3A_94, %dma_wait3A_113] : memref<800x128xi32, #tpu.memory_space<hbm>> -> memref<1x128xi32, #tpu.memory_space<hbm>>
      %dma_wait3A_115 = tpu.memref_squeeze %dma_wait3A_114 : memref<1x128xi32, #tpu.memory_space<hbm>> -> memref<128xi32, #tpu.memory_space<hbm>>
      tpu.wait_dma2 semaphore(%run_scoped3A : memref<!tpu.dma_semaphore, #tpu.memory_space<semaphore_mem>>) src(%dma_wait3A_115 : memref<128xi32, #tpu.memory_space<hbm>>) dst(%arg7 : memref<128xi32, #tpu.memory_space<vmem>>)
      tpu.yield
    }) : () -> ()
    "tpu.region"() ({
      %run_scoped3A = tpu.sem_alloc : memref<!tpu.dma_semaphore, #tpu.memory_space<semaphore_mem>>
      %dma_start3A = arith.constant 0 : i32
      %dma_start3A_106 = arith.constant 0 : i32
      %dma_start3A_107 = tpu.memref_slice %arg8[%dma_start3A, %dma_start3A_106] : memref<512x128xf32, #tpu.memory_space<vmem_shared>> -> memref<512x128xf32, #tpu.memory_space<vmem_shared>>
      tpu.enqueue_indirect_dma source(%arg6 : memref<128x128xf32, #tpu.memory_space<vmem>>) target(%dma_start3A_107 : memref<512x128xf32, #tpu.memory_space<vmem_shared>>) offsets(%arg7 : memref<128xi32, #tpu.memory_space<vmem>>) semaphore(%run_scoped3A : memref<!tpu.dma_semaphore, #tpu.memory_space<semaphore_mem>>) {add = true}
      %dma_wait3A = arith.constant 0 : i32
      %dma_wait3A_108 = arith.constant 0 : i32
      %dma_wait3A_109 = tpu.memref_slice %arg8[%dma_wait3A, %dma_wait3A_108] : memref<512x128xf32, #tpu.memory_space<vmem_shared>> -> memref<512x128xf32, #tpu.memory_space<vmem_shared>>
      tpu.wait_indirect_dma semaphore(%run_scoped3A : memref<!tpu.dma_semaphore, #tpu.memory_space<semaphore_mem>>) src(%arg6 : memref<128x128xf32, #tpu.memory_space<vmem>>) dst(%dma_wait3A_109 : memref<512x128xf32, #tpu.memory_space<vmem_shared>>)
      tpu.yield
    }) : () -> ()
    %add3A_97 = arith.constant 23 : i32
    %add3A_98 = arith.addi %mul3A_4, %add3A_97 : i32
    %mul3A_99 = arith.constant 128 : i32
    %mul3A_100 = arith.muli %add3A_98, %mul3A_99 : i32
    "tpu.region"() ({
      %run_scoped3A = tpu.sem_alloc : memref<!tpu.dma_semaphore, #tpu.memory_space<semaphore_mem>>
      %dma_start3A = arith.constant 0 : i32
      %dma_start3A_106 = tpu.memref_slice %arg2[%mul3A_100, %dma_start3A] : memref<102400x128xf32, #tpu.memory_space<hbm>> -> memref<128x128xf32, #tpu.memory_space<hbm>>
      %dma_start3A_107 = arith.constant 0 : i32
      %dma_start3A_108 = tpu.memref_slice %arg2[%mul3A_100, %dma_start3A_107] : memref<102400x128xf32, #tpu.memory_space<hbm>> -> memref<128x128xf32, #tpu.memory_space<hbm>>
      tpu.enqueue_dma source(%dma_start3A_108 : memref<128x128xf32, #tpu.memory_space<hbm>>) target(%arg6 : memref<128x128xf32, #tpu.memory_space<vmem>>) target_semaphore(%run_scoped3A : memref<!tpu.dma_semaphore, #tpu.memory_space<semaphore_mem>>)
      %dma_wait3A = arith.constant 0 : i32
      %dma_wait3A_109 = tpu.memref_slice %arg2[%mul3A_100, %dma_wait3A] : memref<102400x128xf32, #tpu.memory_space<hbm>> -> memref<128x128xf32, #tpu.memory_space<hbm>>
      %dma_wait3A_110 = arith.constant 0 : i32
      %dma_wait3A_111 = tpu.memref_slice %arg2[%mul3A_100, %dma_wait3A_110] : memref<102400x128xf32, #tpu.memory_space<hbm>> -> memref<128x128xf32, #tpu.memory_space<hbm>>
      tpu.wait_dma2 semaphore(%run_scoped3A : memref<!tpu.dma_semaphore, #tpu.memory_space<semaphore_mem>>) src(%dma_wait3A_111 : memref<128x128xf32, #tpu.memory_space<hbm>>) dst(%arg6 : memref<128x128xf32, #tpu.memory_space<vmem>>)
      tpu.yield
    }) : () -> ()
    "tpu.region"() ({
      %run_scoped3A = tpu.sem_alloc : memref<!tpu.dma_semaphore, #tpu.memory_space<semaphore_mem>>
      %dma_start3A = arith.constant 0 : i32
      %dma_start3A_106 = tpu.memref_slice %arg3[%add3A_98, %dma_start3A] : memref<800x128xi32, #tpu.memory_space<hbm>> -> memref<1x128xi32, #tpu.memory_space<hbm>>
      %dma_start3A_107 = tpu.memref_squeeze %dma_start3A_106 : memref<1x128xi32, #tpu.memory_space<hbm>> -> memref<128xi32, #tpu.memory_space<hbm>>
      %dma_start3A_108 = arith.constant 0 : i32
      %dma_start3A_109 = tpu.memref_slice %arg3[%add3A_98, %dma_start3A_108] : memref<800x128xi32, #tpu.memory_space<hbm>> -> memref<1x128xi32, #tpu.memory_space<hbm>>
      %dma_start3A_110 = tpu.memref_squeeze %dma_start3A_109 : memref<1x128xi32, #tpu.memory_space<hbm>> -> memref<128xi32, #tpu.memory_space<hbm>>
      tpu.enqueue_dma source(%dma_start3A_110 : memref<128xi32, #tpu.memory_space<hbm>>) target(%arg7 : memref<128xi32, #tpu.memory_space<vmem>>) target_semaphore(%run_scoped3A : memref<!tpu.dma_semaphore, #tpu.memory_space<semaphore_mem>>)
      %dma_wait3A = arith.constant 0 : i32
      %dma_wait3A_111 = tpu.memref_slice %arg3[%add3A_98, %dma_wait3A] : memref<800x128xi32, #tpu.memory_space<hbm>> -> memref<1x128xi32, #tpu.memory_space<hbm>>
      %dma_wait3A_112 = tpu.memref_squeeze %dma_wait3A_111 : memref<1x128xi32, #tpu.memory_space<hbm>> -> memref<128xi32, #tpu.memory_space<hbm>>
      %dma_wait3A_113 = arith.constant 0 : i32
      %dma_wait3A_114 = tpu.memref_slice %arg3[%add3A_98, %dma_wait3A_113] : memref<800x128xi32, #tpu.memory_space<hbm>> -> memref<1x128xi32, #tpu.memory_space<hbm>>
      %dma_wait3A_115 = tpu.memref_squeeze %dma_wait3A_114 : memref<1x128xi32, #tpu.memory_space<hbm>> -> memref<128xi32, #tpu.memory_space<hbm>>
      tpu.wait_dma2 semaphore(%run_scoped3A : memref<!tpu.dma_semaphore, #tpu.memory_space<semaphore_mem>>) src(%dma_wait3A_115 : memref<128xi32, #tpu.memory_space<hbm>>) dst(%arg7 : memref<128xi32, #tpu.memory_space<vmem>>)
      tpu.yield
    }) : () -> ()
    "tpu.region"() ({
      %run_scoped3A = tpu.sem_alloc : memref<!tpu.dma_semaphore, #tpu.memory_space<semaphore_mem>>
      %dma_start3A = arith.constant 0 : i32
      %dma_start3A_106 = arith.constant 0 : i32
      %dma_start3A_107 = tpu.memref_slice %arg8[%dma_start3A, %dma_start3A_106] : memref<512x128xf32, #tpu.memory_space<vmem_shared>> -> memref<512x128xf32, #tpu.memory_space<vmem_shared>>
      tpu.enqueue_indirect_dma source(%arg6 : memref<128x128xf32, #tpu.memory_space<vmem>>) target(%dma_start3A_107 : memref<512x128xf32, #tpu.memory_space<vmem_shared>>) offsets(%arg7 : memref<128xi32, #tpu.memory_space<vmem>>) semaphore(%run_scoped3A : memref<!tpu.dma_semaphore, #tpu.memory_space<semaphore_mem>>) {add = true}
      %dma_wait3A = arith.constant 0 : i32
      %dma_wait3A_108 = arith.constant 0 : i32
      %dma_wait3A_109 = tpu.memref_slice %arg8[%dma_wait3A, %dma_wait3A_108] : memref<512x128xf32, #tpu.memory_space<vmem_shared>> -> memref<512x128xf32, #tpu.memory_space<vmem_shared>>
      tpu.wait_indirect_dma semaphore(%run_scoped3A : memref<!tpu.dma_semaphore, #tpu.memory_space<semaphore_mem>>) src(%arg6 : memref<128x128xf32, #tpu.memory_space<vmem>>) dst(%dma_wait3A_109 : memref<512x128xf32, #tpu.memory_space<vmem_shared>>)
      tpu.yield
    }) : () -> ()
    %add3A_101 = arith.constant 24 : i32
    %add3A_102 = arith.addi %mul3A_4, %add3A_101 : i32
    %mul3A_103 = arith.constant 128 : i32
    %mul3A_104 = arith.muli %add3A_102, %mul3A_103 : i32
    "tpu.region"() ({
      %run_scoped3A = tpu.sem_alloc : memref<!tpu.dma_semaphore, #tpu.memory_space<semaphore_mem>>
      %dma_start3A = arith.constant 0 : i32
      %dma_start3A_106 = tpu.memref_slice %arg2[%mul3A_104, %dma_start3A] : memref<102400x128xf32, #tpu.memory_space<hbm>> -> memref<128x128xf32, #tpu.memory_space<hbm>>
      %dma_start3A_107 = arith.constant 0 : i32
      %dma_start3A_108 = tpu.memref_slice %arg2[%mul3A_104, %dma_start3A_107] : memref<102400x128xf32, #tpu.memory_space<hbm>> -> memref<128x128xf32, #tpu.memory_space<hbm>>
      tpu.enqueue_dma source(%dma_start3A_108 : memref<128x128xf32, #tpu.memory_space<hbm>>) target(%arg6 : memref<128x128xf32, #tpu.memory_space<vmem>>) target_semaphore(%run_scoped3A : memref<!tpu.dma_semaphore, #tpu.memory_space<semaphore_mem>>)
      %dma_wait3A = arith.constant 0 : i32
      %dma_wait3A_109 = tpu.memref_slice %arg2[%mul3A_104, %dma_wait3A] : memref<102400x128xf32, #tpu.memory_space<hbm>> -> memref<128x128xf32, #tpu.memory_space<hbm>>
      %dma_wait3A_110 = arith.constant 0 : i32
      %dma_wait3A_111 = tpu.memref_slice %arg2[%mul3A_104, %dma_wait3A_110] : memref<102400x128xf32, #tpu.memory_space<hbm>> -> memref<128x128xf32, #tpu.memory_space<hbm>>
      tpu.wait_dma2 semaphore(%run_scoped3A : memref<!tpu.dma_semaphore, #tpu.memory_space<semaphore_mem>>) src(%dma_wait3A_111 : memref<128x128xf32, #tpu.memory_space<hbm>>) dst(%arg6 : memref<128x128xf32, #tpu.memory_space<vmem>>)
      tpu.yield
    }) : () -> ()
    "tpu.region"() ({
      %run_scoped3A = tpu.sem_alloc : memref<!tpu.dma_semaphore, #tpu.memory_space<semaphore_mem>>
      %dma_start3A = arith.constant 0 : i32
      %dma_start3A_106 = tpu.memref_slice %arg3[%add3A_102, %dma_start3A] : memref<800x128xi32, #tpu.memory_space<hbm>> -> memref<1x128xi32, #tpu.memory_space<hbm>>
      %dma_start3A_107 = tpu.memref_squeeze %dma_start3A_106 : memref<1x128xi32, #tpu.memory_space<hbm>> -> memref<128xi32, #tpu.memory_space<hbm>>
      %dma_start3A_108 = arith.constant 0 : i32
      %dma_start3A_109 = tpu.memref_slice %arg3[%add3A_102, %dma_start3A_108] : memref<800x128xi32, #tpu.memory_space<hbm>> -> memref<1x128xi32, #tpu.memory_space<hbm>>
      %dma_start3A_110 = tpu.memref_squeeze %dma_start3A_109 : memref<1x128xi32, #tpu.memory_space<hbm>> -> memref<128xi32, #tpu.memory_space<hbm>>
      tpu.enqueue_dma source(%dma_start3A_110 : memref<128xi32, #tpu.memory_space<hbm>>) target(%arg7 : memref<128xi32, #tpu.memory_space<vmem>>) target_semaphore(%run_scoped3A : memref<!tpu.dma_semaphore, #tpu.memory_space<semaphore_mem>>)
      %dma_wait3A = arith.constant 0 : i32
      %dma_wait3A_111 = tpu.memref_slice %arg3[%add3A_102, %dma_wait3A] : memref<800x128xi32, #tpu.memory_space<hbm>> -> memref<1x128xi32, #tpu.memory_space<hbm>>
      %dma_wait3A_112 = tpu.memref_squeeze %dma_wait3A_111 : memref<1x128xi32, #tpu.memory_space<hbm>> -> memref<128xi32, #tpu.memory_space<hbm>>
      %dma_wait3A_113 = arith.constant 0 : i32
      %dma_wait3A_114 = tpu.memref_slice %arg3[%add3A_102, %dma_wait3A_113] : memref<800x128xi32, #tpu.memory_space<hbm>> -> memref<1x128xi32, #tpu.memory_space<hbm>>
      %dma_wait3A_115 = tpu.memref_squeeze %dma_wait3A_114 : memref<1x128xi32, #tpu.memory_space<hbm>> -> memref<128xi32, #tpu.memory_space<hbm>>
      tpu.wait_dma2 semaphore(%run_scoped3A : memref<!tpu.dma_semaphore, #tpu.memory_space<semaphore_mem>>) src(%dma_wait3A_115 : memref<128xi32, #tpu.memory_space<hbm>>) dst(%arg7 : memref<128xi32, #tpu.memory_space<vmem>>)
      tpu.yield
    }) : () -> ()
    "tpu.region"() ({
      %run_scoped3A = tpu.sem_alloc : memref<!tpu.dma_semaphore, #tpu.memory_space<semaphore_mem>>
      %dma_start3A = arith.constant 0 : i32
      %dma_start3A_106 = arith.constant 0 : i32
      %dma_start3A_107 = tpu.memref_slice %arg8[%dma_start3A, %dma_start3A_106] : memref<512x128xf32, #tpu.memory_space<vmem_shared>> -> memref<512x128xf32, #tpu.memory_space<vmem_shared>>
      tpu.enqueue_indirect_dma source(%arg6 : memref<128x128xf32, #tpu.memory_space<vmem>>) target(%dma_start3A_107 : memref<512x128xf32, #tpu.memory_space<vmem_shared>>) offsets(%arg7 : memref<128xi32, #tpu.memory_space<vmem>>) semaphore(%run_scoped3A : memref<!tpu.dma_semaphore, #tpu.memory_space<semaphore_mem>>) {add = true}
      %dma_wait3A = arith.constant 0 : i32
      %dma_wait3A_108 = arith.constant 0 : i32
      %dma_wait3A_109 = tpu.memref_slice %arg8[%dma_wait3A, %dma_wait3A_108] : memref<512x128xf32, #tpu.memory_space<vmem_shared>> -> memref<512x128xf32, #tpu.memory_space<vmem_shared>>
      tpu.wait_indirect_dma semaphore(%run_scoped3A : memref<!tpu.dma_semaphore, #tpu.memory_space<semaphore_mem>>) src(%arg6 : memref<128x128xf32, #tpu.memory_space<vmem>>) dst(%dma_wait3A_109 : memref<512x128xf32, #tpu.memory_space<vmem_shared>>)
      tpu.yield
    }) : () -> ()
    %barrier3A_105 = arith.constant 0 : index
    tpu.barrier barrier_id(%barrier3A_105)
    "tpu.region"() ({
      %run_scoped3A = tpu.sem_alloc : memref<!tpu.dma_semaphore, #tpu.memory_space<semaphore_mem>>
      %dma_start3A = arith.constant 0 : i32
      %dma_start3A_106 = tpu.memref_slice %arg5[%arg0, %mul3A_0, %dma_start3A] : memref<2x512x128xf32, #tpu.memory_space<hbm>> -> memref<1x32x128xf32, #tpu.memory_space<hbm>>
      %dma_start3A_107 = tpu.memref_squeeze %dma_start3A_106 : memref<1x32x128xf32, #tpu.memory_space<hbm>> -> memref<32x128xf32, #tpu.memory_space<hbm>>
      %dma_start3A_108 = arith.constant 0 : i32
      %dma_start3A_109 = tpu.memref_slice %arg8[%mul3A_0, %dma_start3A_108] : memref<512x128xf32, #tpu.memory_space<vmem_shared>> -> memref<32x128xf32, #tpu.memory_space<vmem_shared>>
      tpu.enqueue_dma source(%dma_start3A_109 : memref<32x128xf32, #tpu.memory_space<vmem_shared>>) target(%dma_start3A_107 : memref<32x128xf32, #tpu.memory_space<hbm>>) target_semaphore(%run_scoped3A : memref<!tpu.dma_semaphore, #tpu.memory_space<semaphore_mem>>)
      %dma_wait3A = arith.constant 0 : i32
      %dma_wait3A_110 = tpu.memref_slice %arg5[%arg0, %mul3A_0, %dma_wait3A] : memref<2x512x128xf32, #tpu.memory_space<hbm>> -> memref<1x32x128xf32, #tpu.memory_space<hbm>>
      %dma_wait3A_111 = tpu.memref_squeeze %dma_wait3A_110 : memref<1x32x128xf32, #tpu.memory_space<hbm>> -> memref<32x128xf32, #tpu.memory_space<hbm>>
      %dma_wait3A_112 = arith.constant 0 : i32
      %dma_wait3A_113 = tpu.memref_slice %arg8[%mul3A_0, %dma_wait3A_112] : memref<512x128xf32, #tpu.memory_space<vmem_shared>> -> memref<32x128xf32, #tpu.memory_space<vmem_shared>>
      tpu.wait_dma2 semaphore(%run_scoped3A : memref<!tpu.dma_semaphore, #tpu.memory_space<semaphore_mem>>) src(%dma_wait3A_113 : memref<32x128xf32, #tpu.memory_space<vmem_shared>>) dst(%dma_wait3A_111 : memref<32x128xf32, #tpu.memory_space<hbm>>)
      tpu.yield
    }) : () -> ()
    return
  }
}

module attributes {stable_mosaic.version = 14 : i64} {
  func.func @body(%arg0: i32, %arg1: memref<4096x128xf32, #tpu.memory_space<vmem>>, %arg2: memref<1x1x4096xi32, #tpu.memory_space<vmem>>, %arg3: memref<128x128xf32, #tpu.memory_space<vmem>>, %arg4: memref<1x128xf32, #tpu.memory_space<vmem>>, %arg5: memref<128x128xf32, #tpu.memory_space<vmem>>, %arg6: memref<1x128xf32, #tpu.memory_space<vmem>>, %arg7: memref<128x128xf32, #tpu.memory_space<vmem>>, %arg8: memref<1x128xf32, #tpu.memory_space<vmem>>, %arg9: memref<128x128xf32, #tpu.memory_space<vmem>>, %arg10: memref<1x128xf32, #tpu.memory_space<vmem>>, %arg11: memref<128x128xf32, #tpu.memory_space<vmem>>, %arg12: memref<1x128xf32, #tpu.memory_space<vmem>>, %arg13: memref<128x128xf32, #tpu.memory_space<vmem>>, %arg14: memref<1x128xf32, #tpu.memory_space<vmem>>, %arg15: memref<128x8xf32, #tpu.memory_space<vmem>>, %arg16: memref<4096x128xf32, #tpu.memory_space<vmem>>, %arg17: memref<512x8xf32, #tpu.memory_space<vmem>>) attributes {dimension_semantics = [#tpu.dimension_semantics<arbitrary>], iteration_bounds = array<i64: 25>, scalar_prefetch = 0 : i64, scratch_operands = 0 : i64, tpu.core_type = #tpu.core_type<tc>, window_params = [{transform_indices = @transform_0, window_bounds = array<i64: 4096, 128>}, {transform_indices = @transform_1, window_bounds = array<i64: 1, 1, 4096>}, {pipeline_mode = #tpu.pipeline_mode<synchronous>, transform_indices = @transform_2, window_bounds = array<i64: 128, 128>}, {pipeline_mode = #tpu.pipeline_mode<synchronous>, transform_indices = @transform_3, window_bounds = array<i64: 1, 128>}, {pipeline_mode = #tpu.pipeline_mode<synchronous>, transform_indices = @transform_4, window_bounds = array<i64: 128, 128>}, {pipeline_mode = #tpu.pipeline_mode<synchronous>, transform_indices = @transform_5, window_bounds = array<i64: 1, 128>}, {pipeline_mode = #tpu.pipeline_mode<synchronous>, transform_indices = @transform_6, window_bounds = array<i64: 128, 128>}, {pipeline_mode = #tpu.pipeline_mode<synchronous>, transform_indices = @transform_7, window_bounds = array<i64: 1, 128>}, {pipeline_mode = #tpu.pipeline_mode<synchronous>, transform_indices = @transform_8, window_bounds = array<i64: 128, 128>}, {pipeline_mode = #tpu.pipeline_mode<synchronous>, transform_indices = @transform_9, window_bounds = array<i64: 1, 128>}, {pipeline_mode = #tpu.pipeline_mode<synchronous>, transform_indices = @transform_10, window_bounds = array<i64: 128, 128>}, {pipeline_mode = #tpu.pipeline_mode<synchronous>, transform_indices = @transform_11, window_bounds = array<i64: 1, 128>}, {pipeline_mode = #tpu.pipeline_mode<synchronous>, transform_indices = @transform_12, window_bounds = array<i64: 128, 128>}, {pipeline_mode = #tpu.pipeline_mode<synchronous>, transform_indices = @transform_13, window_bounds = array<i64: 1, 128>}, {pipeline_mode = #tpu.pipeline_mode<synchronous>, transform_indices = @transform_14, window_bounds = array<i64: 128, 8>}, {transform_indices = @transform_15, window_bounds = array<i64: 4096, 128>}, {pipeline_mode = #tpu.pipeline_mode<synchronous>, transform_indices = @transform_16, window_bounds = array<i64: 512, 8>}]} {
    %eq3A = arith.constant 0 : i32
    %eq3A_0 = arith.cmpi eq, %arg0, %eq3A : i32
    %convert_element_type3A = arith.extui %eq3A_0 : i1 to i32
    %cond3A = arith.constant 0 : i32
    %cond3A_1 = arith.cmpi ne, %convert_element_type3A, %cond3A : i32
    scf.if %cond3A_1 {
      %broadcast_in_dim3A_119 = arith.constant 0.000000e+00 : f32
      %broadcast_in_dim3A_120 = vector.broadcast %broadcast_in_dim3A_119 : f32 to vector<512x8xf32>
      %swap3A_121 = arith.constant 0 : index
      %swap3A_122 = arith.constant 0 : index
      %swap3A_123 = vector.load %arg17[%swap3A_121, %swap3A_122] : memref<512x8xf32, #tpu.memory_space<vmem>>, vector<512x8xf32>
      tpu.vector_store %arg17[%swap3A_121, %swap3A_122], %broadcast_in_dim3A_120 {strides = array<i32>} : memref<512x8xf32, #tpu.memory_space<vmem>>, vector<512x8xf32>,
    } else {
    }
    %get3A = arith.constant 0 : index
    %get3A_2 = arith.constant 0 : index
    %get3A_3 = vector.load %arg1[%get3A, %get3A_2] : memref<4096x128xf32, #tpu.memory_space<vmem>>, vector<4096x128xf32>
    %get3A_4 = arith.constant 0 : index
    %get3A_5 = arith.constant 0 : index
    %get3A_6 = vector.load %arg3[%get3A_4, %get3A_5] : memref<128x128xf32, #tpu.memory_space<vmem>>, vector<128x128xf32>
    %dot_general3A = arith.constant dense<0.000000e+00> : vector<4096x128xf32>
    %dot_general3A_7 = tpu.matmul %get3A_3, %get3A_6, %dot_general3A {dimension_numbers = #tpu.dot_dimension_numbers<[1], [0], [0], [1], [0, 0, 1, 1], [], []>, transpose_lhs_hint = false} : vector<4096x128xf32>, vector<128x128xf32>, vector<4096x128xf32> -> vector<4096x128xf32>
    %get3A_8 = arith.constant 0 : index
    %get3A_9 = arith.constant 0 : index
    %get3A_10 = vector.load %arg4[%get3A_8, %get3A_9] : memref<1x128xf32, #tpu.memory_space<vmem>>, vector<1x128xf32>
    %add3A = vector.broadcast %get3A_10 : vector<1x128xf32> to vector<4096x128xf32>
    %add3A_11 = arith.addf %dot_general3A_7, %add3A : vector<4096x128xf32>
    %mul3A = arith.constant 0.00999999977 : f32
    %mul3A_12 = vector.broadcast %mul3A : f32 to vector<4096x128xf32>
    %mul3A_13 = arith.mulf %mul3A_12, %add3A_11 : vector<4096x128xf32>
    %max3A = arith.maximumf %add3A_11, %mul3A_13 : vector<4096x128xf32>
    %get3A_14 = arith.constant 0 : index
    %get3A_15 = arith.constant 0 : index
    %get3A_16 = vector.load %arg5[%get3A_14, %get3A_15] : memref<128x128xf32, #tpu.memory_space<vmem>>, vector<128x128xf32>
    %dot_general3A_17 = arith.constant dense<0.000000e+00> : vector<4096x128xf32>
    %dot_general3A_18 = tpu.matmul %max3A, %get3A_16, %dot_general3A_17 {dimension_numbers = #tpu.dot_dimension_numbers<[1], [0], [0], [1], [0, 0, 1, 1], [], []>, transpose_lhs_hint = false} : vector<4096x128xf32>, vector<128x128xf32>, vector<4096x128xf32> -> vector<4096x128xf32>
    %get3A_19 = arith.constant 0 : index
    %get3A_20 = arith.constant 0 : index
    %get3A_21 = vector.load %arg6[%get3A_19, %get3A_20] : memref<1x128xf32, #tpu.memory_space<vmem>>, vector<1x128xf32>
    %add3A_22 = vector.broadcast %get3A_21 : vector<1x128xf32> to vector<4096x128xf32>
    %add3A_23 = arith.addf %dot_general3A_18, %add3A_22 : vector<4096x128xf32>
    %mul3A_24 = arith.constant 0.00999999977 : f32
    %mul3A_25 = vector.broadcast %mul3A_24 : f32 to vector<4096x128xf32>
    %mul3A_26 = arith.mulf %mul3A_25, %add3A_23 : vector<4096x128xf32>
    %max3A_27 = arith.maximumf %add3A_23, %mul3A_26 : vector<4096x128xf32>
    %get3A_28 = arith.constant 0 : index
    %get3A_29 = arith.constant 0 : index
    %get3A_30 = vector.load %arg7[%get3A_28, %get3A_29] : memref<128x128xf32, #tpu.memory_space<vmem>>, vector<128x128xf32>
    %dot_general3A_31 = arith.constant dense<0.000000e+00> : vector<4096x128xf32>
    %dot_general3A_32 = tpu.matmul %max3A_27, %get3A_30, %dot_general3A_31 {dimension_numbers = #tpu.dot_dimension_numbers<[1], [0], [0], [1], [0, 0, 1, 1], [], []>, transpose_lhs_hint = false} : vector<4096x128xf32>, vector<128x128xf32>, vector<4096x128xf32> -> vector<4096x128xf32>
    %get3A_33 = arith.constant 0 : index
    %get3A_34 = arith.constant 0 : index
    %get3A_35 = vector.load %arg8[%get3A_33, %get3A_34] : memref<1x128xf32, #tpu.memory_space<vmem>>, vector<1x128xf32>
    %add3A_36 = vector.broadcast %get3A_35 : vector<1x128xf32> to vector<4096x128xf32>
    %add3A_37 = arith.addf %dot_general3A_32, %add3A_36 : vector<4096x128xf32>
    %get3A_38 = arith.constant 0 : index
    %get3A_39 = arith.constant 0 : index
    %get3A_40 = vector.load %arg9[%get3A_38, %get3A_39] : memref<128x128xf32, #tpu.memory_space<vmem>>, vector<128x128xf32>
    %dot_general3A_41 = arith.constant dense<0.000000e+00> : vector<4096x128xf32>
    %dot_general3A_42 = tpu.matmul %get3A_3, %get3A_40, %dot_general3A_41 {dimension_numbers = #tpu.dot_dimension_numbers<[1], [0], [0], [1], [0, 0, 1, 1], [], []>, transpose_lhs_hint = false} : vector<4096x128xf32>, vector<128x128xf32>, vector<4096x128xf32> -> vector<4096x128xf32>
    %get3A_43 = arith.constant 0 : index
    %get3A_44 = arith.constant 0 : index
    %get3A_45 = vector.load %arg10[%get3A_43, %get3A_44] : memref<1x128xf32, #tpu.memory_space<vmem>>, vector<1x128xf32>
    %add3A_46 = vector.broadcast %get3A_45 : vector<1x128xf32> to vector<4096x128xf32>
    %add3A_47 = arith.addf %dot_general3A_42, %add3A_46 : vector<4096x128xf32>
    %mul3A_48 = arith.constant 0.00999999977 : f32
    %mul3A_49 = vector.broadcast %mul3A_48 : f32 to vector<4096x128xf32>
    %mul3A_50 = arith.mulf %mul3A_49, %add3A_47 : vector<4096x128xf32>
    %max3A_51 = arith.maximumf %add3A_47, %mul3A_50 : vector<4096x128xf32>
    %get3A_52 = arith.constant 0 : index
    %get3A_53 = arith.constant 0 : index
    %get3A_54 = vector.load %arg11[%get3A_52, %get3A_53] : memref<128x128xf32, #tpu.memory_space<vmem>>, vector<128x128xf32>
    %dot_general3A_55 = arith.constant dense<0.000000e+00> : vector<4096x128xf32>
    %dot_general3A_56 = tpu.matmul %max3A_51, %get3A_54, %dot_general3A_55 {dimension_numbers = #tpu.dot_dimension_numbers<[1], [0], [0], [1], [0, 0, 1, 1], [], []>, transpose_lhs_hint = false} : vector<4096x128xf32>, vector<128x128xf32>, vector<4096x128xf32> -> vector<4096x128xf32>
    %get3A_57 = arith.constant 0 : index
    %get3A_58 = arith.constant 0 : index
    %get3A_59 = vector.load %arg12[%get3A_57, %get3A_58] : memref<1x128xf32, #tpu.memory_space<vmem>>, vector<1x128xf32>
    %add3A_60 = vector.broadcast %get3A_59 : vector<1x128xf32> to vector<4096x128xf32>
    %add3A_61 = arith.addf %dot_general3A_56, %add3A_60 : vector<4096x128xf32>
    %mul3A_62 = arith.constant 0.00999999977 : f32
    %mul3A_63 = vector.broadcast %mul3A_62 : f32 to vector<4096x128xf32>
    %mul3A_64 = arith.mulf %mul3A_63, %add3A_61 : vector<4096x128xf32>
    %max3A_65 = arith.maximumf %add3A_61, %mul3A_64 : vector<4096x128xf32>
    %get3A_66 = arith.constant 0 : index
    %get3A_67 = arith.constant 0 : index
    %get3A_68 = vector.load %arg13[%get3A_66, %get3A_67] : memref<128x128xf32, #tpu.memory_space<vmem>>, vector<128x128xf32>
    %dot_general3A_69 = arith.constant dense<0.000000e+00> : vector<4096x128xf32>
    %dot_general3A_70 = tpu.matmul %max3A_65, %get3A_68, %dot_general3A_69 {dimension_numbers = #tpu.dot_dimension_numbers<[1], [0], [0], [1], [0, 0, 1, 1], [], []>, transpose_lhs_hint = false} : vector<4096x128xf32>, vector<128x128xf32>, vector<4096x128xf32> -> vector<4096x128xf32>
    %get3A_71 = arith.constant 0 : index
    %get3A_72 = arith.constant 0 : index
    %get3A_73 = vector.load %arg14[%get3A_71, %get3A_72] : memref<1x128xf32, #tpu.memory_space<vmem>>, vector<1x128xf32>
    %add3A_74 = vector.broadcast %get3A_73 : vector<1x128xf32> to vector<4096x128xf32>
    %add3A_75 = arith.addf %dot_general3A_70, %add3A_74 : vector<4096x128xf32>
    %mul3A_76 = arith.constant 0.00999999977 : f32
    %mul3A_77 = vector.broadcast %mul3A_76 : f32 to vector<4096x128xf32>
    %mul3A_78 = arith.mulf %mul3A_77, %add3A_75 : vector<4096x128xf32>
    %max3A_79 = arith.maximumf %add3A_75, %mul3A_78 : vector<4096x128xf32>
    %exp3A = math.exp %add3A_37 : vector<4096x128xf32>
    %mul3A_80 = arith.constant 4096 : i32
    %mul3A_81 = arith.muli %arg0, %mul3A_80 : i32
    %iota3A = tpu.iota {dimensions = array<i32: 0>} : vector<4096x1xi32>
    %add3A_82 = vector.broadcast %mul3A_81 : i32 to vector<4096x1xi32>
    %add3A_83 = arith.addi %add3A_82, %iota3A : vector<4096x1xi32>
    %lt3A = arith.constant 100000 : i32
    %lt3A_84 = vector.broadcast %lt3A : i32 to vector<4096x1xi32>
    %lt3A_85 = arith.cmpi slt, %add3A_83, %lt3A_84 : vector<4096x1xi32>
    %convert_element_type3A_86 = arith.extui %lt3A_85 : vector<4096x1xi1> to vector<4096x1xi32>
    %convert_element_type3A_87 = arith.sitofp %convert_element_type3A_86 : vector<4096x1xi32> to vector<4096x1xf32>
    %mul3A_88 = arith.mulf %exp3A, %max3A_79 : vector<4096x128xf32>
    %mul3A_89 = vector.broadcast %convert_element_type3A_87 : vector<4096x1xf32> to vector<4096x128xf32>
    %mul3A_90 = arith.mulf %mul3A_88, %mul3A_89 : vector<4096x128xf32>
    %swap3A = arith.constant 0 : index
    %swap3A_91 = arith.constant 0 : index
    %swap3A_92 = vector.load %arg16[%swap3A, %swap3A_91] : memref<4096x128xf32, #tpu.memory_space<vmem>>, vector<4096x128xf32>
    tpu.vector_store %arg16[%swap3A, %swap3A_91], %mul3A_90 {strides = array<i32>} : memref<4096x128xf32, #tpu.memory_space<vmem>>, vector<4096x128xf32>,
    %get3A_93 = arith.constant 0 : index
    %get3A_94 = arith.constant 0 : index
    %get3A_95 = arith.constant 0 : index
    %get3A_96 = vector.load %arg2[%get3A_93, %get3A_94, %get3A_95] : memref<1x1x4096xi32, #tpu.memory_space<vmem>>, vector<1x1x4096xi32>
    %get3A_97 = vector.shape_cast %get3A_96 : vector<1x1x4096xi32> to vector<4096xi32>
    %iota3A_98 = tpu.iota {dimensions = array<i32: 0>} : vector<512x4096xi32>
    %broadcast_in_dim3A = vector.shape_cast %get3A_97 : vector<4096xi32> to vector<1x4096xi32>
    %eq3A_99 = vector.broadcast %broadcast_in_dim3A : vector<1x4096xi32> to vector<512x4096xi32>
    %eq3A_100 = arith.cmpi eq, %iota3A_98, %eq3A_99 : vector<512x4096xi32>
    %convert_element_type3A_101 = arith.extui %eq3A_100 : vector<512x4096xi1> to vector<512x4096xi32>
    %convert_element_type3A_102 = arith.sitofp %convert_element_type3A_101 : vector<512x4096xi32> to vector<512x4096xf32>
    %mul3A_103 = vector.broadcast %convert_element_type3A_87 : vector<4096x1xf32> to vector<4096x128xf32>
    %mul3A_104 = arith.mulf %exp3A, %mul3A_103 : vector<4096x128xf32>
    %get3A_105 = arith.constant 0 : index
    %get3A_106 = arith.constant 0 : index
    %get3A_107 = vector.load %arg15[%get3A_105, %get3A_106] : memref<128x8xf32, #tpu.memory_space<vmem>>, vector<128x8xf32>
    %dot_general3A_108 = arith.constant dense<0.000000e+00> : vector<4096x8xf32>
    %dot_general3A_109 = tpu.matmul %mul3A_104, %get3A_107, %dot_general3A_108 {dimension_numbers = #tpu.dot_dimension_numbers<[1], [0], [0], [1], [0, 0, 1, 1], [], []>, transpose_lhs_hint = false} : vector<4096x128xf32>, vector<128x8xf32>, vector<4096x8xf32> -> vector<4096x8xf32>
    %get3A_110 = arith.constant 0 : index
    %get3A_111 = arith.constant 0 : index
    %get3A_112 = vector.load %arg17[%get3A_110, %get3A_111] : memref<512x8xf32, #tpu.memory_space<vmem>>, vector<512x8xf32>
    %dot_general3A_113 = arith.constant dense<0.000000e+00> : vector<512x8xf32>
    %dot_general3A_114 = tpu.matmul %convert_element_type3A_102, %dot_general3A_109, %dot_general3A_113 {dimension_numbers = #tpu.dot_dimension_numbers<[1], [0], [0], [1], [0, 0, 1, 1], [], []>, transpose_lhs_hint = false} : vector<512x4096xf32>, vector<4096x8xf32>, vector<512x8xf32> -> vector<512x8xf32>
    %add3A_115 = arith.addf %get3A_112, %dot_general3A_114 : vector<512x8xf32>
    %swap3A_116 = arith.constant 0 : index
    %swap3A_117 = arith.constant 0 : index
    %swap3A_118 = vector.load %arg17[%swap3A_116, %swap3A_117] : memref<512x8xf32, #tpu.memory_space<vmem>>, vector<512x8xf32>
    tpu.vector_store %arg17[%swap3A_116, %swap3A_117], %add3A_115 {strides = array<i32>} : memref<512x8xf32, #tpu.memory_space<vmem>>, vector<512x8xf32>,
    return
  }
  func.func @transform_0(%arg0: i32) -> (i32, i32) {
    %c0_i32 = arith.constant 0 : i32
    %c0_i32_0 = arith.constant 0 : i32
    return %arg0, %c0_i32 : i32, i32
  }
  func.func @transform_1(%arg0: i32) -> (i32, i32, i32) {
    %c0_i32 = arith.constant 0 : i32
    %c0_i32_0 = arith.constant 0 : i32
    %c0_i32_1 = arith.constant 0 : i32
    return %arg0, %c0_i32, %c0_i32_0 : i32, i32, i32
  }
  func.func @transform_2(%arg0: i32) -> (i32, i32) {
    %c0_i32 = arith.constant 0 : i32
    %c0_i32_0 = arith.constant 0 : i32
    %c0_i32_1 = arith.constant 0 : i32
    return %c0_i32, %c0_i32_0 : i32, i32
  }
  func.func @transform_3(%arg0: i32) -> (i32, i32) {
    %c0_i32 = arith.constant 0 : i32
    %c0_i32_0 = arith.constant 0 : i32
    %c0_i32_1 = arith.constant 0 : i32
    return %c0_i32, %c0_i32_0 : i32, i32
  }
  func.func @transform_4(%arg0: i32) -> (i32, i32) {
    %c0_i32 = arith.constant 0 : i32
    %c0_i32_0 = arith.constant 0 : i32
    %c0_i32_1 = arith.constant 0 : i32
    return %c0_i32, %c0_i32_0 : i32, i32
  }
  func.func @transform_5(%arg0: i32) -> (i32, i32) {
    %c0_i32 = arith.constant 0 : i32
    %c0_i32_0 = arith.constant 0 : i32
    %c0_i32_1 = arith.constant 0 : i32
    return %c0_i32, %c0_i32_0 : i32, i32
  }
  func.func @transform_6(%arg0: i32) -> (i32, i32) {
    %c0_i32 = arith.constant 0 : i32
    %c0_i32_0 = arith.constant 0 : i32
    %c0_i32_1 = arith.constant 0 : i32
    return %c0_i32, %c0_i32_0 : i32, i32
  }
  func.func @transform_7(%arg0: i32) -> (i32, i32) {
    %c0_i32 = arith.constant 0 : i32
    %c0_i32_0 = arith.constant 0 : i32
    %c0_i32_1 = arith.constant 0 : i32
    return %c0_i32, %c0_i32_0 : i32, i32
  }
  func.func @transform_8(%arg0: i32) -> (i32, i32) {
    %c0_i32 = arith.constant 0 : i32
    %c0_i32_0 = arith.constant 0 : i32
    %c0_i32_1 = arith.constant 0 : i32
    return %c0_i32, %c0_i32_0 : i32, i32
  }
  func.func @transform_9(%arg0: i32) -> (i32, i32) {
    %c0_i32 = arith.constant 0 : i32
    %c0_i32_0 = arith.constant 0 : i32
    %c0_i32_1 = arith.constant 0 : i32
    return %c0_i32, %c0_i32_0 : i32, i32
  }
  func.func @transform_10(%arg0: i32) -> (i32, i32) {
    %c0_i32 = arith.constant 0 : i32
    %c0_i32_0 = arith.constant 0 : i32
    %c0_i32_1 = arith.constant 0 : i32
    return %c0_i32, %c0_i32_0 : i32, i32
  }
  func.func @transform_11(%arg0: i32) -> (i32, i32) {
    %c0_i32 = arith.constant 0 : i32
    %c0_i32_0 = arith.constant 0 : i32
    %c0_i32_1 = arith.constant 0 : i32
    return %c0_i32, %c0_i32_0 : i32, i32
  }
  func.func @transform_12(%arg0: i32) -> (i32, i32) {
    %c0_i32 = arith.constant 0 : i32
    %c0_i32_0 = arith.constant 0 : i32
    %c0_i32_1 = arith.constant 0 : i32
    return %c0_i32, %c0_i32_0 : i32, i32
  }
  func.func @transform_13(%arg0: i32) -> (i32, i32) {
    %c0_i32 = arith.constant 0 : i32
    %c0_i32_0 = arith.constant 0 : i32
    %c0_i32_1 = arith.constant 0 : i32
    return %c0_i32, %c0_i32_0 : i32, i32
  }
  func.func @transform_14(%arg0: i32) -> (i32, i32) {
    %c0_i32 = arith.constant 0 : i32
    %c0_i32_0 = arith.constant 0 : i32
    %c0_i32_1 = arith.constant 0 : i32
    return %c0_i32, %c0_i32_0 : i32, i32
  }
  func.func @transform_15(%arg0: i32) -> (i32, i32) {
    %c0_i32 = arith.constant 0 : i32
    %c0_i32_0 = arith.constant 0 : i32
    return %arg0, %c0_i32 : i32, i32
  }
  func.func @transform_16(%arg0: i32) -> (i32, i32) {
    %c0_i32 = arith.constant 0 : i32
    %c0_i32_0 = arith.constant 0 : i32
    %c0_i32_1 = arith.constant 0 : i32
    return %c0_i32, %c0_i32_0 : i32, i32
  }
}

module attributes {stable_mosaic.version = 14 : i64} {
  func.func @_combine_body(%arg0: i32, %arg1: memref<512x128xf32, #tpu.memory_space<vmem>>, %arg2: memref<512x128xf32, #tpu.memory_space<vmem>>, %arg3: memref<512x8xf32, #tpu.memory_space<vmem>>, %arg4: memref<8x128xf32, #tpu.memory_space<vmem>>, %arg5: memref<512x128xf32, #tpu.memory_space<vmem>>) attributes {dimension_semantics = [#tpu.dimension_semantics<arbitrary>], iteration_bounds = array<i64: 1>, scalar_prefetch = 0 : i64, scratch_operands = 0 : i64, tpu.core_type = #tpu.core_type<tc>, window_params = [{pipeline_mode = #tpu.pipeline_mode<synchronous>, transform_indices = @transform_0, window_bounds = array<i64: 512, 128>}, {pipeline_mode = #tpu.pipeline_mode<synchronous>, transform_indices = @transform_1, window_bounds = array<i64: 512, 128>}, {pipeline_mode = #tpu.pipeline_mode<synchronous>, transform_indices = @transform_2, window_bounds = array<i64: 512, 8>}, {pipeline_mode = #tpu.pipeline_mode<synchronous>, transform_indices = @transform_3, window_bounds = array<i64: 8, 128>}, {pipeline_mode = #tpu.pipeline_mode<synchronous>, transform_indices = @transform_4, window_bounds = array<i64: 512, 128>}]} {
    %get3A = arith.constant 0 : index
    %get3A_0 = arith.constant 0 : index
    %get3A_1 = vector.load %arg1[%get3A, %get3A_0] : memref<512x128xf32, #tpu.memory_space<vmem>>, vector<512x128xf32>
    %get3A_2 = arith.constant 0 : index
    %get3A_3 = arith.constant 0 : index
    %get3A_4 = vector.load %arg2[%get3A_2, %get3A_3] : memref<512x128xf32, #tpu.memory_space<vmem>>, vector<512x128xf32>
    %add3A = arith.addf %get3A_1, %get3A_4 : vector<512x128xf32>
    %get3A_5 = arith.constant 0 : index
    %get3A_6 = arith.constant 0 : index
    %get3A_7 = vector.load %arg3[%get3A_5, %get3A_6] : memref<512x8xf32, #tpu.memory_space<vmem>>, vector<512x8xf32>
    %get3A_8 = arith.constant 0 : index
    %get3A_9 = arith.constant 0 : index
    %get3A_10 = vector.load %arg4[%get3A_8, %get3A_9] : memref<8x128xf32, #tpu.memory_space<vmem>>, vector<8x128xf32>
    %dot_general3A = arith.constant dense<0.000000e+00> : vector<512x128xf32>
    %dot_general3A_11 = tpu.matmul %get3A_7, %get3A_10, %dot_general3A {dimension_numbers = #tpu.dot_dimension_numbers<[1], [0], [0], [1], [0, 0, 1, 1], [], []>, transpose_lhs_hint = false} : vector<512x8xf32>, vector<8x128xf32>, vector<512x128xf32> -> vector<512x128xf32>
    %max3A = arith.constant 1.000000e-30 : f32
    %max3A_12 = vector.broadcast %max3A : f32 to vector<512x128xf32>
    %max3A_13 = arith.maximumf %dot_general3A_11, %max3A_12 : vector<512x128xf32>
    %div3A = arith.divf %add3A, %max3A_13 : vector<512x128xf32>
    %swap3A = arith.constant 0 : index
    %swap3A_14 = arith.constant 0 : index
    %swap3A_15 = vector.load %arg5[%swap3A, %swap3A_14] : memref<512x128xf32, #tpu.memory_space<vmem>>, vector<512x128xf32>
    tpu.vector_store %arg5[%swap3A, %swap3A_14], %div3A {strides = array<i32>} : memref<512x128xf32, #tpu.memory_space<vmem>>, vector<512x128xf32>,
    return
  }
  func.func @transform_0(%arg0: i32) -> (i32, i32) {
    %c0_i32 = arith.constant 0 : i32
    %c0_i32_0 = arith.constant 0 : i32
    %c0_i32_1 = arith.constant 0 : i32
    return %c0_i32, %c0_i32_0 : i32, i32
  }
  func.func @transform_1(%arg0: i32) -> (i32, i32) {
    %c0_i32 = arith.constant 0 : i32
    %c0_i32_0 = arith.constant 0 : i32
    %c0_i32_1 = arith.constant 0 : i32
    return %c0_i32, %c0_i32_0 : i32, i32
  }
  func.func @transform_2(%arg0: i32) -> (i32, i32) {
    %c0_i32 = arith.constant 0 : i32
    %c0_i32_0 = arith.constant 0 : i32
    %c0_i32_1 = arith.constant 0 : i32
    return %c0_i32, %c0_i32_0 : i32, i32
  }
  func.func @transform_3(%arg0: i32) -> (i32, i32) {
    %c0_i32 = arith.constant 0 : i32
    %c0_i32_0 = arith.constant 0 : i32
    %c0_i32_1 = arith.constant 0 : i32
    return %c0_i32, %c0_i32_0 : i32, i32
  }
  func.func @transform_4(%arg0: i32) -> (i32, i32) {
    %c0_i32 = arith.constant 0 : i32
    %c0_i32_0 = arith.constant 0 : i32
    %c0_i32_1 = arith.constant 0 : i32
    return %c0_i32, %c0_i32_0 : i32, i32
  }
}

</mosaic_0001>

<sc_bundles>
// kernel: kernel.5.cloned.1.call-start
scs
__scs_entry_jumppad:
0x0: {  	(pc) =	sbr.rel $0x88, $3  }
0x1: {  	(tag) =	ssettag $0x0;
	lr =	simm.s32 $0x1  }
0x2: {  	[smem:$0x3F93] =	sst lr;
	_ =	strace $0xD0000000  }
0x3: {  	_ = 	snop  }
0x4: {  	_ = 	snop  }
0x5: {  	_ = 	snop  }
0x6: {  	_ = 	snop  }
0x7: {  	_ = 	snop  }
__scs_overlays_trampoline_lowered:
0x8: {  	[smem:$0x3FA2] =	sst s0  }
0x9: {  	[smem:$0x3FA3] =	sst s1  }
0xa: {  	[smem:$0x3FA4] =	sst s2  }
0xb: {  	[smem:$0x3FA5] =	sst s3  }
0xc: {  	[smem:$0x3FA6] =	sst s4  }
0xd: {  	[smem:$0x3FA7] =	sst s5  }
0xe: {  	[smem:$0x3FA8] =	sst s6  }
0xf: {  	[smem:$0x3FA9] =	sst s7  }
0x10: {  	[smem:$0x3FAA] =	sst s8  }
0x11: {  	[smem:$0x3FAB] =	sst s9;
	s0 =	simm.s32 @!p0 $0x0  }
0x12: {  	s1 =	sld [smem:$0x3F91];
	s0 =	simm.s32 @p0 $0x1  }
0x13: {  	[smem:$0x3FAC] =	sst s0;
	s0 =	simm.s32 @!p1 $0x0  }
0x14: {  	s2 =	sld [smem:$0x3F90];
	s0 =	simm.s32 @p1 $0x1  }
0x15: {  	[smem:$0x3FAD] =	sst s0;
	s0 =	simm.s32 @!p2 $0x0  }
0x16: {  	s3 =	sld [smem:$0x3FDB];
	s0 =	simm.s32 @p2 $0x1  }
0x17: {  	s4 =	simm.s32 $0x1BF5;
	[smem:$0x3FAF] =	sst s0  }
0x18: {  	s0 =	sld [smem:$0x3F92];
	_ =	swait.ge [sflag:s4], $0x0  }
0x19: {  	s7 =	sld [smem:$0x3F93]  }
0x1a: {  	s8 =	sadd.s32 $0xFFFFE003, lr  }
0x1b: {  	s9 =	sadd.s32 $0xFFFFFEF7, lr;
	s5 =	simm.s32 $0xFFFFFFFF;
	p2 =	slt.u32 s8, $0xFFFFF086  }
0x1c: {  	p1 =	slt.u32 s9, $0xF7A;
	s5 =	simm.s32 @!p2 $0x0  }
0x1d: {  	s5 =	simm.s32 @p1 $0x1;
	p0 =	seq.s32 s7, s2  }
0x1e: {  	s7 =	smul.u32 @!p0 $0xF7A, s2;
	p2 =	seq.s32 @!p0 s5, $0x0  }
0x1f: {  	s9 =	smul.u32 $0xF7A, s1;
	s8 =	simm.s32 @!p0 $0x1BF5;
	p2 =	por !p2, p0  }
0x20: {  	[sflag:s8] =	ssyncset.s32 @!p0 $0xFFFFF086;
	s6 =	sadd.s32 @!p0 s3, s7;
	s7 =	simm.s32 @!p0 $0x108  }
0x21: {  	s3 =	sadd.s32 s3, s9;
	s6 =	sadd.s32 @!p0 $0x88, s6;
	s7 =	simm.s32 @p2 $0x1082  }
0x22: {  	[simem:s7], [sflag:s8] =	dma.local @!p0 [hbm:s6], $0xF7A  }
0x23: {  	s9 =	sor.u32 $0xD0000000, s2;
	s6 =	simm.s32 $0x108;
	_ =	swait.ge @!p0 [sflag:s8], $0x0  }
0x24: {  	s3 =	sadd.s32 $0x88, s3;
	s6 =	simm.s32 @!p1 $0x1082;
	[sflag:s4] =	ssyncset.s32 $0xFFFFF086  }
0x25: {  	[simem:s6], [sflag:s4] =	dma.local [hbm:s3], $0xF7A  }
0x26: {  	[smem:$0x3F93] =	sst s1;
	(tag) =	ssettag s2;
	_ =	strace s9  }
0x27: {  	s1 =	sld [smem:$0x3FA3]  }
0x28: {  	s2 =	sld [smem:$0x3FA4]  }
0x29: {  	s4 =	sld [smem:$0x3FA6]  }
0x2a: {  	p0 =	seq.s32 s5, $0x0;
	s5 =	sld [smem:$0x3FA7]  }
0x2b: {  	s6 =	sld [smem:$0x3FA8]  }
0x2c: {  	s7 =	sld [smem:$0x3FA9]  }
0x2d: {  	s3 =	simm.s32 $0x108;
	s8 =	sld [smem:$0x3FAA]  }
0x2e: {  	s3 =	simm.s32 @!p0 $0x1082;
	s9 =	sld [smem:$0x3FAB]  }
0x2f: {  	lr =	sadd.s32 s0, s3;
	s0 =	sld [smem:$0x3FA2]  }
0x30: {  	s3 =	sld [smem:$0x3FA5]  }
0x31: {  	[smem:$0x3FAE] =	sst s10  }
0x32: {  	s10 =	sld [smem:$0x3FAC];
	_ =	sdelay $0x3  }
0x33: {  	p0 =	seq.s32 s10, $0x1;
	s10 =	sld [smem:$0x3FAE];
	_ =	sdelay $0x3  }
0x34: {  	[smem:$0x3FAE] =	sst s10  }
0x35: {  	s10 =	sld [smem:$0x3FAD];
	_ =	sdelay $0x3  }
0x36: {  	p1 =	seq.s32 s10, $0x1;
	s10 =	sld [smem:$0x3FAE];
	_ =	sdelay $0x3  }
0x37: {  	[smem:$0x3FAE] =	sst s10  }
0x38: {  	s10 =	sld [smem:$0x3FAF]  }
0x39: {  	_ = 	snop;
	(pc) =	sbr.ind lr, $3  }
0x3a: {  	_ = 	snop  }
0x3b: {  	_ = 	snop  }
0x3c: {  	p2 =	seq.s32 s10, $0x1;
	s10 =	sld [smem:$0x3FAE]  }
0x3d: {  	_ =	shalt  }
0x3e: {  	_ =	shalt  }
0x3f: {  	_ =	shalt  }
0x40: {  	_ =	shalt  }
0x41: {  	_ =	shalt  }
0x42: {  	_ =	shalt  }
0x43: {  	_ =	shalt  }
0x44: {  	_ =	shalt  }
0x45: {  	_ =	shalt  }
0x46: {  	_ =	shalt  }
0x47: {  	_ =	shalt  }
0x48: {  	_ =	shalt  }
0x49: {  	_ =	shalt  }
0x4a: {  	_ =	shalt  }
0x4b: {  	_ =	shalt  }
0x4c: {  	_ =	shalt  }
0x4d: {  	_ =	shalt  }
0x4e: {  	_ =	shalt  }
0x4f: {  	_ =	shalt  }
0x50: {  	_ =	shalt  }
0x51: {  	_ =	shalt  }
0x52: {  	_ =	shalt  }
0x53: {  	_ =	shalt  }
0x54: {  	_ =	shalt  }
0x55: {  	_ =	shalt  }
0x56: {  	_ =	shalt  }
0x57: {  	_ =	shalt  }
0x58: {  	_ =	shalt  }
0x59: {  	_ =	shalt  }
0x5a: {  	_ =	shalt  }
0x5b: {  	_ =	shalt  }
0x5c: {  	_ =	shalt  }
0x5d: {  	_ =	shalt  }
0x5e: {  	_ =	shalt  }
0x5f: {  	_ =	shalt  }
0x60: {  	_ =	shalt  }
0x61: {  	_ =	shalt  }
0x62: {  	_ =	shalt  }
0x63: {  	_ =	shalt  }
0x64: {  	_ =	shalt  }
0x65: {  	_ =	shalt  }
0x66: {  	_ =	shalt  }
0x67: {  	_ =	shalt  }
0x68: {  	_ =	shalt  }
0x69: {  	_ =	shalt  }
0x6a: {  	_ =	shalt  }
0x6b: {  	_ =	shalt  }
0x6c: {  	_ =	shalt  }
0x6d: {  	_ =	shalt  }
0x6e: {  	_ =	shalt  }
0x6f: {  	_ =	shalt  }
0x70: {  	_ =	shalt  }
0x71: {  	_ =	shalt  }
0x72: {  	_ =	shalt  }
0x73: {  	_ =	shalt  }
0x74: {  	_ =	shalt  }
0x75: {  	_ =	shalt  }
0x76: {  	_ =	shalt  }
0x77: {  	_ =	shalt  }
0x78: {  	_ =	shalt  }
0x79: {  	_ =	shalt  }
0x7a: {  	_ =	shalt  }
0x7b: {  	_ =	shalt  }
0x7c: {  	_ =	shalt  }
0x7d: {  	_ =	shalt  }
0x7e: {  	_ =	shalt  }
0x7f: {  	_ =	shalt  }
0x80: {  	_ =	shalt  }
0x81: {  	_ =	shalt  }
0x82: {  	_ =	shalt  }
0x83: {  	_ =	shalt  }
0x84: {  	_ =	shalt  }
0x85: {  	_ =	shalt  }
0x86: {  	_ =	shalt  }
0x87: {  	_ =	shalt  }
.Lfunc_end0:
.L_simem_size_0:
called_computation_lowered:
.L_overlay_start_0:
0x88: {  	s2 =	sld [smem:$0x3FD9]  }
0x89: {  	s3 =	sld [smem:$0x3FFE];
	_ =	sdelay $0x1  }
0x8a: {  	s1 =	srdreg.scid  }
0x8b: {  	s0 =	sand.u32 $0x1, s1  }
0x8c: {  	s17 =	sshll.u32 s0, $0xA;
	s2 =	sadd.s32 s3, s2  }
0x8d: {  	s2 =	sadd.s32 s2, s17  }
0x8e: {  	[smem:$0x3FBA] =	sst s2  }
0x8f: {  	_ = 	snop  }
0x90: {  	s2 =	sld [smem:$0x3FD0];
	(tm) =	ssettm $0x1  }
0x91: {  	s18 =	sld [smem:$0x3FFB];
	_ =	sdelay $0x3  }
0x92: {  	_ =	strace s18  }
0x93: {  	s3 =	sld [smem:$0x3FFC];
	_ =	sdelay $0x3  }
0x94: {  	_ =	strace s3  }
0x95: {  	s3 =	sld [smem:$0x3FFD];
	_ =	sdelay $0x3  }
0x96: {  	_ =	strace s3  }
0x97: {  	_ =	strace $0x8FFFFFFF  }
0x98: {  	s19 =	sld [smem:$0x3FDB];
	_ =	sdelay $0x1  }
0x99: {  	s4 =	simm.s32 $_scs_section_size  }
0x9a: {  	s5 =	simm.s32 $_size__tile_overlayer_lowered;
	s6 =	simm.s32 $_tile_overlayer_lowered  }
0x9b: {  	s22 =	simm.s32 $0x1BFF;
	s21 =	sshll.u32 s6, $0x1;
	s3 =	sadd.s32 s4, s19  }
0x9c: {  	s7 =	simm.s32 $0x0;
	s20 =	sshll.u32 s5, $0x1;
	s5 =	sadd.s32 s21, s3  }
0x9d: {  	[timem:s7], [sflag:s22] =	dma.local [hbm:s5], s20  }
0x9e: {  	_ =	swait.ge [sflag:s22], s20  }
0x9f: {  	s4 =	ssub.s32 $0x0, s20;
	[sflag:s22] =	ssyncset.done $0x0  }
0xa0: {  	[sflag:s22] =	ssyncadd.s32 s4;
	_ =	sdelay $0x1  }
0xa1: {  	s23 =	simm.s32 $0x1B8B  }
0xa2: {  	_ =	swait.ge [sflag:s23], $0x1  }
0xa3: {  	[sflag:s23] =	ssyncset.done $0x0  }
0xa4: {  	s25 =	simm.s32 $0x1B8E;
	s24 =	sld [smem:$0x3FFE];
	[sflag:s23] =	ssyncadd.s32 $0xFFFFFFFF  }
0xa5: {  	s26 =	simm.s32 $execute0_lowered;
	[smem:$0x3FD2] =	sst s25  }
0xa6: {  	s5 =	sshll.u32 s26, $0x1;
	_ =	strace $0x80000046;
	[dreg:$0x1] =	wrdreg $0xFFFFFFFF  }
0xa7: {  	s28 =	simm.s32 $_size_execute0_lowered;
	s3 =	sadd.s32 s3, s5;
	[dreg:$0x0] =	wrdreg $0x0  }
0xa8: {  	s5 =	sshll.u32 s28, $0x1;
	[dreg:$0x2] =	wrdreg s3  }
0xa9: {  	[dreg:$0x3] =	wrdreg s5  }
0xaa: {  	[dreg:$0x4] =	wrdreg $0xC0  }
0xab: {  	_ =	task [dreg:s7], $0x5FFFF  }
0xac: {  	[dreg:$0x1] =	wrdreg $0xFFFFFFFF  }
0xad: {  	[dreg:$0x0] =	wrdreg $0x60  }
0xae: {  	[dreg:$0x2] =	wrdreg s24  }
0xaf: {  	[dreg:$0x3] =	wrdreg s2  }
0xb0: {  	[dreg:$0x4] =	wrdreg $0x40800  }
0xb1: {  	[dreg:$0x5] =	wrdreg $0x9  }
0xb2: {  	_ =	task.clear_ibuf [dreg:s7], $0x6FFFF;
	_ =	strace $0x90000046  }
0xb3: {  	s29 =	simm.s32 $0x9;
	_ =	strace $0x80000048  }
0xb4: {  	_ =	swait.ge [sflag:s29], $0x1  }
0xb5: {  	[sflag:s29] =	ssyncadd.s32 $0xFFFFFFFF  }
0xb6: {  	_ =	strace $0x90000048  }
0xb7: {  	_ =	sfence  }
0xb8: {  	s30 =	sld [smem:$0x0];
	_ =	sdelay $0x2  }
0xb9: {  	s31 =	sshll.u32 s1, $0xD;
	s1 =	sshrl.u32 s1, $0x2  }
0xba: {  	s3 =	sand.u32 $0x4000, s31;
	s1 =	sadd.s32 s1, s30  }
0xbb: {  	s0 =	sor.u32 s3, s0;
	s1 =	sshll.u32 s1, $0x11  }
0xbc: {  	s0 =	sor.u32 s1, s0  }
0xbd: {  	s0 =	sadd.s32 $0x8F2B, s0  }
0xbe: {  	[sflag:s0] =	ssyncadd.remote.s32 $0x1  }
0xbf: {  	_ =	sfence.sel $0xFFFF  }
0xc0: {  	[dreg:$0x0] =	wrdreg $0xFFFFFFFF;
	(pc) =	sbr.abs _section_cstart, $3  }
0xc1: {  	[dreg:$0x1] =	wrdreg $0xFFFFFFFF  }
0xc2: {  	_ =	task.clear_ibuf [dreg:s7], $0x2FFFF;
	_ =	strace $0x9FFFFFFF  }
0xc3: {  	(tm) =	ssettm $0x7FFFFFFF  }
tec
execute0_lowered:
.L_overlay_start_1:
0x0: {  	(tag) =	ssettag $0x1  }
0x1: {  	s5 =	rddreg [dreg:$0x0]  }
0x2: {  	s0 =	rddreg [dreg:$0x1];
	s1 =	srdreg.scid  }
0x3: {  	s2 =	rddreg [dreg:$0x2];
	s3 =	simm.s32 $0x0;
	s1 =	sand.u32 $0x1, s1  }
0x4: {  	s8 =	stileid.u32;
	[smem:$0x7FC] =	sst s1;
	s1 =	sshll.u32 s1, $0x4  }
0x5: {  	[smem:$0x7FF] =	sst s3;
	s29 =	sadd.s32 $0x195000, s5;
	s4 =	sor.u32 s8, s1  }
0x6: {  	s30 =	sadd.s32 $0x1E00, s5;
	s9 =	sshll.u32 s8, $0x9;
	s1 =	smul.u32 $0xC80, s4  }
0x7: {  	s11 =	sshll.u32 s8, $0x7;
	s12 =	sadd.s32 s0, s9;
	s6 =	smul.u32 $0xC800, s4  }
0x8: {  	_ =	strace $0x80000047;
	[smem:$0x7FB] =	sst s9;
	s0 =	smul.u32 $0x19, s4  }
0x9: {  	s31 =	sand.u32 $0x380, s11;
	[dreg:$0x4] =	wrdreg s12;
	s7 =	sand.u32 $0x1FC00, s1  }
0xa: {  	s14 =	sadd.s32 s29, s6;
	s15 =	sadd.s32 $0x1, s0;
	s17 =	sadd.s32 $0x2, s0  }
0xb: {  	s23 =	sadd.s32 $0x3, s0;
	s25 =	sadd.s32 $0x4, s0;
	s10 =	sadd.s32 $0x5, s0  }
0xc: {  	s12 =	sadd.s32 $0x6, s0;
	s13 =	sor.u32 s31, s7;
	[dreg:$0x5] =	wrdreg s14  }
0xd: {  	s16 =	sshll.u32 s15, $0xB;
	s5 =	sshll.u32 s15, $0x4;
	s19 =	sshll.u32 s17, $0xB  }
0xe: {  	s21 =	sshll.u32 s17, $0x4;
	s24 =	sshll.u32 s23, $0xB;
	s1 =	sshll.u32 s25, $0xB  }
0xf: {  	s7 =	sshll.u32 s25, $0x4;
	s11 =	sshll.u32 s10, $0xB;
	s14 =	sshll.u32 s12, $0xB  }
0x10: {  	s25 =	sadd.s32 $0x9, s0;
	s4 =	sshrl.u32 s13, $0x3;
	s18 =	sadd.s32 s30, s5  }
0x11: {  	s20 =	sadd.s32 s29, s19;
	s22 =	sadd.s32 s30, s21;
	[dreg:$0x8] =	wrdreg s18  }
0x12: {  	s5 =	sshll.u32 s23, $0x4;
	s9 =	sadd.s32 s30, s7;
	[dreg:$0x9] =	wrdreg s20  }
0x13: {  	s15 =	sadd.s32 s29, s14;
	s7 =	sshll.u32 s25, $0x4;
	[dreg:$0xa] =	wrdreg s22  }
0x14: {  	s4 =	sadd.s32 s30, s4;
	s26 =	sadd.s32 s30, s5;
	[dreg:$0xe] =	wrdreg s9  }
0x15: {  	s5 =	sadd.s32 s29, s1;
	[dreg:$0x11] =	wrdreg s15;
	s18 =	sadd.s32 $0x7, s0  }
0x16: {  	s20 =	sadd.s32 $0x8, s0;
	s1 =	sshll.u32 s25, $0xB;
	[dreg:$0x6] =	wrdreg s4  }
0x17: {  	s9 =	sadd.s32 s30, s7;
	s4 =	sadd.s32 s29, s16;
	[dreg:$0xc] =	wrdreg s26  }
0x18: {  	[dreg:$0xd] =	wrdreg s5;
	s5 =	sshll.u32 s10, $0x4;
	s16 =	sshll.u32 s12, $0x4  }
0x19: {  	s19 =	sshll.u32 s18, $0xB;
	s21 =	sshll.u32 s20, $0x7;
	[dreg:$0x18] =	wrdreg s9  }
0x1a: {  	s10 =	sadd.s32 $0xA, s0;
	s9 =	sadd.s32 $0xE, s0;
	[dreg:$0x7] =	wrdreg s4  }
0x1b: {  	s4 =	sadd.s32 s29, s24;
	s13 =	sadd.s32 s30, s5;
	s17 =	sadd.s32 s30, s16  }
0x1c: {  	s5 =	sshll.u32 s18, $0x4;
	s23 =	sand.u32 $0x3FC00, s21;
	[dreg:$0xb] =	wrdreg s4  }
0x1d: {  	s24 =	sshll.u32 s20, $0xB;
	s12 =	sshll.u32 s10, $0xB;
	[dreg:$0x10] =	wrdreg s13  }
0x1e: {  	s21 =	sadd.s32 $0xD, s0;
	s4 =	sadd.s32 s29, s11;
	[dreg:$0x12] =	wrdreg s17  }
0x1f: {  	s22 =	sadd.s32 s30, s5;
	s5 =	sor.u32 s31, s23;
	[dreg:$0xf] =	wrdreg s4  }
0x20: {  	s11 =	sshll.u32 s8, $0xC;
	s4 =	sadd.s32 s29, s19;
	[dreg:$0x14] =	wrdreg s22  }
0x21: {  	s5 =	sshrl.u32 s5, $0x3;
	[dreg:$0x13] =	wrdreg s4;
	s4 =	sadd.s32 s29, s24  }
0x22: {  	s13 =	sadd.s32 $0xB, s0;
	s26 =	sadd.s32 s30, s5;
	[dreg:$0x15] =	wrdreg s4  }
0x23: {  	s15 =	sshll.u32 s13, $0xB;
	s5 =	sadd.s32 s29, s1;
	[dreg:$0x16] =	wrdreg s26  }
0x24: {  	s17 =	sshll.u32 s13, $0x4;
	s16 =	sadd.s32 s29, s15;
	[dreg:$0x17] =	wrdreg s5  }
0x25: {  	s23 =	sshll.u32 s21, $0xB;
	s18 =	sadd.s32 s30, s17;
	[dreg:$0x1b] =	wrdreg s16  }
0x26: {  	s8 =	sshll.u32 s8, $0x6;
	s24 =	sadd.s32 s29, s23;
	[dreg:$0x1c] =	wrdreg s18  }
0x27: {  	s25 =	sshll.u32 s21, $0x4;
	s19 =	sadd.s32 $0xC, s0;
	[dreg:$0x1f] =	wrdreg s24  }
0x28: {  	s4 =	sadd.s32 s29, s12;
	s5 =	sshll.u32 s10, $0x4;
	s10 =	rddreg [dreg:$0x4]  }
0x29: {  	s1 =	sshll.u32 s9, $0xB;
	s26 =	sadd.s32 s30, s25;
	[dreg:$0x19] =	wrdreg s4  }
0x2a: {  	s6 =	sadd.s32 s11, s2;
	s11 =	sadd.s32 s29, s1;
	[smem:$0x7F9] =	sst s26  }
0x2b: {  	s20 =	sshll.u32 s19, $0xB;
	s14 =	sadd.s32 s30, s5;
	[smem:$0x7FA] =	sst s11  }
0x2c: {  	s4 =	sadd.s32 s29, s20;
	s5 =	sshll.u32 s19, $0x4;
	[dreg:$0x1a] =	wrdreg s14  }
0x2d: {  	s6 =	sshrl.u32 s6, $0x3;
	[dreg:$0x1d] =	wrdreg s4;
	s22 =	sadd.s32 s30, s5  }
0x2e: {  	s4 =	sor.u32 $0x1C01, s8;
	s5 =	simm.s32 $0x1;
	[dreg:$0x1e] =	wrdreg s22  }
0x2f: {  	[spmem:s6], [sflag:s4] =	dma.local [hbm:s10], $0x200  }
0x30: {  	_ =	swait.ge [sflag:s5], $0x200  }
0x31: {  	[sflag:s5] =	ssyncset.done $0x0  }
0x32: {  	[sflag:s5] =	ssyncadd.s32 $0xFFFFFE00  }
0x33: {  	[bflag:$0x0] =	sbarrier.arrive $0xFFFF  }
0x34: {  	s12 =	rddreg [dreg:$0x5]  }
0x35: {  	[tilespmem:s3], [sflag:$0x1] =	stream.linear.gather [hbm4b:s12+s3], $0x4000, $0x38;
	[tilespmem:$0x5080] =	vst v63  }
0x36: {  	_ =	swait.ge [sflag:s5], $0x4000  }
0x37: {  	[sflag:s5] =	ssyncset.done $0x0  }
0x38: {  	s7 =	simm.s32 $0x4000;
	s13 =	rddreg [dreg:$0x6];
	[sflag:s5] =	ssyncadd.s32 $0xFFFFC000  }
0x39: {  	[tilespmem:s7], [sflag:$0x1] =	stream.linear.gather [hbm4b:s13+s3], $0x80, $0x38;
	[tilespmem:$0x5080] =	vst v63  }
0x3a: {  	_ =	swait.ge [sflag:s5], $0x80  }
0x3b: {  	[sflag:s5] =	ssyncset.done $0x0  }
0x3c: {  	s8 =	simm.s32 $0x80;
	[sflag:s5] =	ssyncadd.s32 $0xFFFFFF80  }
0x3d: {  	[spmem:s2] =	stream.indirect.scatter.add.f32 [tilespmem:s3], [sflag:$0x1], $0x80, s7, s8, $0xb8;
	[tilespmem:$0x5080] =	vst v63  }
0x3e: {  	_ =	swait.ge [sflag:s5], $0x4000  }
0x3f: {  	[sflag:s5] =	ssyncset.done $0x0  }
0x40: {  	s14 =	rddreg [dreg:$0x7];
	[sflag:s5] =	ssyncadd.s32 $0xFFFFC000  }
0x41: {  	[tilespmem:s3], [sflag:$0x1] =	stream.linear.gather [hbm4b:s14+s3], $0x4000, $0x38;
	[tilespmem:$0x5080] =	vst v63  }
0x42: {  	_ =	swait.ge [sflag:s5], $0x4000  }
0x43: {  	[sflag:s5] =	ssyncset.done $0x0  }
0x44: {  	s15 =	rddreg [dreg:$0x8];
	[sflag:s5] =	ssyncadd.s32 $0xFFFFC000  }
0x45: {  	[tilespmem:s7], [sflag:$0x1] =	stream.linear.gather [hbm4b:s15+s3], $0x80, $0x38;
	[tilespmem:$0x5080] =	vst v63  }
0x46: {  	_ =	swait.ge [sflag:s5], $0x80  }
0x47: {  	[sflag:s5] =	ssyncset.done $0x0  }
0x48: {  	[sflag:s5] =	ssyncadd.s32 $0xFFFFFF80  }
0x49: {  	[spmem:s2] =	stream.indirect.scatter.add.f32 [tilespmem:s3], [sflag:$0x1], $0x80, s7, s8, $0xb8;
	[tilespmem:$0x5080] =	vst v63  }
0x4a: {  	_ =	swait.ge [sflag:s5], $0x4000  }
0x4b: {  	[sflag:s5] =	ssyncset.done $0x0  }
0x4c: {  	s16 =	rddreg [dreg:$0x9];
	[sflag:s5] =	ssyncadd.s32 $0xFFFFC000  }
0x4d: {  	[tilespmem:s3], [sflag:$0x1] =	stream.linear.gather [hbm4b:s16+s3], $0x4000, $0x38;
	[tilespmem:$0x5080] =	vst v63  }
0x4e: {  	_ =	swait.ge [sflag:s5], $0x4000  }
0x4f: {  	[sflag:s5] =	ssyncset.done $0x0  }
0x50: {  	s17 =	rddreg [dreg:$0xa];
	[sflag:s5] =	ssyncadd.s32 $0xFFFFC000  }
0x51: {  	[tilespmem:s7], [sflag:$0x1] =	stream.linear.gather [hbm4b:s17+s3], $0x80, $0x38;
	[tilespmem:$0x5080] =	vst v63  }
0x52: {  	_ =	swait.ge [sflag:s5], $0x80  }
0x53: {  	[sflag:s5] =	ssyncset.done $0x0  }
0x54: {  	[sflag:s5] =	ssyncadd.s32 $0xFFFFFF80  }
0x55: {  	[spmem:s2] =	stream.indirect.scatter.add.f32 [tilespmem:s3], [sflag:$0x1], $0x80, s7, s8, $0xb8;
	[tilespmem:$0x5080] =	vst v63  }
0x56: {  	_ =	swait.ge [sflag:s5], $0x4000  }
0x57: {  	[sflag:s5] =	ssyncset.done $0x0  }
0x58: {  	s18 =	rddreg [dreg:$0xb];
	[sflag:s5] =	ssyncadd.s32 $0xFFFFC000  }
0x59: {  	[tilespmem:s3], [sflag:$0x1] =	stream.linear.gather [hbm4b:s18+s3], $0x4000, $0x38;
	[tilespmem:$0x5080] =	vst v63  }
0x5a: {  	_ =	swait.ge [sflag:s5], $0x4000  }
0x5b: {  	[sflag:s5] =	ssyncset.done $0x0  }
0x5c: {  	s19 =	rddreg [dreg:$0xc];
	[sflag:s5] =	ssyncadd.s32 $0xFFFFC000  }
0x5d: {  	[tilespmem:s7], [sflag:$0x1] =	stream.linear.gather [hbm4b:s19+s3], $0x80, $0x38;
	[tilespmem:$0x5080] =	vst v63  }
0x5e: {  	_ =	swait.ge [sflag:s5], $0x80  }
0x5f: {  	[sflag:s5] =	ssyncset.done $0x0  }
0x60: {  	[sflag:s5] =	ssyncadd.s32 $0xFFFFFF80  }
0x61: {  	[spmem:s2] =	stream.indirect.scatter.add.f32 [tilespmem:s3], [sflag:$0x1], $0x80, s7, s8, $0xb8;
	[tilespmem:$0x5080] =	vst v63  }
0x62: {  	_ =	swait.ge [sflag:s5], $0x4000  }
0x63: {  	[sflag:s5] =	ssyncset.done $0x0  }
0x64: {  	s20 =	rddreg [dreg:$0xd];
	[sflag:s5] =	ssyncadd.s32 $0xFFFFC000  }
0x65: {  	[tilespmem:s3], [sflag:$0x1] =	stream.linear.gather [hbm4b:s20+s3], $0x4000, $0x38;
	[tilespmem:$0x5080] =	vst v63  }
0x66: {  	_ =	swait.ge [sflag:s5], $0x4000  }
0x67: {  	[sflag:s5] =	ssyncset.done $0x0  }
0x68: {  	s21 =	rddreg [dreg:$0xe];
	[sflag:s5] =	ssyncadd.s32 $0xFFFFC000  }
0x69: {  	[tilespmem:s7], [sflag:$0x1] =	stream.linear.gather [hbm4b:s21+s3], $0x80, $0x38;
	[tilespmem:$0x5080] =	vst v63  }
0x6a: {  	_ =	swait.ge [sflag:s5], $0x80  }
0x6b: {  	[sflag:s5] =	ssyncset.done $0x0  }
0x6c: {  	[sflag:s5] =	ssyncadd.s32 $0xFFFFFF80  }
0x6d: {  	[spmem:s2] =	stream.indirect.scatter.add.f32 [tilespmem:s3], [sflag:$0x1], $0x80, s7, s8, $0xb8;
	[tilespmem:$0x5080] =	vst v63  }
0x6e: {  	_ =	swait.ge [sflag:s5], $0x4000  }
0x6f: {  	[sflag:s5] =	ssyncset.done $0x0  }
0x70: {  	s22 =	rddreg [dreg:$0xf];
	[sflag:s5] =	ssyncadd.s32 $0xFFFFC000  }
0x71: {  	[tilespmem:s3], [sflag:$0x1] =	stream.linear.gather [hbm4b:s22+s3], $0x4000, $0x38;
	[tilespmem:$0x5080] =	vst v63  }
0x72: {  	_ =	swait.ge [sflag:s5], $0x4000  }
0x73: {  	[sflag:s5] =	ssyncset.done $0x0  }
0x74: {  	s23 =	rddreg [dreg:$0x10];
	[sflag:s5] =	ssyncadd.s32 $0xFFFFC000  }
0x75: {  	[tilespmem:s7], [sflag:$0x1] =	stream.linear.gather [hbm4b:s23+s3], $0x80, $0x38;
	[tilespmem:$0x5080] =	vst v63  }
0x76: {  	_ =	swait.ge [sflag:s5], $0x80  }
0x77: {  	[sflag:s5] =	ssyncset.done $0x0  }
0x78: {  	[sflag:s5] =	ssyncadd.s32 $0xFFFFFF80  }
0x79: {  	[spmem:s2] =	stream.indirect.scatter.add.f32 [tilespmem:s3], [sflag:$0x1], $0x80, s7, s8, $0xb8;
	[tilespmem:$0x5080] =	vst v63  }
0x7a: {  	_ =	swait.ge [sflag:s5], $0x4000  }
0x7b: {  	[sflag:s5] =	ssyncset.done $0x0  }
0x7c: {  	s24 =	rddreg [dreg:$0x11];
	[sflag:s5] =	ssyncadd.s32 $0xFFFFC000  }
0x7d: {  	[tilespmem:s3], [sflag:$0x1] =	stream.linear.gather [hbm4b:s24+s3], $0x4000, $0x38;
	[tilespmem:$0x5080] =	vst v63  }
0x7e: {  	_ =	swait.ge [sflag:s5], $0x4000  }
0x7f: {  	[sflag:s5] =	ssyncset.done $0x0  }
0x80: {  	s25 =	rddreg [dreg:$0x12];
	[sflag:s5] =	ssyncadd.s32 $0xFFFFC000  }
0x81: {  	[tilespmem:s7], [sflag:$0x1] =	stream.linear.gather [hbm4b:s25+s3], $0x80, $0x38;
	[tilespmem:$0x5080] =	vst v63  }
0x82: {  	_ =	swait.ge [sflag:s5], $0x80  }
0x83: {  	[sflag:s5] =	ssyncset.done $0x0  }
0x84: {  	[sflag:s5] =	ssyncadd.s32 $0xFFFFFF80  }
0x85: {  	[spmem:s2] =	stream.indirect.scatter.add.f32 [tilespmem:s3], [sflag:$0x1], $0x80, s7, s8, $0xb8;
	[tilespmem:$0x5080] =	vst v63  }
0x86: {  	_ =	swait.ge [sflag:s5], $0x4000  }
0x87: {  	[sflag:s5] =	ssyncset.done $0x0  }
0x88: {  	s26 =	rddreg [dreg:$0x13];
	[sflag:s5] =	ssyncadd.s32 $0xFFFFC000  }
0x89: {  	[tilespmem:s3], [sflag:$0x1] =	stream.linear.gather [hbm4b:s26+s3], $0x4000, $0x38;
	[tilespmem:$0x5080] =	vst v63  }
0x8a: {  	_ =	swait.ge [sflag:s5], $0x4000  }
0x8b: {  	[sflag:s5] =	ssyncset.done $0x0  }
0x8c: {  	s1 =	rddreg [dreg:$0x14];
	[sflag:s5] =	ssyncadd.s32 $0xFFFFC000  }
0x8d: {  	[tilespmem:s7], [sflag:$0x1] =	stream.linear.gather [hbm4b:s1+s3], $0x80, $0x38;
	[tilespmem:$0x5080] =	vst v63  }
0x8e: {  	_ =	swait.ge [sflag:s5], $0x80  }
0x8f: {  	[sflag:s5] =	ssyncset.done $0x0  }
0x90: {  	[sflag:s5] =	ssyncadd.s32 $0xFFFFFF80  }
0x91: {  	[spmem:s2] =	stream.indirect.scatter.add.f32 [tilespmem:s3], [sflag:$0x1], $0x80, s7, s8, $0xb8;
	[tilespmem:$0x5080] =	vst v63  }
0x92: {  	_ =	swait.ge [sflag:s5], $0x4000  }
0x93: {  	[sflag:s5] =	ssyncset.done $0x0  }
0x94: {  	s11 =	rddreg [dreg:$0x15];
	[sflag:s5] =	ssyncadd.s32 $0xFFFFC000  }
0x95: {  	[tilespmem:s3], [sflag:$0x1] =	stream.linear.gather [hbm4b:s11+s3], $0x4000, $0x38;
	[tilespmem:$0x5080] =	vst v63  }
0x96: {  	_ =	swait.ge [sflag:s5], $0x4000  }
0x97: {  	[sflag:s5] =	ssyncset.done $0x0  }
0x98: {  	s12 =	rddreg [dreg:$0x16];
	[sflag:s5] =	ssyncadd.s32 $0xFFFFC000  }
0x99: {  	[tilespmem:s7], [sflag:$0x1] =	stream.linear.gather [hbm4b:s12+s3], $0x80, $0x38;
	[tilespmem:$0x5080] =	vst v63  }
0x9a: {  	_ =	swait.ge [sflag:s5], $0x80  }
0x9b: {  	[sflag:s5] =	ssyncset.done $0x0  }
0x9c: {  	[sflag:s5] =	ssyncadd.s32 $0xFFFFFF80  }
0x9d: {  	[spmem:s2] =	stream.indirect.scatter.add.f32 [tilespmem:s3], [sflag:$0x1], $0x80, s7, s8, $0xb8;
	[tilespmem:$0x5080] =	vst v63  }
0x9e: {  	_ =	swait.ge [sflag:s5], $0x4000  }
0x9f: {  	[sflag:s5] =	ssyncset.done $0x0  }
0xa0: {  	s13 =	rddreg [dreg:$0x17];
	[sflag:s5] =	ssyncadd.s32 $0xFFFFC000  }
0xa1: {  	[tilespmem:s3], [sflag:$0x1] =	stream.linear.gather [hbm4b:s13+s3], $0x4000, $0x38;
	[tilespmem:$0x5080] =	vst v63  }
0xa2: {  	_ =	swait.ge [sflag:s5], $0x4000  }
0xa3: {  	[sflag:s5] =	ssyncset.done $0x0  }
0xa4: {  	s14 =	rddreg [dreg:$0x18];
	[sflag:s5] =	ssyncadd.s32 $0xFFFFC000  }
0xa5: {  	[tilespmem:s7], [sflag:$0x1] =	stream.linear.gather [hbm4b:s14+s3], $0x80, $0x38;
	[tilespmem:$0x5080] =	vst v63  }
0xa6: {  	_ =	swait.ge [sflag:s5], $0x80  }
0xa7: {  	[sflag:s5] =	ssyncset.done $0x0  }
0xa8: {  	[sflag:s5] =	ssyncadd.s32 $0xFFFFFF80  }
0xa9: {  	[spmem:s2] =	stream.indirect.scatter.add.f32 [tilespmem:s3], [sflag:$0x1], $0x80, s7, s8, $0xb8;
	[tilespmem:$0x5080] =	vst v63  }
0xaa: {  	_ =	swait.ge [sflag:s5], $0x4000  }
0xab: {  	[sflag:s5] =	ssyncset.done $0x0  }
0xac: {  	s15 =	rddreg [dreg:$0x19];
	[sflag:s5] =	ssyncadd.s32 $0xFFFFC000  }
0xad: {  	[tilespmem:s3], [sflag:$0x1] =	stream.linear.gather [hbm4b:s15+s3], $0x4000, $0x38;
	[tilespmem:$0x5080] =	vst v63  }
0xae: {  	_ =	swait.ge [sflag:s5], $0x4000  }
0xaf: {  	[sflag:s5] =	ssyncset.done $0x0  }
0xb0: {  	s16 =	rddreg [dreg:$0x1a];
	[sflag:s5] =	ssyncadd.s32 $0xFFFFC000  }
0xb1: {  	[tilespmem:s7], [sflag:$0x1] =	stream.linear.gather [hbm4b:s16+s3], $0x80, $0x38;
	[tilespmem:$0x5080] =	vst v63  }
0xb2: {  	_ =	swait.ge [sflag:s5], $0x80  }
0xb3: {  	[sflag:s5] =	ssyncset.done $0x0  }
0xb4: {  	[sflag:s5] =	ssyncadd.s32 $0xFFFFFF80  }
0xb5: {  	[spmem:s2] =	stream.indirect.scatter.add.f32 [tilespmem:s3], [sflag:$0x1], $0x80, s7, s8, $0xb8;
	[tilespmem:$0x5080] =	vst v63  }
0xb6: {  	_ =	swait.ge [sflag:s5], $0x4000  }
0xb7: {  	[sflag:s5] =	ssyncset.done $0x0  }
0xb8: {  	s17 =	rddreg [dreg:$0x1b];
	[sflag:s5] =	ssyncadd.s32 $0xFFFFC000  }
0xb9: {  	[tilespmem:s3], [sflag:$0x1] =	stream.linear.gather [hbm4b:s17+s3], $0x4000, $0x38;
	[tilespmem:$0x5080] =	vst v63  }
0xba: {  	_ =	swait.ge [sflag:s5], $0x4000  }
0xbb: {  	[sflag:s5] =	ssyncset.done $0x0  }
0xbc: {  	s18 =	rddreg [dreg:$0x1c];
	[sflag:s5] =	ssyncadd.s32 $0xFFFFC000  }
0xbd: {  	[tilespmem:s7], [sflag:$0x1] =	stream.linear.gather [hbm4b:s18+s3], $0x80, $0x38;
	[tilespmem:$0x5080] =	vst v63  }
0xbe: {  	_ =	swait.ge [sflag:s5], $0x80  }
0xbf: {  	[sflag:s5] =	ssyncset.done $0x0  }
0xc0: {  	[sflag:s5] =	ssyncadd.s32 $0xFFFFFF80  }
0xc1: {  	[spmem:s2] =	stream.indirect.scatter.add.f32 [tilespmem:s3], [sflag:$0x1], $0x80, s7, s8, $0xb8;
	[tilespmem:$0x5080] =	vst v63  }
0xc2: {  	_ =	swait.ge [sflag:s5], $0x4000  }
0xc3: {  	[sflag:s5] =	ssyncset.done $0x0  }
0xc4: {  	s19 =	rddreg [dreg:$0x1d];
	[sflag:s5] =	ssyncadd.s32 $0xFFFFC000  }
0xc5: {  	[tilespmem:s3], [sflag:$0x1] =	stream.linear.gather [hbm4b:s19+s3], $0x4000, $0x38;
	[tilespmem:$0x5080] =	vst v63  }
0xc6: {  	_ =	swait.ge [sflag:s5], $0x4000  }
0xc7: {  	[sflag:s5] =	ssyncset.done $0x0  }
0xc8: {  	s20 =	rddreg [dreg:$0x1e];
	[sflag:s5] =	ssyncadd.s32 $0xFFFFC000  }
0xc9: {  	[tilespmem:s7], [sflag:$0x1] =	stream.linear.gather [hbm4b:s20+s3], $0x80, $0x38;
	[tilespmem:$0x5080] =	vst v63  }
0xca: {  	_ =	swait.ge [sflag:s5], $0x80  }
0xcb: {  	[sflag:s5] =	ssyncset.done $0x0  }
0xcc: {  	[sflag:s5] =	ssyncadd.s32 $0xFFFFFF80  }
0xcd: {  	[spmem:s2] =	stream.indirect.scatter.add.f32 [tilespmem:s3], [sflag:$0x1], $0x80, s7, s8, $0xb8;
	[tilespmem:$0x5080] =	vst v63  }
0xce: {  	_ =	swait.ge [sflag:s5], $0x4000  }
0xcf: {  	[sflag:s5] =	ssyncset.done $0x0  }
0xd0: {  	s21 =	rddreg [dreg:$0x1f];
	[sflag:s5] =	ssyncadd.s32 $0xFFFFC000  }
0xd1: {  	[tilespmem:s3], [sflag:$0x1] =	stream.linear.gather [hbm4b:s21+s3], $0x4000, $0x38;
	[tilespmem:$0x5080] =	vst v63  }
0xd2: {  	_ =	swait.ge [sflag:s5], $0x4000  }
0xd3: {  	s22 =	sld [smem:$0x7F9]  }
0xd4: {  	[sflag:s5] =	ssyncset.done $0x0  }
0xd5: {  	[sflag:s5] =	ssyncadd.s32 $0xFFFFC000  }
0xd6: {  	[tilespmem:s7], [sflag:$0x1] =	stream.linear.gather [hbm4b:s22+s3], $0x80, $0x38;
	[tilespmem:$0x5080] =	vst v63  }
0xd7: {  	_ =	swait.ge [sflag:s5], $0x80  }
0xd8: {  	[sflag:s5] =	ssyncset.done $0x0  }
0xd9: {  	[sflag:s5] =	ssyncadd.s32 $0xFFFFFF80  }
0xda: {  	[spmem:s2] =	stream.indirect.scatter.add.f32 [tilespmem:s3], [sflag:$0x1], $0x80, s7, s8, $0xb8;
	[tilespmem:$0x5080] =	vst v63  }
0xdb: {  	_ =	swait.ge [sflag:s5], $0x4000  }
0xdc: {  	s23 =	sld [smem:$0x7FA]  }
0xdd: {  	[sflag:s5] =	ssyncset.done $0x0  }
0xde: {  	[sflag:s5] =	ssyncadd.s32 $0xFFFFC000  }
0xdf: {  	[tilespmem:s3], [sflag:$0x1] =	stream.linear.gather [hbm4b:s23+s3], $0x4000, $0x38;
	[tilespmem:$0x5080] =	vst v63  }
0xe0: {  	_ =	swait.ge [sflag:s5], $0x4000  }
0xe1: {  	s9 =	sshll.u32 s9, $0x4;
	[sflag:s5] =	ssyncset.done $0x0  }
0xe2: {  	s9 =	sadd.s32 s30, s9;
	[sflag:s5] =	ssyncadd.s32 $0xFFFFC000  }
0xe3: {  	[tilespmem:s7], [sflag:$0x1] =	stream.linear.gather [hbm4b:s9+s3], $0x80, $0x38;
	[tilespmem:$0x5080] =	vst v63  }
0xe4: {  	_ =	swait.ge [sflag:s5], $0x80  }
0xe5: {  	[sflag:s5] =	ssyncset.done $0x0  }
0xe6: {  	[sflag:s5] =	ssyncadd.s32 $0xFFFFFF80  }
0xe7: {  	[spmem:s2] =	stream.indirect.scatter.add.f32 [tilespmem:s3], [sflag:$0x1], $0x80, s7, s8, $0xb8;
	[tilespmem:$0x5080] =	vst v63  }
0xe8: {  	s11 =	sadd.s32 $0xF, s0;
	_ =	swait.ge [sflag:s5], $0x4000  }
0xe9: {  	s24 =	sshll.u32 s11, $0xB;
	[sflag:s5] =	ssyncset.done $0x0  }
0xea: {  	s10 =	sadd.s32 s29, s24;
	[sflag:s5] =	ssyncadd.s32 $0xFFFFC000  }
0xeb: {  	[tilespmem:s3], [sflag:$0x1] =	stream.linear.gather [hbm4b:s10+s3], $0x4000, $0x38;
	[tilespmem:$0x5080] =	vst v63  }
0xec: {  	_ =	swait.ge [sflag:s5], $0x4000  }
0xed: {  	s11 =	sshll.u32 s11, $0x4;
	[sflag:s5] =	ssyncset.done $0x0  }
0xee: {  	s11 =	sadd.s32 s30, s11;
	[sflag:s5] =	ssyncadd.s32 $0xFFFFC000  }
0xef: {  	[tilespmem:s7], [sflag:$0x1] =	stream.linear.gather [hbm4b:s11+s3], $0x80, $0x38;
	[tilespmem:$0x5080] =	vst v63  }
0xf0: {  	_ =	swait.ge [sflag:s5], $0x80  }
0xf1: {  	[sflag:s5] =	ssyncset.done $0x0  }
0xf2: {  	[sflag:s5] =	ssyncadd.s32 $0xFFFFFF80  }
0xf3: {  	[spmem:s2] =	stream.indirect.scatter.add.f32 [tilespmem:s3], [sflag:$0x1], $0x80, s7, s8, $0xb8;
	[tilespmem:$0x5080] =	vst v63  }
0xf4: {  	s12 =	sadd.s32 $0x10, s0;
	_ =	swait.ge [sflag:s5], $0x4000  }
0xf5: {  	s13 =	sshll.u32 s12, $0xB;
	s14 =	sshll.u32 s12, $0x7;
	[sflag:s5] =	ssyncset.done $0x0  }
0xf6: {  	s12 =	sadd.s32 s29, s13;
	s25 =	sand.u32 $0x3FC00, s14;
	[sflag:s5] =	ssyncadd.s32 $0xFFFFC000  }
0xf7: {  	[tilespmem:s3], [sflag:$0x1] =	stream.linear.gather [hbm4b:s12+s3], $0x4000, $0x38;
	[tilespmem:$0x5080] =	vst v63  }
0xf8: {  	s13 =	sor.u32 s31, s25;
	_ =	swait.ge [sflag:s5], $0x4000  }
0xf9: {  	s13 =	sshrl.u32 s13, $0x3;
	[sflag:s5] =	ssyncset.done $0x0  }
0xfa: {  	s13 =	sadd.s32 s30, s13;
	[sflag:s5] =	ssyncadd.s32 $0xFFFFC000  }
0xfb: {  	[tilespmem:s7], [sflag:$0x1] =	stream.linear.gather [hbm4b:s13+s3], $0x80, $0x38;
	[tilespmem:$0x5080] =	vst v63  }
0xfc: {  	_ =	swait.ge [sflag:s5], $0x80  }
0xfd: {  	[sflag:s5] =	ssyncset.done $0x0  }
0xfe: {  	[sflag:s5] =	ssyncadd.s32 $0xFFFFFF80  }
0xff: {  	[spmem:s2] =	stream.indirect.scatter.add.f32 [tilespmem:s3], [sflag:$0x1], $0x80, s7, s8, $0xb8;
	[tilespmem:$0x5080] =	vst v63  }
0x100: {  	s15 =	sadd.s32 $0x11, s0;
	_ =	swait.ge [sflag:s5], $0x4000  }
0x101: {  	s26 =	sshll.u32 s15, $0xB;
	[sflag:s5] =	ssyncset.done $0x0  }
0x102: {  	s14 =	sadd.s32 s29, s26;
	[sflag:s5] =	ssyncadd.s32 $0xFFFFC000  }
0x103: {  	[tilespmem:s3], [sflag:$0x1] =	stream.linear.gather [hbm4b:s14+s3], $0x4000, $0x38;
	[tilespmem:$0x5080] =	vst v63  }
0x104: {  	_ =	swait.ge [sflag:s5], $0x4000  }
0x105: {  	s15 =	sshll.u32 s15, $0x4;
	[sflag:s5] =	ssyncset.done $0x0  }
0x106: {  	s15 =	sadd.s32 s30, s15;
	[sflag:s5] =	ssyncadd.s32 $0xFFFFC000  }
0x107: {  	[tilespmem:s7], [sflag:$0x1] =	stream.linear.gather [hbm4b:s15+s3], $0x80, $0x38;
	[tilespmem:$0x5080] =	vst v63  }
0x108: {  	_ =	swait.ge [sflag:s5], $0x80  }
0x109: {  	[sflag:s5] =	ssyncset.done $0x0  }
0x10a: {  	[sflag:s5] =	ssyncadd.s32 $0xFFFFFF80  }
0x10b: {  	[spmem:s2] =	stream.indirect.scatter.add.f32 [tilespmem:s3], [sflag:$0x1], $0x80, s7, s8, $0xb8;
	[tilespmem:$0x5080] =	vst v63  }
0x10c: {  	s17 =	sadd.s32 $0x12, s0;
	_ =	swait.ge [sflag:s5], $0x4000  }
0x10d: {  	s16 =	sshll.u32 s17, $0xB;
	[sflag:s5] =	ssyncset.done $0x0  }
0x10e: {  	s16 =	sadd.s32 s29, s16;
	[sflag:s5] =	ssyncadd.s32 $0xFFFFC000  }
0x10f: {  	[tilespmem:s3], [sflag:$0x1] =	stream.linear.gather [hbm4b:s16+s3], $0x4000, $0x38;
	[tilespmem:$0x5080] =	vst v63  }
0x110: {  	_ =	swait.ge [sflag:s5], $0x4000  }
0x111: {  	s17 =	sshll.u32 s17, $0x4;
	[sflag:s5] =	ssyncset.done $0x0  }
0x112: {  	s17 =	sadd.s32 s30, s17;
	[sflag:s5] =	ssyncadd.s32 $0xFFFFC000  }
0x113: {  	[tilespmem:s7], [sflag:$0x1] =	stream.linear.gather [hbm4b:s17+s3], $0x80, $0x38;
	[tilespmem:$0x5080] =	vst v63  }
0x114: {  	_ =	swait.ge [sflag:s5], $0x80  }
0x115: {  	[sflag:s5] =	ssyncset.done $0x0  }
0x116: {  	[sflag:s5] =	ssyncadd.s32 $0xFFFFFF80  }
0x117: {  	[spmem:s2] =	stream.indirect.scatter.add.f32 [tilespmem:s3], [sflag:$0x1], $0x80, s7, s8, $0xb8;
	[tilespmem:$0x5080] =	vst v63  }
0x118: {  	s19 =	sadd.s32 $0x13, s0;
	_ =	swait.ge [sflag:s5], $0x4000  }
0x119: {  	s18 =	sshll.u32 s19, $0xB;
	[sflag:s5] =	ssyncset.done $0x0  }
0x11a: {  	s18 =	sadd.s32 s29, s18;
	[sflag:s5] =	ssyncadd.s32 $0xFFFFC000  }
0x11b: {  	[tilespmem:s3], [sflag:$0x1] =	stream.linear.gather [hbm4b:s18+s3], $0x4000, $0x38;
	[tilespmem:$0x5080] =	vst v63  }
0x11c: {  	_ =	swait.ge [sflag:s5], $0x4000  }
0x11d: {  	s19 =	sshll.u32 s19, $0x4;
	[sflag:s5] =	ssyncset.done $0x0  }
0x11e: {  	s19 =	sadd.s32 s30, s19;
	[sflag:s5] =	ssyncadd.s32 $0xFFFFC000  }
0x11f: {  	[tilespmem:s7], [sflag:$0x1] =	stream.linear.gather [hbm4b:s19+s3], $0x80, $0x38;
	[tilespmem:$0x5080] =	vst v63  }
0x120: {  	_ =	swait.ge [sflag:s5], $0x80  }
0x121: {  	[sflag:s5] =	ssyncset.done $0x0  }
0x122: {  	[sflag:s5] =	ssyncadd.s32 $0xFFFFFF80  }
0x123: {  	[spmem:s2] =	stream.indirect.scatter.add.f32 [tilespmem:s3], [sflag:$0x1], $0x80, s7, s8, $0xb8;
	[tilespmem:$0x5080] =	vst v63  }
0x124: {  	s21 =	sadd.s32 $0x14, s0;
	_ =	swait.ge [sflag:s5], $0x4000  }
0x125: {  	s20 =	sshll.u32 s21, $0xB;
	[sflag:s5] =	ssyncset.done $0x0  }
0x126: {  	s20 =	sadd.s32 s29, s20;
	[sflag:s5] =	ssyncadd.s32 $0xFFFFC000  }
0x127: {  	[tilespmem:s3], [sflag:$0x1] =	stream.linear.gather [hbm4b:s20+s3], $0x4000, $0x38;
	[tilespmem:$0x5080] =	vst v63  }
0x128: {  	_ =	swait.ge [sflag:s5], $0x4000  }
0x129: {  	s21 =	sshll.u32 s21, $0x4;
	[sflag:s5] =	ssyncset.done $0x0  }
0x12a: {  	s21 =	sadd.s32 s30, s21;
	[sflag:s5] =	ssyncadd.s32 $0xFFFFC000  }
0x12b: {  	[tilespmem:s7], [sflag:$0x1] =	stream.linear.gather [hbm4b:s21+s3], $0x80, $0x38;
	[tilespmem:$0x5080] =	vst v63  }
0x12c: {  	_ =	swait.ge [sflag:s5], $0x80  }
0x12d: {  	[sflag:s5] =	ssyncset.done $0x0  }
0x12e: {  	[sflag:s5] =	ssyncadd.s32 $0xFFFFFF80  }
0x12f: {  	[spmem:s2] =	stream.indirect.scatter.add.f32 [tilespmem:s3], [sflag:$0x1], $0x80, s7, s8, $0xb8;
	[tilespmem:$0x5080] =	vst v63  }
0x130: {  	s23 =	sadd.s32 $0x15, s0;
	_ =	swait.ge [sflag:s5], $0x4000  }
0x131: {  	s22 =	sshll.u32 s23, $0xB;
	[sflag:s5] =	ssyncset.done $0x0  }
0x132: {  	s22 =	sadd.s32 s29, s22;
	[sflag:s5] =	ssyncadd.s32 $0xFFFFC000  }
0x133: {  	[tilespmem:s3], [sflag:$0x1] =	stream.linear.gather [hbm4b:s22+s3], $0x4000, $0x38;
	[tilespmem:$0x5080] =	vst v63  }
0x134: {  	_ =	swait.ge [sflag:s5], $0x4000  }
0x135: {  	s23 =	sshll.u32 s23, $0x4;
	[sflag:s5] =	ssyncset.done $0x0  }
0x136: {  	s23 =	sadd.s32 s30, s23;
	[sflag:s5] =	ssyncadd.s32 $0xFFFFC000  }
0x137: {  	[tilespmem:s7], [sflag:$0x1] =	stream.linear.gather [hbm4b:s23+s3], $0x80, $0x38;
	[tilespmem:$0x5080] =	vst v63  }
0x138: {  	_ =	swait.ge [sflag:s5], $0x80  }
0x139: {  	[sflag:s5] =	ssyncset.done $0x0  }
0x13a: {  	[sflag:s5] =	ssyncadd.s32 $0xFFFFFF80  }
0x13b: {  	[spmem:s2] =	stream.indirect.scatter.add.f32 [tilespmem:s3], [sflag:$0x1], $0x80, s7, s8, $0xb8;
	[tilespmem:$0x5080] =	vst v63  }
0x13c: {  	s25 =	sadd.s32 $0x16, s0;
	_ =	swait.ge [sflag:s5], $0x4000  }
0x13d: {  	s24 =	sshll.u32 s25, $0xB;
	[sflag:s5] =	ssyncset.done $0x0  }
0x13e: {  	s24 =	sadd.s32 s29, s24;
	[sflag:s5] =	ssyncadd.s32 $0xFFFFC000  }
0x13f: {  	[tilespmem:s3], [sflag:$0x1] =	stream.linear.gather [hbm4b:s24+s3], $0x4000, $0x38;
	[tilespmem:$0x5080] =	vst v63  }
0x140: {  	_ =	swait.ge [sflag:s5], $0x4000  }
0x141: {  	s25 =	sshll.u32 s25, $0x4;
	[sflag:s5] =	ssyncset.done $0x0  }
0x142: {  	s25 =	sadd.s32 s30, s25;
	[sflag:s5] =	ssyncadd.s32 $0xFFFFC000  }
0x143: {  	[tilespmem:s7], [sflag:$0x1] =	stream.linear.gather [hbm4b:s25+s3], $0x80, $0x38;
	[tilespmem:$0x5080] =	vst v63  }
0x144: {  	_ =	swait.ge [sflag:s5], $0x80  }
0x145: {  	[sflag:s5] =	ssyncset.done $0x0  }
0x146: {  	[sflag:s5] =	ssyncadd.s32 $0xFFFFFF80  }
0x147: {  	[spmem:s2] =	stream.indirect.scatter.add.f32 [tilespmem:s3], [sflag:$0x1], $0x80, s7, s8, $0xb8;
	[tilespmem:$0x5080] =	vst v63  }
0x148: {  	s28 =	sadd.s32 $0x17, s0;
	_ =	swait.ge [sflag:s5], $0x4000  }
0x149: {  	s26 =	sshll.u32 s28, $0xB;
	[sflag:s5] =	ssyncset.done $0x0  }
0x14a: {  	s26 =	sadd.s32 s29, s26;
	[sflag:s5] =	ssyncadd.s32 $0xFFFFC000  }
0x14b: {  	[tilespmem:s3], [sflag:$0x1] =	stream.linear.gather [hbm4b:s26+s3], $0x4000, $0x38;
	[tilespmem:$0x5080] =	vst v63  }
0x14c: {  	_ =	swait.ge [sflag:s5], $0x4000  }
0x14d: {  	s28 =	sshll.u32 s28, $0x4;
	[sflag:s5] =	ssyncset.done $0x0  }
0x14e: {  	s28 =	sadd.s32 s30, s28;
	[sflag:s5] =	ssyncadd.s32 $0xFFFFC000  }
0x14f: {  	[tilespmem:s7], [sflag:$0x1] =	stream.linear.gather [hbm4b:s28+s3], $0x80, $0x38;
	[tilespmem:$0x5080] =	vst v63  }
0x150: {  	_ =	swait.ge [sflag:s5], $0x80  }
0x151: {  	[sflag:s5] =	ssyncset.done $0x0  }
0x152: {  	[sflag:s5] =	ssyncadd.s32 $0xFFFFFF80  }
0x153: {  	[spmem:s2] =	stream.indirect.scatter.add.f32 [tilespmem:s3], [sflag:$0x1], $0x80, s7, s8, $0xb8;
	[tilespmem:$0x5080] =	vst v63  }
0x154: {  	s0 =	sadd.s32 $0x18, s0;
	_ =	swait.ge [sflag:s5], $0x4000  }
0x155: {  	s1 =	sshll.u32 s0, $0xB;
	s0 =	sshll.u32 s0, $0x7;
	[sflag:s5] =	ssyncset.done $0x0  }
0x156: {  	s29 =	sadd.s32 s29, s1;
	s0 =	sand.u32 $0x3FC00, s0;
	[sflag:s5] =	ssyncadd.s32 $0xFFFFC000  }
0x157: {  	[tilespmem:s3], [sflag:$0x1] =	stream.linear.gather [hbm4b:s29+s3], $0x4000, $0x38;
	[tilespmem:$0x5080] =	vst v63  }
0x158: {  	s0 =	sor.u32 s31, s0;
	_ =	swait.ge [sflag:s5], $0x4000  }
0x159: {  	s0 =	sshrl.u32 s0, $0x3;
	[sflag:s5] =	ssyncset.done $0x0  }
0x15a: {  	s30 =	sadd.s32 s30, s0;
	[sflag:s5] =	ssyncadd.s32 $0xFFFFC000  }
0x15b: {  	[tilespmem:s7], [sflag:$0x1] =	stream.linear.gather [hbm4b:s30+s3], $0x80, $0x38;
	[tilespmem:$0x5080] =	vst v63  }
0x15c: {  	_ =	swait.ge [sflag:s5], $0x80  }
0x15d: {  	[sflag:s5] =	ssyncset.done $0x0  }
0x15e: {  	s1 =	sld [smem:$0x7FB];
	[sflag:s5] =	ssyncadd.s32 $0xFFFFFF80  }
0x15f: {  	[spmem:s2] =	stream.indirect.scatter.add.f32 [tilespmem:s3], [sflag:$0x1], $0x80, s7, s8, $0xb8;
	[tilespmem:$0x5080] =	vst v63  }
0x160: {  	s0 =	rddreg [dreg:$0x0]  }
0x161: {  	s0 =	sadd.s32 s1, s0  }
0x162: {  	[smem:$0x7FD] =	sst s0  }
0x163: {  	_ =	swait.ge [sflag:s5], $0x4000  }
0x164: {  	s0 =	sld [smem:$0x7FC];
	_ =	sdelay $0x2  }
0x165: {  	s1 =	ssub.s32 $0x2, s0  }
0x166: {  	s31 =	sshll.u32 s0, $0xD;
	s0 =	sshrl.u32 s1, $0x1  }
0x167: {  	s0 =	ssub.s32 s1, s0  }
0x168: {  	s1 =	sld [smem:$0x7FD];
	s0 =	smax.u32 s0, $0x1  }
0x169: {  	p0 =	sne.s32 s0, $0x1  }
.Ltmp0:
0x16a: {  	[sflag:s5] =	ssyncset.done $0x0;
	(pc) =	sbr.rel @!p0 .LBB2_2-.Ltmp0, $4  }
0x16b: {  	[sflag:s5] =	ssyncadd.s32 $0xFFFFC000;
	s1 =	sadd.s32 s31, s1  }
0x16c: {  	[bflag:$0x0] =	sbarrier.arrive $0xFFFF;
	s31 =	sadd.s32 $0x5000, s1  }
0x16d: {  	[hbm:s31], [sflag:s4] =	dma.local [spmem:s6], $0x200  }
0x16e: {  	s0 =	sadd.s32 $0xFFFFFFFF, s0;
	_ =	swait.ge [sflag:s5], $0x200  }
.LBB2_1:
0x16f: {  	[sflag:s5] =	ssyncset.done $0x0  }
0x170: {  	s1 =	rddreg [dreg:$0x4];
	[sflag:s5] =	ssyncadd.s32 $0xFFFFFE00  }
0x171: {  	[spmem:s6], [sflag:s4] =	dma.local [hbm:s1], $0x200  }
0x172: {  	_ =	swait.ge [sflag:s5], $0x200  }
0x173: {  	[sflag:s5] =	ssyncset.done $0x0  }
0x174: {  	[sflag:s5] =	ssyncadd.s32 $0xFFFFFE00  }
0x175: {  	[bflag:$0x0] =	sbarrier.arrive $0xFFFF  }
0x176: {  	s1 =	rddreg [dreg:$0x5]  }
0x177: {  	[tilespmem:s3], [sflag:$0x1] =	stream.linear.gather [hbm4b:s1+s3], $0x4000, $0x38;
	[tilespmem:$0x5080] =	vst v63  }
0x178: {  	_ =	swait.ge [sflag:s5], $0x4000  }
0x179: {  	[sflag:s5] =	ssyncset.done $0x0  }
0x17a: {  	s1 =	rddreg [dreg:$0x6];
	[sflag:s5] =	ssyncadd.s32 $0xFFFFC000  }
0x17b: {  	[tilespmem:s7], [sflag:$0x1] =	stream.linear.gather [hbm4b:s1+s3], $0x80, $0x38;
	[tilespmem:$0x5080] =	vst v63  }
0x17c: {  	_ =	swait.ge [sflag:s5], $0x80  }
0x17d: {  	[sflag:s5] =	ssyncset.done $0x0  }
0x17e: {  	[sflag:s5] =	ssyncadd.s32 $0xFFFFFF80  }
0x17f: {  	[spmem:s2] =	stream.indirect.scatter.add.f32 [tilespmem:s3], [sflag:$0x1], $0x80, s7, s8, $0xb8;
	[tilespmem:$0x5080] =	vst v63  }
0x180: {  	_ =	swait.ge [sflag:s5], $0x4000  }
0x181: {  	[sflag:s5] =	ssyncset.done $0x0  }
0x182: {  	s1 =	rddreg [dreg:$0x7];
	[sflag:s5] =	ssyncadd.s32 $0xFFFFC000  }
0x183: {  	[tilespmem:s3], [sflag:$0x1] =	stream.linear.gather [hbm4b:s1+s3], $0x4000, $0x38;
	[tilespmem:$0x5080] =	vst v63  }
0x184: {  	_ =	swait.ge [sflag:s5], $0x4000  }
0x185: {  	[sflag:s5] =	ssyncset.done $0x0  }
0x186: {  	s1 =	rddreg [dreg:$0x8];
	[sflag:s5] =	ssyncadd.s32 $0xFFFFC000  }
0x187: {  	[tilespmem:s7], [sflag:$0x1] =	stream.linear.gather [hbm4b:s1+s3], $0x80, $0x38;
	[tilespmem:$0x5080] =	vst v63  }
0x188: {  	_ =	swait.ge [sflag:s5], $0x80  }
0x189: {  	[sflag:s5] =	ssyncset.done $0x0  }
0x18a: {  	[sflag:s5] =	ssyncadd.s32 $0xFFFFFF80  }
0x18b: {  	[spmem:s2] =	stream.indirect.scatter.add.f32 [tilespmem:s3], [sflag:$0x1], $0x80, s7, s8, $0xb8;
	[tilespmem:$0x5080] =	vst v63  }
0x18c: {  	_ =	swait.ge [sflag:s5], $0x4000  }
0x18d: {  	[sflag:s5] =	ssyncset.done $0x0  }
0x18e: {  	s1 =	rddreg [dreg:$0x9];
	[sflag:s5] =	ssyncadd.s32 $0xFFFFC000  }
0x18f: {  	[tilespmem:s3], [sflag:$0x1] =	stream.linear.gather [hbm4b:s1+s3], $0x4000, $0x38;
	[tilespmem:$0x5080] =	vst v63  }
0x190: {  	_ =	swait.ge [sflag:s5], $0x4000  }
0x191: {  	[sflag:s5] =	ssyncset.done $0x0  }
0x192: {  	s1 =	rddreg [dreg:$0xa];
	[sflag:s5] =	ssyncadd.s32 $0xFFFFC000  }
0x193: {  	[tilespmem:s7], [sflag:$0x1] =	stream.linear.gather [hbm4b:s1+s3], $0x80, $0x38;
	[tilespmem:$0x5080] =	vst v63  }
0x194: {  	_ =	swait.ge [sflag:s5], $0x80  }
0x195: {  	[sflag:s5] =	ssyncset.done $0x0  }
0x196: {  	[sflag:s5] =	ssyncadd.s32 $0xFFFFFF80  }
0x197: {  	[spmem:s2] =	stream.indirect.scatter.add.f32 [tilespmem:s3], [sflag:$0x1], $0x80, s7, s8, $0xb8;
	[tilespmem:$0x5080] =	vst v63  }
0x198: {  	_ =	swait.ge [sflag:s5], $0x4000  }
0x199: {  	[sflag:s5] =	ssyncset.done $0x0  }
0x19a: {  	s1 =	rddreg [dreg:$0xb];
	[sflag:s5] =	ssyncadd.s32 $0xFFFFC000  }
0x19b: {  	[tilespmem:s3], [sflag:$0x1] =	stream.linear.gather [hbm4b:s1+s3], $0x4000, $0x38;
	[tilespmem:$0x5080] =	vst v63  }
0x19c: {  	_ =	swait.ge [sflag:s5], $0x4000  }
0x19d: {  	[sflag:s5] =	ssyncset.done $0x0  }
0x19e: {  	s1 =	rddreg [dreg:$0xc];
	[sflag:s5] =	ssyncadd.s32 $0xFFFFC000  }
0x19f: {  	[tilespmem:s7], [sflag:$0x1] =	stream.linear.gather [hbm4b:s1+s3], $0x80, $0x38;
	[tilespmem:$0x5080] =	vst v63  }
0x1a0: {  	_ =	swait.ge [sflag:s5], $0x80  }
0x1a1: {  	[sflag:s5] =	ssyncset.done $0x0  }
0x1a2: {  	[sflag:s5] =	ssyncadd.s32 $0xFFFFFF80  }
0x1a3: {  	[spmem:s2] =	stream.indirect.scatter.add.f32 [tilespmem:s3], [sflag:$0x1], $0x80, s7, s8, $0xb8;
	[tilespmem:$0x5080] =	vst v63  }
0x1a4: {  	_ =	swait.ge [sflag:s5], $0x4000  }
0x1a5: {  	[sflag:s5] =	ssyncset.done $0x0  }
0x1a6: {  	s1 =	rddreg [dreg:$0xd];
	[sflag:s5] =	ssyncadd.s32 $0xFFFFC000  }
0x1a7: {  	[tilespmem:s3], [sflag:$0x1] =	stream.linear.gather [hbm4b:s1+s3], $0x4000, $0x38;
	[tilespmem:$0x5080] =	vst v63  }
0x1a8: {  	_ =	swait.ge [sflag:s5], $0x4000  }
0x1a9: {  	[sflag:s5] =	ssyncset.done $0x0  }
0x1aa: {  	s1 =	rddreg [dreg:$0xe];
	[sflag:s5] =	ssyncadd.s32 $0xFFFFC000  }
0x1ab: {  	[tilespmem:s7], [sflag:$0x1] =	stream.linear.gather [hbm4b:s1+s3], $0x80, $0x38;
	[tilespmem:$0x5080] =	vst v63  }
0x1ac: {  	_ =	swait.ge [sflag:s5], $0x80  }
0x1ad: {  	[sflag:s5] =	ssyncset.done $0x0  }
0x1ae: {  	[sflag:s5] =	ssyncadd.s32 $0xFFFFFF80  }
0x1af: {  	[spmem:s2] =	stream.indirect.scatter.add.f32 [tilespmem:s3], [sflag:$0x1], $0x80, s7, s8, $0xb8;
	[tilespmem:$0x5080] =	vst v63  }
0x1b0: {  	_ =	swait.ge [sflag:s5], $0x4000  }
0x1b1: {  	[sflag:s5] =	ssyncset.done $0x0  }
0x1b2: {  	s1 =	rddreg [dreg:$0xf];
	[sflag:s5] =	ssyncadd.s32 $0xFFFFC000  }
0x1b3: {  	[tilespmem:s3], [sflag:$0x1] =	stream.linear.gather [hbm4b:s1+s3], $0x4000, $0x38;
	[tilespmem:$0x5080] =	vst v63  }
0x1b4: {  	_ =	swait.ge [sflag:s5], $0x4000  }
0x1b5: {  	[sflag:s5] =	ssyncset.done $0x0  }
0x1b6: {  	s1 =	rddreg [dreg:$0x10];
	[sflag:s5] =	ssyncadd.s32 $0xFFFFC000  }
0x1b7: {  	[tilespmem:s7], [sflag:$0x1] =	stream.linear.gather [hbm4b:s1+s3], $0x80, $0x38;
	[tilespmem:$0x5080] =	vst v63  }
0x1b8: {  	_ =	swait.ge [sflag:s5], $0x80  }
0x1b9: {  	[sflag:s5] =	ssyncset.done $0x0  }
0x1ba: {  	[sflag:s5] =	ssyncadd.s32 $0xFFFFFF80  }
0x1bb: {  	[spmem:s2] =	stream.indirect.scatter.add.f32 [tilespmem:s3], [sflag:$0x1], $0x80, s7, s8, $0xb8;
	[tilespmem:$0x5080] =	vst v63  }
0x1bc: {  	_ =	swait.ge [sflag:s5], $0x4000  }
0x1bd: {  	[sflag:s5] =	ssyncset.done $0x0  }
0x1be: {  	s1 =	rddreg [dreg:$0x11];
	[sflag:s5] =	ssyncadd.s32 $0xFFFFC000  }
0x1bf: {  	[tilespmem:s3], [sflag:$0x1] =	stream.linear.gather [hbm4b:s1+s3], $0x4000, $0x38;
	[tilespmem:$0x5080] =	vst v63  }
0x1c0: {  	_ =	swait.ge [sflag:s5], $0x4000  }
0x1c1: {  	[sflag:s5] =	ssyncset.done $0x0  }
0x1c2: {  	s1 =	rddreg [dreg:$0x12];
	[sflag:s5] =	ssyncadd.s32 $0xFFFFC000  }
0x1c3: {  	[tilespmem:s7], [sflag:$0x1] =	stream.linear.gather [hbm4b:s1+s3], $0x80, $0x38;
	[tilespmem:$0x5080] =	vst v63  }
0x1c4: {  	_ =	swait.ge [sflag:s5], $0x80  }
0x1c5: {  	[sflag:s5] =	ssyncset.done $0x0  }
0x1c6: {  	[sflag:s5] =	ssyncadd.s32 $0xFFFFFF80  }
0x1c7: {  	[spmem:s2] =	stream.indirect.scatter.add.f32 [tilespmem:s3], [sflag:$0x1], $0x80, s7, s8, $0xb8;
	[tilespmem:$0x5080] =	vst v63  }
0x1c8: {  	_ =	swait.ge [sflag:s5], $0x4000  }
0x1c9: {  	[sflag:s5] =	ssyncset.done $0x0  }
0x1ca: {  	s1 =	rddreg [dreg:$0x13];
	[sflag:s5] =	ssyncadd.s32 $0xFFFFC000  }
0x1cb: {  	[tilespmem:s3], [sflag:$0x1] =	stream.linear.gather [hbm4b:s1+s3], $0x4000, $0x38;
	[tilespmem:$0x5080] =	vst v63  }
0x1cc: {  	_ =	swait.ge [sflag:s5], $0x4000  }
0x1cd: {  	[sflag:s5] =	ssyncset.done $0x0  }
0x1ce: {  	s1 =	rddreg [dreg:$0x14];
	[sflag:s5] =	ssyncadd.s32 $0xFFFFC000  }
0x1cf: {  	[tilespmem:s7], [sflag:$0x1] =	stream.linear.gather [hbm4b:s1+s3], $0x80, $0x38;
	[tilespmem:$0x5080] =	vst v63  }
0x1d0: {  	_ =	swait.ge [sflag:s5], $0x80  }
0x1d1: {  	[sflag:s5] =	ssyncset.done $0x0  }
0x1d2: {  	[sflag:s5] =	ssyncadd.s32 $0xFFFFFF80  }
0x1d3: {  	[spmem:s2] =	stream.indirect.scatter.add.f32 [tilespmem:s3], [sflag:$0x1], $0x80, s7, s8, $0xb8;
	[tilespmem:$0x5080] =	vst v63  }
0x1d4: {  	_ =	swait.ge [sflag:s5], $0x4000  }
0x1d5: {  	[sflag:s5] =	ssyncset.done $0x0  }
0x1d6: {  	s1 =	rddreg [dreg:$0x15];
	[sflag:s5] =	ssyncadd.s32 $0xFFFFC000  }
0x1d7: {  	[tilespmem:s3], [sflag:$0x1] =	stream.linear.gather [hbm4b:s1+s3], $0x4000, $0x38;
	[tilespmem:$0x5080] =	vst v63  }
0x1d8: {  	_ =	swait.ge [sflag:s5], $0x4000  }
0x1d9: {  	[sflag:s5] =	ssyncset.done $0x0  }
0x1da: {  	s1 =	rddreg [dreg:$0x16];
	[sflag:s5] =	ssyncadd.s32 $0xFFFFC000  }
0x1db: {  	[tilespmem:s7], [sflag:$0x1] =	stream.linear.gather [hbm4b:s1+s3], $0x80, $0x38;
	[tilespmem:$0x5080] =	vst v63  }
0x1dc: {  	_ =	swait.ge [sflag:s5], $0x80  }
0x1dd: {  	[sflag:s5] =	ssyncset.done $0x0  }
0x1de: {  	[sflag:s5] =	ssyncadd.s32 $0xFFFFFF80  }
0x1df: {  	[spmem:s2] =	stream.indirect.scatter.add.f32 [tilespmem:s3], [sflag:$0x1], $0x80, s7, s8, $0xb8;
	[tilespmem:$0x5080] =	vst v63  }
0x1e0: {  	_ =	swait.ge [sflag:s5], $0x4000  }
0x1e1: {  	[sflag:s5] =	ssyncset.done $0x0  }
0x1e2: {  	s1 =	rddreg [dreg:$0x17];
	[sflag:s5] =	ssyncadd.s32 $0xFFFFC000  }
0x1e3: {  	[tilespmem:s3], [sflag:$0x1] =	stream.linear.gather [hbm4b:s1+s3], $0x4000, $0x38;
	[tilespmem:$0x5080] =	vst v63  }
0x1e4: {  	_ =	swait.ge [sflag:s5], $0x4000  }
0x1e5: {  	[sflag:s5] =	ssyncset.done $0x0  }
0x1e6: {  	s1 =	rddreg [dreg:$0x18];
	[sflag:s5] =	ssyncadd.s32 $0xFFFFC000  }
0x1e7: {  	[tilespmem:s7], [sflag:$0x1] =	stream.linear.gather [hbm4b:s1+s3], $0x80, $0x38;
	[tilespmem:$0x5080] =	vst v63  }
0x1e8: {  	_ =	swait.ge [sflag:s5], $0x80  }
0x1e9: {  	[sflag:s5] =	ssyncset.done $0x0  }
0x1ea: {  	[sflag:s5] =	ssyncadd.s32 $0xFFFFFF80  }
0x1eb: {  	[spmem:s2] =	stream.indirect.scatter.add.f32 [tilespmem:s3], [sflag:$0x1], $0x80, s7, s8, $0xb8;
	[tilespmem:$0x5080] =	vst v63  }
0x1ec: {  	_ =	swait.ge [sflag:s5], $0x4000  }
0x1ed: {  	[sflag:s5] =	ssyncset.done $0x0  }
0x1ee: {  	s1 =	rddreg [dreg:$0x19];
	[sflag:s5] =	ssyncadd.s32 $0xFFFFC000  }
0x1ef: {  	[tilespmem:s3], [sflag:$0x1] =	stream.linear.gather [hbm4b:s1+s3], $0x4000, $0x38;
	[tilespmem:$0x5080] =	vst v63  }
0x1f0: {  	_ =	swait.ge [sflag:s5], $0x4000  }
0x1f1: {  	[sflag:s5] =	ssyncset.done $0x0  }
0x1f2: {  	s1 =	rddreg [dreg:$0x1a];
	[sflag:s5] =	ssyncadd.s32 $0xFFFFC000  }
0x1f3: {  	[tilespmem:s7], [sflag:$0x1] =	stream.linear.gather [hbm4b:s1+s3], $0x80, $0x38;
	[tilespmem:$0x5080] =	vst v63  }
0x1f4: {  	_ =	swait.ge [sflag:s5], $0x80  }
0x1f5: {  	[sflag:s5] =	ssyncset.done $0x0  }
0x1f6: {  	[sflag:s5] =	ssyncadd.s32 $0xFFFFFF80  }
0x1f7: {  	[spmem:s2] =	stream.indirect.scatter.add.f32 [tilespmem:s3], [sflag:$0x1], $0x80, s7, s8, $0xb8;
	[tilespmem:$0x5080] =	vst v63  }
0x1f8: {  	_ =	swait.ge [sflag:s5], $0x4000  }
0x1f9: {  	[sflag:s5] =	ssyncset.done $0x0  }
0x1fa: {  	s1 =	rddreg [dreg:$0x1b];
	[sflag:s5] =	ssyncadd.s32 $0xFFFFC000  }
0x1fb: {  	[tilespmem:s3], [sflag:$0x1] =	stream.linear.gather [hbm4b:s1+s3], $0x4000, $0x38;
	[tilespmem:$0x5080] =	vst v63  }
0x1fc: {  	_ =	swait.ge [sflag:s5], $0x4000  }
0x1fd: {  	[sflag:s5] =	ssyncset.done $0x0  }
0x1fe: {  	s1 =	rddreg [dreg:$0x1c];
	[sflag:s5] =	ssyncadd.s32 $0xFFFFC000  }
0x1ff: {  	[tilespmem:s7], [sflag:$0x1] =	stream.linear.gather [hbm4b:s1+s3], $0x80, $0x38;
	[tilespmem:$0x5080] =	vst v63  }
0x200: {  	_ =	swait.ge [sflag:s5], $0x80  }
0x201: {  	[sflag:s5] =	ssyncset.done $0x0  }
0x202: {  	[sflag:s5] =	ssyncadd.s32 $0xFFFFFF80  }
0x203: {  	[spmem:s2] =	stream.indirect.scatter.add.f32 [tilespmem:s3], [sflag:$0x1], $0x80, s7, s8, $0xb8;
	[tilespmem:$0x5080] =	vst v63  }
0x204: {  	_ =	swait.ge [sflag:s5], $0x4000  }
0x205: {  	[sflag:s5] =	ssyncset.done $0x0  }
0x206: {  	s1 =	rddreg [dreg:$0x1d];
	[sflag:s5] =	ssyncadd.s32 $0xFFFFC000  }
0x207: {  	[tilespmem:s3], [sflag:$0x1] =	stream.linear.gather [hbm4b:s1+s3], $0x4000, $0x38;
	[tilespmem:$0x5080] =	vst v63  }
0x208: {  	_ =	swait.ge [sflag:s5], $0x4000  }
0x209: {  	[sflag:s5] =	ssyncset.done $0x0  }
0x20a: {  	s1 =	rddreg [dreg:$0x1e];
	[sflag:s5] =	ssyncadd.s32 $0xFFFFC000  }
0x20b: {  	[tilespmem:s7], [sflag:$0x1] =	stream.linear.gather [hbm4b:s1+s3], $0x80, $0x38;
	[tilespmem:$0x5080] =	vst v63  }
0x20c: {  	_ =	swait.ge [sflag:s5], $0x80  }
0x20d: {  	[sflag:s5] =	ssyncset.done $0x0  }
0x20e: {  	[sflag:s5] =	ssyncadd.s32 $0xFFFFFF80  }
0x20f: {  	[spmem:s2] =	stream.indirect.scatter.add.f32 [tilespmem:s3], [sflag:$0x1], $0x80, s7, s8, $0xb8;
	[tilespmem:$0x5080] =	vst v63  }
0x210: {  	_ =	swait.ge [sflag:s5], $0x4000  }
0x211: {  	[sflag:s5] =	ssyncset.done $0x0  }
0x212: {  	s1 =	rddreg [dreg:$0x1f];
	[sflag:s5] =	ssyncadd.s32 $0xFFFFC000  }
0x213: {  	[tilespmem:s3], [sflag:$0x1] =	stream.linear.gather [hbm4b:s1+s3], $0x4000, $0x38;
	[tilespmem:$0x5080] =	vst v63  }
0x214: {  	_ =	swait.ge [sflag:s5], $0x4000  }
0x215: {  	s1 =	sld [smem:$0x7F9]  }
0x216: {  	[sflag:s5] =	ssyncset.done $0x0  }
0x217: {  	[sflag:s5] =	ssyncadd.s32 $0xFFFFC000  }
0x218: {  	[tilespmem:s7], [sflag:$0x1] =	stream.linear.gather [hbm4b:s1+s3], $0x80, $0x38;
	[tilespmem:$0x5080] =	vst v63  }
0x219: {  	_ =	swait.ge [sflag:s5], $0x80  }
0x21a: {  	[sflag:s5] =	ssyncset.done $0x0  }
0x21b: {  	[sflag:s5] =	ssyncadd.s32 $0xFFFFFF80  }
0x21c: {  	[spmem:s2] =	stream.indirect.scatter.add.f32 [tilespmem:s3], [sflag:$0x1], $0x80, s7, s8, $0xb8;
	[tilespmem:$0x5080] =	vst v63  }
0x21d: {  	_ =	swait.ge [sflag:s5], $0x4000  }
0x21e: {  	s1 =	sld [smem:$0x7FA]  }
0x21f: {  	[sflag:s5] =	ssyncset.done $0x0  }
0x220: {  	[sflag:s5] =	ssyncadd.s32 $0xFFFFC000  }
0x221: {  	[tilespmem:s3], [sflag:$0x1] =	stream.linear.gather [hbm4b:s1+s3], $0x4000, $0x38;
	[tilespmem:$0x5080] =	vst v63  }
0x222: {  	_ =	swait.ge [sflag:s5], $0x4000  }
0x223: {  	[sflag:s5] =	ssyncset.done $0x0  }
0x224: {  	[sflag:s5] =	ssyncadd.s32 $0xFFFFC000  }
0x225: {  	[tilespmem:s7], [sflag:$0x1] =	stream.linear.gather [hbm4b:s9+s3], $0x80, $0x38;
	[tilespmem:$0x5080] =	vst v63  }
0x226: {  	_ =	swait.ge [sflag:s5], $0x80  }
0x227: {  	[sflag:s5] =	ssyncset.done $0x0  }
0x228: {  	[sflag:s5] =	ssyncadd.s32 $0xFFFFFF80  }
0x229: {  	[spmem:s2] =	stream.indirect.scatter.add.f32 [tilespmem:s3], [sflag:$0x1], $0x80, s7, s8, $0xb8;
	[tilespmem:$0x5080] =	vst v63  }
0x22a: {  	_ =	swait.ge [sflag:s5], $0x4000  }
0x22b: {  	[sflag:s5] =	ssyncset.done $0x0  }
0x22c: {  	[sflag:s5] =	ssyncadd.s32 $0xFFFFC000  }
0x22d: {  	[tilespmem:s3], [sflag:$0x1] =	stream.linear.gather [hbm4b:s10+s3], $0x4000, $0x38;
	[tilespmem:$0x5080] =	vst v63  }
0x22e: {  	_ =	swait.ge [sflag:s5], $0x4000  }
0x22f: {  	[sflag:s5] =	ssyncset.done $0x0  }
0x230: {  	[sflag:s5] =	ssyncadd.s32 $0xFFFFC000  }
0x231: {  	[tilespmem:s7], [sflag:$0x1] =	stream.linear.gather [hbm4b:s11+s3], $0x80, $0x38;
	[tilespmem:$0x5080] =	vst v63  }
0x232: {  	_ =	swait.ge [sflag:s5], $0x80  }
0x233: {  	[sflag:s5] =	ssyncset.done $0x0  }
0x234: {  	[sflag:s5] =	ssyncadd.s32 $0xFFFFFF80  }
0x235: {  	[spmem:s2] =	stream.indirect.scatter.add.f32 [tilespmem:s3], [sflag:$0x1], $0x80, s7, s8, $0xb8;
	[tilespmem:$0x5080] =	vst v63  }
0x236: {  	_ =	swait.ge [sflag:s5], $0x4000  }
0x237: {  	[sflag:s5] =	ssyncset.done $0x0  }
0x238: {  	[sflag:s5] =	ssyncadd.s32 $0xFFFFC000  }
0x239: {  	[tilespmem:s3], [sflag:$0x1] =	stream.linear.gather [hbm4b:s12+s3], $0x4000, $0x38;
	[tilespmem:$0x5080] =	vst v63  }
0x23a: {  	_ =	swait.ge [sflag:s5], $0x4000  }
0x23b: {  	[sflag:s5] =	ssyncset.done $0x0  }
0x23c: {  	[sflag:s5] =	ssyncadd.s32 $0xFFFFC000  }
0x23d: {  	[tilespmem:s7], [sflag:$0x1] =	stream.linear.gather [hbm4b:s13+s3], $0x80, $0x38;
	[tilespmem:$0x5080] =	vst v63  }
0x23e: {  	_ =	swait.ge [sflag:s5], $0x80  }
0x23f: {  	[sflag:s5] =	ssyncset.done $0x0  }
0x240: {  	[sflag:s5] =	ssyncadd.s32 $0xFFFFFF80  }
0x241: {  	[spmem:s2] =	stream.indirect.scatter.add.f32 [tilespmem:s3], [sflag:$0x1], $0x80, s7, s8, $0xb8;
	[tilespmem:$0x5080] =	vst v63  }
0x242: {  	_ =	swait.ge [sflag:s5], $0x4000  }
0x243: {  	[sflag:s5] =	ssyncset.done $0x0  }
0x244: {  	[sflag:s5] =	ssyncadd.s32 $0xFFFFC000  }
0x245: {  	[tilespmem:s3], [sflag:$0x1] =	stream.linear.gather [hbm4b:s14+s3], $0x4000, $0x38;
	[tilespmem:$0x5080] =	vst v63  }
0x246: {  	_ =	swait.ge [sflag:s5], $0x4000  }
0x247: {  	[sflag:s5] =	ssyncset.done $0x0  }
0x248: {  	[sflag:s5] =	ssyncadd.s32 $0xFFFFC000  }
0x249: {  	[tilespmem:s7], [sflag:$0x1] =	stream.linear.gather [hbm4b:s15+s3], $0x80, $0x38;
	[tilespmem:$0x5080] =	vst v63  }
0x24a: {  	_ =	swait.ge [sflag:s5], $0x80  }
0x24b: {  	[sflag:s5] =	ssyncset.done $0x0  }
0x24c: {  	[sflag:s5] =	ssyncadd.s32 $0xFFFFFF80  }
0x24d: {  	[spmem:s2] =	stream.indirect.scatter.add.f32 [tilespmem:s3], [sflag:$0x1], $0x80, s7, s8, $0xb8;
	[tilespmem:$0x5080] =	vst v63  }
0x24e: {  	_ =	swait.ge [sflag:s5], $0x4000  }
0x24f: {  	[sflag:s5] =	ssyncset.done $0x0  }
0x250: {  	[sflag:s5] =	ssyncadd.s32 $0xFFFFC000  }
0x251: {  	[tilespmem:s3], [sflag:$0x1] =	stream.linear.gather [hbm4b:s16+s3], $0x4000, $0x38;
	[tilespmem:$0x5080] =	vst v63  }
0x252: {  	_ =	swait.ge [sflag:s5], $0x4000  }
0x253: {  	[sflag:s5] =	ssyncset.done $0x0  }
0x254: {  	[sflag:s5] =	ssyncadd.s32 $0xFFFFC000  }
0x255: {  	[tilespmem:s7], [sflag:$0x1] =	stream.linear.gather [hbm4b:s17+s3], $0x80, $0x38;
	[tilespmem:$0x5080] =	vst v63  }
0x256: {  	_ =	swait.ge [sflag:s5], $0x80  }
0x257: {  	[sflag:s5] =	ssyncset.done $0x0  }
0x258: {  	[sflag:s5] =	ssyncadd.s32 $0xFFFFFF80  }
0x259: {  	[spmem:s2] =	stream.indirect.scatter.add.f32 [tilespmem:s3], [sflag:$0x1], $0x80, s7, s8, $0xb8;
	[tilespmem:$0x5080] =	vst v63  }
0x25a: {  	_ =	swait.ge [sflag:s5], $0x4000  }
0x25b: {  	[sflag:s5] =	ssyncset.done $0x0  }
0x25c: {  	[sflag:s5] =	ssyncadd.s32 $0xFFFFC000  }
0x25d: {  	[tilespmem:s3], [sflag:$0x1] =	stream.linear.gather [hbm4b:s18+s3], $0x4000, $0x38;
	[tilespmem:$0x5080] =	vst v63  }
0x25e: {  	_ =	swait.ge [sflag:s5], $0x4000  }
0x25f: {  	[sflag:s5] =	ssyncset.done $0x0  }
0x260: {  	[sflag:s5] =	ssyncadd.s32 $0xFFFFC000  }
0x261: {  	[tilespmem:s7], [sflag:$0x1] =	stream.linear.gather [hbm4b:s19+s3], $0x80, $0x38;
	[tilespmem:$0x5080] =	vst v63  }
0x262: {  	_ =	swait.ge [sflag:s5], $0x80  }
0x263: {  	[sflag:s5] =	ssyncset.done $0x0  }
0x264: {  	[sflag:s5] =	ssyncadd.s32 $0xFFFFFF80  }
0x265: {  	[spmem:s2] =	stream.indirect.scatter.add.f32 [tilespmem:s3], [sflag:$0x1], $0x80, s7, s8, $0xb8;
	[tilespmem:$0x5080] =	vst v63  }
0x266: {  	_ =	swait.ge [sflag:s5], $0x4000  }
0x267: {  	[sflag:s5] =	ssyncset.done $0x0  }
0x268: {  	[sflag:s5] =	ssyncadd.s32 $0xFFFFC000  }
0x269: {  	[tilespmem:s3], [sflag:$0x1] =	stream.linear.gather [hbm4b:s20+s3], $0x4000, $0x38;
	[tilespmem:$0x5080] =	vst v63  }
0x26a: {  	_ =	swait.ge [sflag:s5], $0x4000  }
0x26b: {  	[sflag:s5] =	ssyncset.done $0x0  }
0x26c: {  	[sflag:s5] =	ssyncadd.s32 $0xFFFFC000  }
0x26d: {  	[tilespmem:s7], [sflag:$0x1] =	stream.linear.gather [hbm4b:s21+s3], $0x80, $0x38;
	[tilespmem:$0x5080] =	vst v63  }
0x26e: {  	_ =	swait.ge [sflag:s5], $0x80  }
0x26f: {  	[sflag:s5] =	ssyncset.done $0x0  }
0x270: {  	[sflag:s5] =	ssyncadd.s32 $0xFFFFFF80  }
0x271: {  	[spmem:s2] =	stream.indirect.scatter.add.f32 [tilespmem:s3], [sflag:$0x1], $0x80, s7, s8, $0xb8;
	[tilespmem:$0x5080] =	vst v63  }
0x272: {  	_ =	swait.ge [sflag:s5], $0x4000  }
0x273: {  	[sflag:s5] =	ssyncset.done $0x0  }
0x274: {  	[sflag:s5] =	ssyncadd.s32 $0xFFFFC000  }
0x275: {  	[tilespmem:s3], [sflag:$0x1] =	stream.linear.gather [hbm4b:s22+s3], $0x4000, $0x38;
	[tilespmem:$0x5080] =	vst v63  }
0x276: {  	_ =	swait.ge [sflag:s5], $0x4000  }
0x277: {  	[sflag:s5] =	ssyncset.done $0x0  }
0x278: {  	[sflag:s5] =	ssyncadd.s32 $0xFFFFC000  }
0x279: {  	[tilespmem:s7], [sflag:$0x1] =	stream.linear.gather [hbm4b:s23+s3], $0x80, $0x38;
	[tilespmem:$0x5080] =	vst v63  }
0x27a: {  	_ =	swait.ge [sflag:s5], $0x80  }
0x27b: {  	[sflag:s5] =	ssyncset.done $0x0  }
0x27c: {  	[sflag:s5] =	ssyncadd.s32 $0xFFFFFF80  }
0x27d: {  	[spmem:s2] =	stream.indirect.scatter.add.f32 [tilespmem:s3], [sflag:$0x1], $0x80, s7, s8, $0xb8;
	[tilespmem:$0x5080] =	vst v63  }
0x27e: {  	_ =	swait.ge [sflag:s5], $0x4000  }
0x27f: {  	[sflag:s5] =	ssyncset.done $0x0  }
0x280: {  	[sflag:s5] =	ssyncadd.s32 $0xFFFFC000  }
0x281: {  	[tilespmem:s3], [sflag:$0x1] =	stream.linear.gather [hbm4b:s24+s3], $0x4000, $0x38;
	[tilespmem:$0x5080] =	vst v63  }
0x282: {  	_ =	swait.ge [sflag:s5], $0x4000  }
0x283: {  	[sflag:s5] =	ssyncset.done $0x0  }
0x284: {  	[sflag:s5] =	ssyncadd.s32 $0xFFFFC000  }
0x285: {  	[tilespmem:s7], [sflag:$0x1] =	stream.linear.gather [hbm4b:s25+s3], $0x80, $0x38;
	[tilespmem:$0x5080] =	vst v63  }
0x286: {  	_ =	swait.ge [sflag:s5], $0x80  }
0x287: {  	[sflag:s5] =	ssyncset.done $0x0  }
0x288: {  	[sflag:s5] =	ssyncadd.s32 $0xFFFFFF80  }
0x289: {  	[spmem:s2] =	stream.indirect.scatter.add.f32 [tilespmem:s3], [sflag:$0x1], $0x80, s7, s8, $0xb8;
	[tilespmem:$0x5080] =	vst v63  }
0x28a: {  	_ =	swait.ge [sflag:s5], $0x4000  }
0x28b: {  	[sflag:s5] =	ssyncset.done $0x0  }
0x28c: {  	[sflag:s5] =	ssyncadd.s32 $0xFFFFC000  }
0x28d: {  	[tilespmem:s3], [sflag:$0x1] =	stream.linear.gather [hbm4b:s26+s3], $0x4000, $0x38;
	[tilespmem:$0x5080] =	vst v63  }
0x28e: {  	_ =	swait.ge [sflag:s5], $0x4000  }
0x28f: {  	[sflag:s5] =	ssyncset.done $0x0  }
0x290: {  	[sflag:s5] =	ssyncadd.s32 $0xFFFFC000  }
0x291: {  	[tilespmem:s7], [sflag:$0x1] =	stream.linear.gather [hbm4b:s28+s3], $0x80, $0x38;
	[tilespmem:$0x5080] =	vst v63  }
0x292: {  	_ =	swait.ge [sflag:s5], $0x80  }
0x293: {  	[sflag:s5] =	ssyncset.done $0x0  }
0x294: {  	[sflag:s5] =	ssyncadd.s32 $0xFFFFFF80  }
0x295: {  	[spmem:s2] =	stream.indirect.scatter.add.f32 [tilespmem:s3], [sflag:$0x1], $0x80, s7, s8, $0xb8;
	[tilespmem:$0x5080] =	vst v63  }
0x296: {  	_ =	swait.ge [sflag:s5], $0x4000  }
0x297: {  	[sflag:s5] =	ssyncset.done $0x0  }
0x298: {  	[sflag:s5] =	ssyncadd.s32 $0xFFFFC000  }
0x299: {  	[tilespmem:s3], [sflag:$0x1] =	stream.linear.gather [hbm4b:s29+s3], $0x4000, $0x38;
	[tilespmem:$0x5080] =	vst v63  }
0x29a: {  	_ =	swait.ge [sflag:s5], $0x4000  }
0x29b: {  	[sflag:s5] =	ssyncset.done $0x0  }
0x29c: {  	[sflag:s5] =	ssyncadd.s32 $0xFFFFC000  }
0x29d: {  	[tilespmem:s7], [sflag:$0x1] =	stream.linear.gather [hbm4b:s30+s3], $0x80, $0x38;
	[tilespmem:$0x5080] =	vst v63  }
0x29e: {  	_ =	swait.ge [sflag:s5], $0x80  }
0x29f: {  	[sflag:s5] =	ssyncset.done $0x0  }
0x2a0: {  	[sflag:s5] =	ssyncadd.s32 $0xFFFFFF80  }
0x2a1: {  	[spmem:s2] =	stream.indirect.scatter.add.f32 [tilespmem:s3], [sflag:$0x1], $0x80, s7, s8, $0xb8;
	[tilespmem:$0x5080] =	vst v63  }
0x2a2: {  	p0 =	sne.s32 s0, $0x1;
	_ =	swait.ge [sflag:s5], $0x4000  }
.Ltmp1:
0x2a3: {  	[sflag:s5] =	ssyncset.done $0x0;
	(pc) =	sbr.rel @p0 .LBB2_1-.Ltmp1, $4  }
0x2a4: {  	[sflag:s5] =	ssyncadd.s32 $0xFFFFC000  }
0x2a5: {  	[bflag:$0x0] =	sbarrier.arrive $0xFFFF  }
0x2a6: {  	[hbm:s31], [sflag:s4] =	dma.local [spmem:s6], $0x200  }
0x2a7: {  	s0 =	sadd.s32 $0xFFFFFFFF, s0;
	_ =	swait.ge [sflag:s5], $0x200  }
.LBB2_2:
0x2a8: {  	[sflag:s5] =	ssyncset.done $0x0  }
0x2a9: {  	[sflag:s5] =	ssyncadd.s32 $0xFFFFFE00  }
0x2aa: {  	_ =	sfence.sel $0x180000  }
0x2ab: {  	[bflag:$0x0] =	sbarrier.arrive $0xFFFF  }
0x2ac: {  	_ =	strace $0x90000047  }
0x2ad: {  	s0 =	stileid.u32;
	[bflag:$0x2] =	sbarrier.arrive $0xFFFF  }
0x2ae: {  	p0 =	sne.s32 s0, $0x0;
	s0 =	rddreg [dreg:$0x3]  }
0x2af: {  	s0 =	sadd.s32 @!p0 $0x100000, s0  }
0x2b0: {  	[sflag:s0] =	ssyncadd.tile.s32 @!p0 $0x1;
	_ =	shalt  }
.Lfunc_end2:
_tile_overlayer_lowered:
.L_overlay_start_2:
0x2b1: {  	(tag) =	ssettag $0x2  }
0x2b2: {  	s0 =	rddreg [dreg:$0x0];
	s2 =	stileid.u32  }
0x2b3: {  	s1 =	rddreg [dreg:$0x1];
	p0 =	sne.s32 s2, $0x0  }
0x2b4: {  	s3 =	rddreg [dreg:$0x2];
	[bflag:$0x3] =	sbarrier.arrive $0xFFFF;
	s2 =	simm.s32 @!p0 $0x1C01  }
0x2b5: {  	[timem:s3], [sflag:s2] =	dma.local @!p0 [hbm:s0], s1  }
0x2b6: {  	s0 =	simm.s32 @!p0 $0x1  }
0x2b7: {  	_ =	swait.ge @!p0 [sflag:s0], s1  }
0x2b8: {  	s1 =	ssub.s32 @!p0 $0x0, s1;
	[sflag:s0] =	ssyncset.done @!p0 $0x0  }
0x2b9: {  	[sflag:s0] =	ssyncadd.s32 @!p0 s1  }
0x2ba: {  	[bflag:$0x3] =	sbarrier.arrive $0xFFFF  }
0x2bb: {  	_ =	shalt  }

</sc_bundles>
